<compile_context>
chip_gen: v7x
topology: tpu7x:2x2x1
jax: 0.10.2.dev20260603
libtpu: 0.0.44.dev20260713+nightly
codegen_flags: <defaults>
</compile_context>

<pallas_src>
import functools

import jax
import jax.numpy as jnp
from jax import lax
from jax.experimental import pallas as pl
from jax.experimental.pallas import tpu as pltpu
from jax.experimental.pallas import tpu_sc as plsc

NUM_E = 100000
NUM_R = 1000
DIM = 128
BATCH = 16384

L = 16
NW = 32
B_PER_W = BATCH // NW
CHUNK = 128
NCHUNK = B_PER_W // CHUNK

_C1 = -0.31753146
_C2 = 0.0798171


def _rsqrt(x):
    i = plsc.bitcast(x, jnp.int32)
    i = jnp.int32(0x5F3759DF) - (i >> 1)
    y = plsc.bitcast(i, jnp.float32)
    for _ in range(2):
        y = y * (1.5 - 0.5 * x * y * y)
    return y




def _body(src_hbm, pred_hbm, tail_hbm, ev_hbm, er_hbm, out_hbm,
          idx_s, idx_p, idx_t, s0, t0, r0, s1, t1, r1, out_buf,
          sem0, sem1):
    wid = lax.axis_index("s") * 2 + lax.axis_index("c")
    base = wid * B_PER_W

    isl = pl.ds(base, B_PER_W)
    cp_is = pltpu.make_async_copy(src_hbm.at[isl], idx_s, sem0)
    cp_ip = pltpu.make_async_copy(pred_hbm.at[isl], idx_p, sem0)
    cp_it = pltpu.make_async_copy(tail_hbm.at[isl], idx_t, sem0)
    cp_is.start()
    cp_ip.start()
    cp_it.start()
    cp_is.wait()
    cp_ip.wait()
    cp_it.wait()

    bufs = ((s0, t0, r0, sem0), (s1, t1, r1, sem1))

    def fire(c):
        sb, tb, rb, sem = bufs[c % 2]
        sl = pl.ds(c * CHUNK, CHUNK)
        cps = (
            pltpu.make_async_copy(ev_hbm.at[idx_s.at[sl]], sb, sem),
            pltpu.make_async_copy(ev_hbm.at[idx_t.at[sl]], tb, sem),
            pltpu.make_async_copy(er_hbm.at[idx_p.at[sl]], rb, sem),
        )
        for cp in cps:
            cp.start()
        return cps

    lane = jnp.arange(L, dtype=jnp.int32)
    zero = jnp.zeros((L,), jnp.float32)

    pend = fire(0)
    for c in range(NCHUNK):
        for cp in pend:
            cp.wait()
        s_buf, t_buf, r_buf, _ = bufs[c % 2]
        if c + 1 < NCHUNK:
            pend = fire(c + 1)

        def grp(g, _, s_buf=s_buf, t_buf=t_buf, r_buf=r_buf, c=c):
            rows = g * L + lane

            def pass1(d0, carry):
                ssa, sta = carry
                cb = (d0 + lane) & (L - 1)
                for m in range(DIM // L):
                    col = cb + (L * m)
                    s = plsc.load_gather(s_buf, [rows, col])
                    t = plsc.load_gather(t_buf, [rows, col])
                    ssa = ssa + s * s
                    sta = sta + t * t
                return ssa, sta

            ss_s, ss_t = lax.fori_loop(0, L, pass1, (zero, zero))

            ist = _rsqrt(ss_s * ss_t)
            i2 = ist * ist
            a_s = i2 * ss_t
            a_t = i2 * ss_s
            c1s = _C1 * a_s
            c2s = _C2 * (a_s * a_s)
            c1t = _C1 * a_t
            c2t = _C2 * (a_t * a_t)
            pk = lambda a, b: plsc.pack(a, b, format=plsc.PackFormat.INTERLEAVED)
            c1sp = pk(c1s, c1s)
            c2sp = pk(c2s, c2s)
            c1tp = pk(c1t, c1t)
            c2tp = pk(c2t, c2t)

            def pass2(d0, acc):
                cb = (d0 + lane) & (L - 1)
                for m in range(0, DIM // L, 2):
                    col_a = cb + (L * m)
                    col_b = cb + (L * (m + 1))
                    sa = plsc.load_gather(s_buf, [rows, col_a])
                    sb = plsc.load_gather(s_buf, [rows, col_b])
                    ta = plsc.load_gather(t_buf, [rows, col_a])
                    tb = plsc.load_gather(t_buf, [rows, col_b])
                    ra = plsc.load_gather(r_buf, [rows, col_a])
                    rb = plsc.load_gather(r_buf, [rows, col_b])
                    sp = pk(sa, sb)
                    tp = pk(ta, tb)
                    rp = pk(ra, rb)
                    ws = sp * sp
                    wt = tp * tp
                    hs = (c2sp * ws + c1sp) * ws + 1.0
                    ht = (c2tp * wt + c1tp) * wt + 1.0
                    p = (sp * tp) * (hs * ht) * rp
                    pa, pb = plsc.unpack(p, format=plsc.PackFormat.INTERLEAVED)
                    acc = acc + pa + pb
                return acc

            acc = lax.fori_loop(0, L, pass2, zero)
            out_buf[pl.ds(c * CHUNK + g * L, L)] = acc * ist
            return 0

        lax.fori_loop(0, CHUNK // L, grp, 0)

    pltpu.sync_copy(out_buf, out_hbm.at[pl.ds(base, B_PER_W)])


@functools.partial(
    pl.kernel,
    mesh=plsc.VectorSubcoreMesh(core_axis_name="c", subcore_axis_name="s"),
    out_type=jax.ShapeDtypeStruct((BATCH,), jnp.float32),
    compiler_params=pltpu.CompilerParams(needs_layout_passes=False),
    scratch_types=[
        pltpu.VMEM((B_PER_W,), jnp.int32),
        pltpu.VMEM((B_PER_W,), jnp.int32),
        pltpu.VMEM((B_PER_W,), jnp.int32),
        pltpu.VMEM((CHUNK, DIM), jnp.float32),
        pltpu.VMEM((CHUNK, DIM), jnp.float32),
        pltpu.VMEM((CHUNK, DIM), jnp.float32),
        pltpu.VMEM((CHUNK, DIM), jnp.float32),
        pltpu.VMEM((CHUNK, DIM), jnp.float32),
        pltpu.VMEM((CHUNK, DIM), jnp.float32),
        pltpu.VMEM((B_PER_W,), jnp.float32),
        pltpu.SemaphoreType.DMA,
        pltpu.SemaphoreType.DMA,
    ],
)
def _distmult_sc(src, pred, tail, ev, er, out, *scratch):
    _body(src, pred, tail, ev, er, out, *scratch)


@jax.jit
def kernel(src, pred, tail, E_v, E_r):
    out = _distmult_sc(
        src.astype(jnp.int32),
        pred.astype(jnp.int32),
        tail.astype(jnp.int32),
        E_v,
        E_r,
    )
    return out.reshape(BATCH, 1)

# --- scband reference (transcript-rebuilt; emitter-appended) ---
"""Pipeline reference for scband-dist-mult-67001489817850 (READ-ONLY COPY).

The authoritative reference and input builder live on the scoring server;
editing this copy changes nothing except your own understanding.
"""

import jax, jax.numpy as jnp
import numpy as np
import math

NUM_E = 100000
NUM_R = 1000
DIM = 128
BATCH = 16384

def setup_inputs(seed: int = 0) -> dict:
    key = jax.random.key(seed)
    k1, k2, k3, k4, k5 = jax.random.split(key, 5)
    bound = 6.0 / math.sqrt(DIM)
    E_v = jax.random.uniform(k1, (NUM_E, DIM), dtype=jnp.float32, minval=-bound, maxval=bound)
    E_r = jax.random.uniform(k2, (NUM_R, DIM), dtype=jnp.float32, minval=-bound, maxval=bound)
    src = jax.random.randint(k3, (BATCH,), 0, NUM_E, dtype=jnp.int64 if jax.config.jax_enable_x64 else jnp.int32)
    pred = jax.random.randint(k4, (BATCH,), 0, NUM_R, dtype=jnp.int64 if jax.config.jax_enable_x64 else jnp.int32)
    tail = jax.random.randint(k5, (BATCH,), 0, NUM_E, dtype=jnp.int64 if jax.config.jax_enable_x64 else jnp.int32)
    return {"src": src, "pred": pred, "tail": tail, "E_v": E_v, "E_r": E_r}

def reference(src, pred, tail, E_v, E_r):
    S = jnp.take(E_v, src, axis=0)
    S_norm = jnp.tanh(S / jnp.linalg.norm(S, ord=2, axis=1, keepdims=True))
    R = jnp.take(E_r, pred, axis=0)
    T = jnp.take(E_v, tail, axis=0)
    T_norm = jnp.tanh(T / jnp.linalg.norm(T, ord=2, axis=1, keepdims=True))
    return jnp.sum(S_norm * T_norm * R, axis=1, keepdims=True)

if __name__ == "__main__":
    import jax
    _d = setup_inputs()
    print(jax.jit(kernel)(*tuple(_d.values())))

</pallas_src>

<mosaic_0001>
#map = affine_map<(d0, d1) -> (0)>
#map1 = affine_map<(d0, d1) -> (0, 0)>
module attributes {stable_mosaic.version = 14 : i64} {
  func.func @_distmult_sc(%arg0: i32, %arg1: i32, %arg2: memref<16384xi32, #tpu.memory_space<hbm>>, %arg3: memref<16384xi32, #tpu.memory_space<hbm>>, %arg4: memref<16384xi32, #tpu.memory_space<hbm>>, %arg5: memref<100000x128xf32, #tpu.memory_space<hbm>>, %arg6: memref<1000x128xf32, #tpu.memory_space<hbm>>, %arg7: memref<16384xf32, #tpu.memory_space<hbm>>, %arg8: memref<512xi32, #tpu.memory_space<vmem>>, %arg9: memref<512xi32, #tpu.memory_space<vmem>>, %arg10: memref<512xi32, #tpu.memory_space<vmem>>, %arg11: memref<128x128xf32, #tpu.memory_space<vmem>>, %arg12: memref<128x128xf32, #tpu.memory_space<vmem>>, %arg13: memref<128x128xf32, #tpu.memory_space<vmem>>, %arg14: memref<128x128xf32, #tpu.memory_space<vmem>>, %arg15: memref<128x128xf32, #tpu.memory_space<vmem>>, %arg16: memref<128x128xf32, #tpu.memory_space<vmem>>, %arg17: memref<512xf32, #tpu.memory_space<vmem>>, %arg18: memref<!tpu.dma_semaphore, #tpu.memory_space<semaphore_mem>>, %arg19: memref<!tpu.dma_semaphore, #tpu.memory_space<semaphore_mem>>) attributes {dimension_semantics = [#tpu.dimension_semantics<core_parallel>, #tpu.dimension_semantics<subcore_parallel>], iteration_bounds = array<i64: 2, 16>, scalar_prefetch = 0 : i64, scratch_operands = 12 : i64, tpu.core_type = #tpu.core_type<sc_vector_subcore>, window_params = [{transform_indices = #map}, {transform_indices = #map}, {transform_indices = #map}, {transform_indices = #map1}, {transform_indices = #map1}, {transform_indices = #map}]} {
    %mul3A = arith.constant 2 : i32
    %mul3A_0 = arith.muli %arg1, %mul3A : i32
    %add3A = arith.addi %mul3A_0, %arg0 : i32
    %mul3A_1 = arith.constant 512 : i32
    %mul3A_2 = arith.muli %add3A, %mul3A_1 : i32
    %dma_start3A = tpu.memref_slice %arg2[%mul3A_2] : memref<16384xi32, #tpu.memory_space<hbm>> -> memref<512xi32, #tpu.memory_space<hbm>>
    %dma_start3A_3 = tpu.memref_slice %arg2[%mul3A_2] : memref<16384xi32, #tpu.memory_space<hbm>> -> memref<512xi32, #tpu.memory_space<hbm>>
    tpu.enqueue_dma source(%dma_start3A_3 : memref<512xi32, #tpu.memory_space<hbm>>) target(%arg8 : memref<512xi32, #tpu.memory_space<vmem>>) target_semaphore(%arg18 : memref<!tpu.dma_semaphore, #tpu.memory_space<semaphore_mem>>)
    %dma_start3A_4 = tpu.memref_slice %arg3[%mul3A_2] : memref<16384xi32, #tpu.memory_space<hbm>> -> memref<512xi32, #tpu.memory_space<hbm>>
    %dma_start3A_5 = tpu.memref_slice %arg3[%mul3A_2] : memref<16384xi32, #tpu.memory_space<hbm>> -> memref<512xi32, #tpu.memory_space<hbm>>
    tpu.enqueue_dma source(%dma_start3A_5 : memref<512xi32, #tpu.memory_space<hbm>>) target(%arg9 : memref<512xi32, #tpu.memory_space<vmem>>) target_semaphore(%arg18 : memref<!tpu.dma_semaphore, #tpu.memory_space<semaphore_mem>>)
    %dma_start3A_6 = tpu.memref_slice %arg4[%mul3A_2] : memref<16384xi32, #tpu.memory_space<hbm>> -> memref<512xi32, #tpu.memory_space<hbm>>
    %dma_start3A_7 = tpu.memref_slice %arg4[%mul3A_2] : memref<16384xi32, #tpu.memory_space<hbm>> -> memref<512xi32, #tpu.memory_space<hbm>>
    tpu.enqueue_dma source(%dma_start3A_7 : memref<512xi32, #tpu.memory_space<hbm>>) target(%arg10 : memref<512xi32, #tpu.memory_space<vmem>>) target_semaphore(%arg18 : memref<!tpu.dma_semaphore, #tpu.memory_space<semaphore_mem>>)
    %dma_wait3A = tpu.memref_slice %arg2[%mul3A_2] : memref<16384xi32, #tpu.memory_space<hbm>> -> memref<512xi32, #tpu.memory_space<hbm>>
    %dma_wait3A_8 = tpu.memref_slice %arg2[%mul3A_2] : memref<16384xi32, #tpu.memory_space<hbm>> -> memref<512xi32, #tpu.memory_space<hbm>>
    tpu.wait_dma2 semaphore(%arg18 : memref<!tpu.dma_semaphore, #tpu.memory_space<semaphore_mem>>) src(%dma_wait3A_8 : memref<512xi32, #tpu.memory_space<hbm>>) dst(%arg8 : memref<512xi32, #tpu.memory_space<vmem>>)
    %dma_wait3A_9 = tpu.memref_slice %arg3[%mul3A_2] : memref<16384xi32, #tpu.memory_space<hbm>> -> memref<512xi32, #tpu.memory_space<hbm>>
    %dma_wait3A_10 = tpu.memref_slice %arg3[%mul3A_2] : memref<16384xi32, #tpu.memory_space<hbm>> -> memref<512xi32, #tpu.memory_space<hbm>>
    tpu.wait_dma2 semaphore(%arg18 : memref<!tpu.dma_semaphore, #tpu.memory_space<semaphore_mem>>) src(%dma_wait3A_10 : memref<512xi32, #tpu.memory_space<hbm>>) dst(%arg9 : memref<512xi32, #tpu.memory_space<vmem>>)
    %dma_wait3A_11 = tpu.memref_slice %arg4[%mul3A_2] : memref<16384xi32, #tpu.memory_space<hbm>> -> memref<512xi32, #tpu.memory_space<hbm>>
    %dma_wait3A_12 = tpu.memref_slice %arg4[%mul3A_2] : memref<16384xi32, #tpu.memory_space<hbm>> -> memref<512xi32, #tpu.memory_space<hbm>>
    tpu.wait_dma2 semaphore(%arg18 : memref<!tpu.dma_semaphore, #tpu.memory_space<semaphore_mem>>) src(%dma_wait3A_12 : memref<512xi32, #tpu.memory_space<hbm>>) dst(%arg10 : memref<512xi32, #tpu.memory_space<vmem>>)
    %iota3A = tpu.iota {dimensions = array<i32: 0>} : vector<16xi32>
    %broadcast_in_dim3A = arith.constant 0.000000e+00 : f32
    %broadcast_in_dim3A_13 = vector.broadcast %broadcast_in_dim3A : f32 to vector<16xf32>
    %dma_start3A_14 = arith.constant 0 : i32
    %dma_start3A_15 = tpu.memref_slice %arg8[%dma_start3A_14] : memref<512xi32, #tpu.memory_space<vmem>> -> memref<128xi32, #tpu.memory_space<vmem>>
    %dma_start3A_16 = arith.constant 0 : i32
    %dma_start3A_17 = arith.constant 0 : i32
    %dma_start3A_18 = tpu.memref_slice %arg5[%dma_start3A_16, %dma_start3A_17] : memref<100000x128xf32, #tpu.memory_space<hbm>> -> memref<100000x128xf32, #tpu.memory_space<hbm>>
    tpu.enqueue_indirect_dma source(%dma_start3A_18 : memref<100000x128xf32, #tpu.memory_space<hbm>>) target(%arg11 : memref<128x128xf32, #tpu.memory_space<vmem>>) offsets(%dma_start3A_15 : memref<128xi32, #tpu.memory_space<vmem>>) semaphore(%arg18 : memref<!tpu.dma_semaphore, #tpu.memory_space<semaphore_mem>>)
    %dma_start3A_19 = arith.constant 0 : i32
    %dma_start3A_20 = tpu.memref_slice %arg10[%dma_start3A_19] : memref<512xi32, #tpu.memory_space<vmem>> -> memref<128xi32, #tpu.memory_space<vmem>>
    %dma_start3A_21 = arith.constant 0 : i32
    %dma_start3A_22 = arith.constant 0 : i32
    %dma_start3A_23 = tpu.memref_slice %arg5[%dma_start3A_21, %dma_start3A_22] : memref<100000x128xf32, #tpu.memory_space<hbm>> -> memref<100000x128xf32, #tpu.memory_space<hbm>>
    tpu.enqueue_indirect_dma source(%dma_start3A_23 : memref<100000x128xf32, #tpu.memory_space<hbm>>) target(%arg12 : memref<128x128xf32, #tpu.memory_space<vmem>>) offsets(%dma_start3A_20 : memref<128xi32, #tpu.memory_space<vmem>>) semaphore(%arg18 : memref<!tpu.dma_semaphore, #tpu.memory_space<semaphore_mem>>)
    %dma_start3A_24 = arith.constant 0 : i32
    %dma_start3A_25 = tpu.memref_slice %arg9[%dma_start3A_24] : memref<512xi32, #tpu.memory_space<vmem>> -> memref<128xi32, #tpu.memory_space<vmem>>
    %dma_start3A_26 = arith.constant 0 : i32
    %dma_start3A_27 = arith.constant 0 : i32
    %dma_start3A_28 = tpu.memref_slice %arg6[%dma_start3A_26, %dma_start3A_27] : memref<1000x128xf32, #tpu.memory_space<hbm>> -> memref<1000x128xf32, #tpu.memory_space<hbm>>
    tpu.enqueue_indirect_dma source(%dma_start3A_28 : memref<1000x128xf32, #tpu.memory_space<hbm>>) target(%arg13 : memref<128x128xf32, #tpu.memory_space<vmem>>) offsets(%dma_start3A_25 : memref<128xi32, #tpu.memory_space<vmem>>) semaphore(%arg18 : memref<!tpu.dma_semaphore, #tpu.memory_space<semaphore_mem>>)
    %dma_wait3A_29 = arith.constant 0 : i32
    %dma_wait3A_30 = tpu.memref_slice %arg8[%dma_wait3A_29] : memref<512xi32, #tpu.memory_space<vmem>> -> memref<128xi32, #tpu.memory_space<vmem>>
    %dma_wait3A_31 = arith.constant 0 : i32
    %dma_wait3A_32 = arith.constant 0 : i32
    %dma_wait3A_33 = tpu.memref_slice %arg5[%dma_wait3A_31, %dma_wait3A_32] : memref<100000x128xf32, #tpu.memory_space<hbm>> -> memref<100000x128xf32, #tpu.memory_space<hbm>>
    tpu.wait_indirect_dma semaphore(%arg18 : memref<!tpu.dma_semaphore, #tpu.memory_space<semaphore_mem>>) src(%dma_wait3A_33 : memref<100000x128xf32, #tpu.memory_space<hbm>>) dst(%arg11 : memref<128x128xf32, #tpu.memory_space<vmem>>)
    %dma_wait3A_34 = arith.constant 0 : i32
    %dma_wait3A_35 = tpu.memref_slice %arg10[%dma_wait3A_34] : memref<512xi32, #tpu.memory_space<vmem>> -> memref<128xi32, #tpu.memory_space<vmem>>
    %dma_wait3A_36 = arith.constant 0 : i32
    %dma_wait3A_37 = arith.constant 0 : i32
    %dma_wait3A_38 = tpu.memref_slice %arg5[%dma_wait3A_36, %dma_wait3A_37] : memref<100000x128xf32, #tpu.memory_space<hbm>> -> memref<100000x128xf32, #tpu.memory_space<hbm>>
    tpu.wait_indirect_dma semaphore(%arg18 : memref<!tpu.dma_semaphore, #tpu.memory_space<semaphore_mem>>) src(%dma_wait3A_38 : memref<100000x128xf32, #tpu.memory_space<hbm>>) dst(%arg12 : memref<128x128xf32, #tpu.memory_space<vmem>>)
    %dma_wait3A_39 = arith.constant 0 : i32
    %dma_wait3A_40 = tpu.memref_slice %arg9[%dma_wait3A_39] : memref<512xi32, #tpu.memory_space<vmem>> -> memref<128xi32, #tpu.memory_space<vmem>>
    %dma_wait3A_41 = arith.constant 0 : i32
    %dma_wait3A_42 = arith.constant 0 : i32
    %dma_wait3A_43 = tpu.memref_slice %arg6[%dma_wait3A_41, %dma_wait3A_42] : memref<1000x128xf32, #tpu.memory_space<hbm>> -> memref<1000x128xf32, #tpu.memory_space<hbm>>
    tpu.wait_indirect_dma semaphore(%arg18 : memref<!tpu.dma_semaphore, #tpu.memory_space<semaphore_mem>>) src(%dma_wait3A_43 : memref<1000x128xf32, #tpu.memory_space<hbm>>) dst(%arg13 : memref<128x128xf32, #tpu.memory_space<vmem>>)
    %dma_start3A_44 = arith.constant 128 : i32
    %dma_start3A_45 = tpu.memref_slice %arg8[%dma_start3A_44] : memref<512xi32, #tpu.memory_space<vmem>> -> memref<128xi32, #tpu.memory_space<vmem>>
    %dma_start3A_46 = arith.constant 0 : i32
    %dma_start3A_47 = arith.constant 0 : i32
    %dma_start3A_48 = tpu.memref_slice %arg5[%dma_start3A_46, %dma_start3A_47] : memref<100000x128xf32, #tpu.memory_space<hbm>> -> memref<100000x128xf32, #tpu.memory_space<hbm>>
    tpu.enqueue_indirect_dma source(%dma_start3A_48 : memref<100000x128xf32, #tpu.memory_space<hbm>>) target(%arg14 : memref<128x128xf32, #tpu.memory_space<vmem>>) offsets(%dma_start3A_45 : memref<128xi32, #tpu.memory_space<vmem>>) semaphore(%arg19 : memref<!tpu.dma_semaphore, #tpu.memory_space<semaphore_mem>>)
    %dma_start3A_49 = arith.constant 128 : i32
    %dma_start3A_50 = tpu.memref_slice %arg10[%dma_start3A_49] : memref<512xi32, #tpu.memory_space<vmem>> -> memref<128xi32, #tpu.memory_space<vmem>>
    %dma_start3A_51 = arith.constant 0 : i32
    %dma_start3A_52 = arith.constant 0 : i32
    %dma_start3A_53 = tpu.memref_slice %arg5[%dma_start3A_51, %dma_start3A_52] : memref<100000x128xf32, #tpu.memory_space<hbm>> -> memref<100000x128xf32, #tpu.memory_space<hbm>>
    tpu.enqueue_indirect_dma source(%dma_start3A_53 : memref<100000x128xf32, #tpu.memory_space<hbm>>) target(%arg15 : memref<128x128xf32, #tpu.memory_space<vmem>>) offsets(%dma_start3A_50 : memref<128xi32, #tpu.memory_space<vmem>>) semaphore(%arg19 : memref<!tpu.dma_semaphore, #tpu.memory_space<semaphore_mem>>)
    %dma_start3A_54 = arith.constant 128 : i32
    %dma_start3A_55 = tpu.memref_slice %arg9[%dma_start3A_54] : memref<512xi32, #tpu.memory_space<vmem>> -> memref<128xi32, #tpu.memory_space<vmem>>
    %dma_start3A_56 = arith.constant 0 : i32
    %dma_start3A_57 = arith.constant 0 : i32
    %dma_start3A_58 = tpu.memref_slice %arg6[%dma_start3A_56, %dma_start3A_57] : memref<1000x128xf32, #tpu.memory_space<hbm>> -> memref<1000x128xf32, #tpu.memory_space<hbm>>
    tpu.enqueue_indirect_dma source(%dma_start3A_58 : memref<1000x128xf32, #tpu.memory_space<hbm>>) target(%arg16 : memref<128x128xf32, #tpu.memory_space<vmem>>) offsets(%dma_start3A_55 : memref<128xi32, #tpu.memory_space<vmem>>) semaphore(%arg19 : memref<!tpu.dma_semaphore, #tpu.memory_space<semaphore_mem>>)
    %scan3A = arith.constant 0 : i32
    %scan3A_59 = arith.constant 0 : i32
    %scan3A_60 = arith.constant 8 : i32
    %scan3A_61 = arith.addi %scan3A_59, %scan3A_60 : i32
    %scan3A_62 = arith.constant 1 : i32
    %scan3A_63 = scf.for %scan3A_161 = %scan3A_59 to %scan3A_61 step %scan3A_62 iter_args(%scan3A_162 = %scan3A) -> (i32)  : i32 {
      %mul3A_163 = arith.constant 16 : i32
      %mul3A_164 = arith.muli %scan3A_161, %mul3A_163 : i32
      %add3A_165 = vector.broadcast %mul3A_164 : i32 to vector<16xi32>
      %add3A_166 = arith.addi %add3A_165, %iota3A : vector<16xi32>
      %scan3A_167 = arith.constant 0 : i32
      %scan3A_168 = arith.constant 16 : i32
      %scan3A_169 = arith.addi %scan3A_167, %scan3A_168 : i32
      %scan3A_170 = arith.constant 1 : i32
      %scan3A_171:2 = scf.for %scan3A_230 = %scan3A_167 to %scan3A_169 step %scan3A_170 iter_args(%scan3A_231 = %broadcast_in_dim3A_13, %scan3A_232 = %broadcast_in_dim3A_13) -> (vector<16xf32>, vector<16xf32>)  : i32 {
        %add3A_233 = vector.broadcast %scan3A_230 : i32 to vector<16xi32>
        %add3A_234 = arith.addi %add3A_233, %iota3A : vector<16xi32>
        %and3A = arith.constant 15 : i32
        %and3A_235 = vector.broadcast %and3A : i32 to vector<16xi32>
        %and3A_236 = arith.andi %add3A_234, %and3A_235 : vector<16xi32>
        %add3A_237 = arith.constant 0 : i32
        %add3A_238 = vector.broadcast %add3A_237 : i32 to vector<16xi32>
        %add3A_239 = arith.addi %and3A_236, %add3A_238 : vector<16xi32>
        %gather3A = tpu.vector_load_idx %arg11[%add3A_166, %add3A_239] : memref<128x128xf32, #tpu.memory_space<vmem>>[vector<16xi32>, vector<16xi32>], vector<16xf32>,
        %gather3A_240 = tpu.vector_load_idx %arg12[%add3A_166, %add3A_239] : memref<128x128xf32, #tpu.memory_space<vmem>>[vector<16xi32>, vector<16xi32>], vector<16xf32>,
        %mul3A_241 = arith.mulf %gather3A, %gather3A : vector<16xf32>
        %add3A_242 = arith.addf %scan3A_231, %mul3A_241 : vector<16xf32>
        %mul3A_243 = arith.mulf %gather3A_240, %gather3A_240 : vector<16xf32>
        %add3A_244 = arith.addf %scan3A_232, %mul3A_243 : vector<16xf32>
        %add3A_245 = arith.constant 16 : i32
        %add3A_246 = vector.broadcast %add3A_245 : i32 to vector<16xi32>
        %add3A_247 = arith.addi %and3A_236, %add3A_246 : vector<16xi32>
        %gather3A_248 = tpu.vector_load_idx %arg11[%add3A_166, %add3A_247] : memref<128x128xf32, #tpu.memory_space<vmem>>[vector<16xi32>, vector<16xi32>], vector<16xf32>,
        %gather3A_249 = tpu.vector_load_idx %arg12[%add3A_166, %add3A_247] : memref<128x128xf32, #tpu.memory_space<vmem>>[vector<16xi32>, vector<16xi32>], vector<16xf32>,
        %mul3A_250 = arith.mulf %gather3A_248, %gather3A_248 : vector<16xf32>
        %add3A_251 = arith.addf %add3A_242, %mul3A_250 : vector<16xf32>
        %mul3A_252 = arith.mulf %gather3A_249, %gather3A_249 : vector<16xf32>
        %add3A_253 = arith.addf %add3A_244, %mul3A_252 : vector<16xf32>
        %add3A_254 = arith.constant 32 : i32
        %add3A_255 = vector.broadcast %add3A_254 : i32 to vector<16xi32>
        %add3A_256 = arith.addi %and3A_236, %add3A_255 : vector<16xi32>
        %gather3A_257 = tpu.vector_load_idx %arg11[%add3A_166, %add3A_256] : memref<128x128xf32, #tpu.memory_space<vmem>>[vector<16xi32>, vector<16xi32>], vector<16xf32>,
        %gather3A_258 = tpu.vector_load_idx %arg12[%add3A_166, %add3A_256] : memref<128x128xf32, #tpu.memory_space<vmem>>[vector<16xi32>, vector<16xi32>], vector<16xf32>,
        %mul3A_259 = arith.mulf %gather3A_257, %gather3A_257 : vector<16xf32>
        %add3A_260 = arith.addf %add3A_251, %mul3A_259 : vector<16xf32>
        %mul3A_261 = arith.mulf %gather3A_258, %gather3A_258 : vector<16xf32>
        %add3A_262 = arith.addf %add3A_253, %mul3A_261 : vector<16xf32>
        %add3A_263 = arith.constant 48 : i32
        %add3A_264 = vector.broadcast %add3A_263 : i32 to vector<16xi32>
        %add3A_265 = arith.addi %and3A_236, %add3A_264 : vector<16xi32>
        %gather3A_266 = tpu.vector_load_idx %arg11[%add3A_166, %add3A_265] : memref<128x128xf32, #tpu.memory_space<vmem>>[vector<16xi32>, vector<16xi32>], vector<16xf32>,
        %gather3A_267 = tpu.vector_load_idx %arg12[%add3A_166, %add3A_265] : memref<128x128xf32, #tpu.memory_space<vmem>>[vector<16xi32>, vector<16xi32>], vector<16xf32>,
        %mul3A_268 = arith.mulf %gather3A_266, %gather3A_266 : vector<16xf32>
        %add3A_269 = arith.addf %add3A_260, %mul3A_268 : vector<16xf32>
        %mul3A_270 = arith.mulf %gather3A_267, %gather3A_267 : vector<16xf32>
        %add3A_271 = arith.addf %add3A_262, %mul3A_270 : vector<16xf32>
        %add3A_272 = arith.constant 64 : i32
        %add3A_273 = vector.broadcast %add3A_272 : i32 to vector<16xi32>
        %add3A_274 = arith.addi %and3A_236, %add3A_273 : vector<16xi32>
        %gather3A_275 = tpu.vector_load_idx %arg11[%add3A_166, %add3A_274] : memref<128x128xf32, #tpu.memory_space<vmem>>[vector<16xi32>, vector<16xi32>], vector<16xf32>,
        %gather3A_276 = tpu.vector_load_idx %arg12[%add3A_166, %add3A_274] : memref<128x128xf32, #tpu.memory_space<vmem>>[vector<16xi32>, vector<16xi32>], vector<16xf32>,
        %mul3A_277 = arith.mulf %gather3A_275, %gather3A_275 : vector<16xf32>
        %add3A_278 = arith.addf %add3A_269, %mul3A_277 : vector<16xf32>
        %mul3A_279 = arith.mulf %gather3A_276, %gather3A_276 : vector<16xf32>
        %add3A_280 = arith.addf %add3A_271, %mul3A_279 : vector<16xf32>
        %add3A_281 = arith.constant 80 : i32
        %add3A_282 = vector.broadcast %add3A_281 : i32 to vector<16xi32>
        %add3A_283 = arith.addi %and3A_236, %add3A_282 : vector<16xi32>
        %gather3A_284 = tpu.vector_load_idx %arg11[%add3A_166, %add3A_283] : memref<128x128xf32, #tpu.memory_space<vmem>>[vector<16xi32>, vector<16xi32>], vector<16xf32>,
        %gather3A_285 = tpu.vector_load_idx %arg12[%add3A_166, %add3A_283] : memref<128x128xf32, #tpu.memory_space<vmem>>[vector<16xi32>, vector<16xi32>], vector<16xf32>,
        %mul3A_286 = arith.mulf %gather3A_284, %gather3A_284 : vector<16xf32>
        %add3A_287 = arith.addf %add3A_278, %mul3A_286 : vector<16xf32>
        %mul3A_288 = arith.mulf %gather3A_285, %gather3A_285 : vector<16xf32>
        %add3A_289 = arith.addf %add3A_280, %mul3A_288 : vector<16xf32>
        %add3A_290 = arith.constant 96 : i32
        %add3A_291 = vector.broadcast %add3A_290 : i32 to vector<16xi32>
        %add3A_292 = arith.addi %and3A_236, %add3A_291 : vector<16xi32>
        %gather3A_293 = tpu.vector_load_idx %arg11[%add3A_166, %add3A_292] : memref<128x128xf32, #tpu.memory_space<vmem>>[vector<16xi32>, vector<16xi32>], vector<16xf32>,
        %gather3A_294 = tpu.vector_load_idx %arg12[%add3A_166, %add3A_292] : memref<128x128xf32, #tpu.memory_space<vmem>>[vector<16xi32>, vector<16xi32>], vector<16xf32>,
        %mul3A_295 = arith.mulf %gather3A_293, %gather3A_293 : vector<16xf32>
        %add3A_296 = arith.addf %add3A_287, %mul3A_295 : vector<16xf32>
        %mul3A_297 = arith.mulf %gather3A_294, %gather3A_294 : vector<16xf32>
        %add3A_298 = arith.addf %add3A_289, %mul3A_297 : vector<16xf32>
        %add3A_299 = arith.constant 112 : i32
        %add3A_300 = vector.broadcast %add3A_299 : i32 to vector<16xi32>
        %add3A_301 = arith.addi %and3A_236, %add3A_300 : vector<16xi32>
        %gather3A_302 = tpu.vector_load_idx %arg11[%add3A_166, %add3A_301] : memref<128x128xf32, #tpu.memory_space<vmem>>[vector<16xi32>, vector<16xi32>], vector<16xf32>,
        %gather3A_303 = tpu.vector_load_idx %arg12[%add3A_166, %add3A_301] : memref<128x128xf32, #tpu.memory_space<vmem>>[vector<16xi32>, vector<16xi32>], vector<16xf32>,
        %mul3A_304 = arith.mulf %gather3A_302, %gather3A_302 : vector<16xf32>
        %add3A_305 = arith.addf %add3A_296, %mul3A_304 : vector<16xf32>
        %mul3A_306 = arith.mulf %gather3A_303, %gather3A_303 : vector<16xf32>
        %add3A_307 = arith.addf %add3A_298, %mul3A_306 : vector<16xf32>
        scf.yield %add3A_305, %add3A_307 : vector<16xf32>, vector<16xf32>
      }
      %scan3A_172 = arith.constant 16 : i32
      %mul3A_173 = arith.mulf %scan3A_171#0, %scan3A_171#1 : vector<16xf32>
      %bitcast3A = vector.bitcast %mul3A_173 : vector<16xf32> to vector<16xi32>
      %shift_right_arithmetic3A = arith.constant 1 : i32
      %shift_right_arithmetic3A_174 = vector.broadcast %shift_right_arithmetic3A : i32 to vector<16xi32>
      %shift_right_arithmetic3A_175 = arith.shrsi %bitcast3A, %shift_right_arithmetic3A_174 : vector<16xi32>
      %sub3A = arith.constant 1597463007 : i32
      %sub3A_176 = vector.broadcast %sub3A : i32 to vector<16xi32>
      %sub3A_177 = arith.subi %sub3A_176, %shift_right_arithmetic3A_175 : vector<16xi32>
      %bitcast3A_178 = vector.bitcast %sub3A_177 : vector<16xi32> to vector<16xf32>
      %mul3A_179 = arith.constant 5.000000e-01 : f32
      %mul3A_180 = vector.broadcast %mul3A_179 : f32 to vector<16xf32>
      %mul3A_181 = arith.mulf %mul3A_180, %mul3A_173 : vector<16xf32>
      %mul3A_182 = arith.mulf %mul3A_181, %bitcast3A_178 : vector<16xf32>
      %mul3A_183 = arith.mulf %mul3A_182, %bitcast3A_178 : vector<16xf32>
      %sub3A_184 = arith.constant 1.500000e+00 : f32
      %sub3A_185 = vector.broadcast %sub3A_184 : f32 to vector<16xf32>
      %sub3A_186 = arith.subf %sub3A_185, %mul3A_183 : vector<16xf32>
      %mul3A_187 = arith.mulf %bitcast3A_178, %sub3A_186 : vector<16xf32>
      %mul3A_188 = arith.constant 5.000000e-01 : f32
      %mul3A_189 = vector.broadcast %mul3A_188 : f32 to vector<16xf32>
      %mul3A_190 = arith.mulf %mul3A_189, %mul3A_173 : vector<16xf32>
      %mul3A_191 = arith.mulf %mul3A_190, %mul3A_187 : vector<16xf32>
      %mul3A_192 = arith.mulf %mul3A_191, %mul3A_187 : vector<16xf32>
      %sub3A_193 = arith.constant 1.500000e+00 : f32
      %sub3A_194 = vector.broadcast %sub3A_193 : f32 to vector<16xf32>
      %sub3A_195 = arith.subf %sub3A_194, %mul3A_192 : vector<16xf32>
      %mul3A_196 = arith.mulf %mul3A_187, %sub3A_195 : vector<16xf32>
      %mul3A_197 = arith.mulf %mul3A_196, %mul3A_196 : vector<16xf32>
      %mul3A_198 = arith.mulf %mul3A_197, %scan3A_171#1 : vector<16xf32>
      %mul3A_199 = arith.mulf %mul3A_197, %scan3A_171#0 : vector<16xf32>
      %mul3A_200 = arith.constant -0.317531466 : f32
      %mul3A_201 = vector.broadcast %mul3A_200 : f32 to vector<16xf32>
      %mul3A_202 = arith.mulf %mul3A_201, %mul3A_198 : vector<16xf32>
      %mul3A_203 = arith.mulf %mul3A_198, %mul3A_198 : vector<16xf32>
      %mul3A_204 = arith.constant 7.981710e-02 : f32
      %mul3A_205 = vector.broadcast %mul3A_204 : f32 to vector<16xf32>
      %mul3A_206 = arith.mulf %mul3A_205, %mul3A_203 : vector<16xf32>
      %mul3A_207 = arith.constant -0.317531466 : f32
      %mul3A_208 = vector.broadcast %mul3A_207 : f32 to vector<16xf32>
      %mul3A_209 = arith.mulf %mul3A_208, %mul3A_199 : vector<16xf32>
      %mul3A_210 = arith.mulf %mul3A_199, %mul3A_199 : vector<16xf32>
      %mul3A_211 = arith.constant 7.981710e-02 : f32
      %mul3A_212 = vector.broadcast %mul3A_211 : f32 to vector<16xf32>
      %mul3A_213 = arith.mulf %mul3A_212, %mul3A_210 : vector<16xf32>
      %pack3A = tpu.pack_subelements %mul3A_202, %mul3A_202 {pack_format = #tpu.pack_format<interleaved>, positions = array<i32: 0, 1>} : vector<16xf32>, vector<16xf32> -> vector<32xbf16>
      %pack3A_214 = tpu.pack_subelements %mul3A_206, %mul3A_206 {pack_format = #tpu.pack_format<interleaved>, positions = array<i32: 0, 1>} : vector<16xf32>, vector<16xf32> -> vector<32xbf16>
      %pack3A_215 = tpu.pack_subelements %mul3A_209, %mul3A_209 {pack_format = #tpu.pack_format<interleaved>, positions = array<i32: 0, 1>} : vector<16xf32>, vector<16xf32> -> vector<32xbf16>
      %pack3A_216 = tpu.pack_subelements %mul3A_213, %mul3A_213 {pack_format = #tpu.pack_format<interleaved>, positions = array<i32: 0, 1>} : vector<16xf32>, vector<16xf32> -> vector<32xbf16>
      %scan3A_217 = arith.constant 0 : i32
      %scan3A_218 = arith.constant 16 : i32
      %scan3A_219 = arith.addi %scan3A_217, %scan3A_218 : i32
      %scan3A_220 = arith.constant 1 : i32
      %scan3A_221 = scf.for %scan3A_230 = %scan3A_217 to %scan3A_219 step %scan3A_220 iter_args(%scan3A_231 = %broadcast_in_dim3A_13) -> (vector<16xf32>)  : i32 {
        %add3A_232 = vector.broadcast %scan3A_230 : i32 to vector<16xi32>
        %add3A_233 = arith.addi %add3A_232, %iota3A : vector<16xi32>
        %and3A = arith.constant 15 : i32
        %and3A_234 = vector.broadcast %and3A : i32 to vector<16xi32>
        %and3A_235 = arith.andi %add3A_233, %and3A_234 : vector<16xi32>
        %add3A_236 = arith.constant 0 : i32
        %add3A_237 = vector.broadcast %add3A_236 : i32 to vector<16xi32>
        %add3A_238 = arith.addi %and3A_235, %add3A_237 : vector<16xi32>
        %add3A_239 = arith.constant 16 : i32
        %add3A_240 = vector.broadcast %add3A_239 : i32 to vector<16xi32>
        %add3A_241 = arith.addi %and3A_235, %add3A_240 : vector<16xi32>
        %gather3A = tpu.vector_load_idx %arg11[%add3A_166, %add3A_238] : memref<128x128xf32, #tpu.memory_space<vmem>>[vector<16xi32>, vector<16xi32>], vector<16xf32>,
        %gather3A_242 = tpu.vector_load_idx %arg11[%add3A_166, %add3A_241] : memref<128x128xf32, #tpu.memory_space<vmem>>[vector<16xi32>, vector<16xi32>], vector<16xf32>,
        %gather3A_243 = tpu.vector_load_idx %arg12[%add3A_166, %add3A_238] : memref<128x128xf32, #tpu.memory_space<vmem>>[vector<16xi32>, vector<16xi32>], vector<16xf32>,
        %gather3A_244 = tpu.vector_load_idx %arg12[%add3A_166, %add3A_241] : memref<128x128xf32, #tpu.memory_space<vmem>>[vector<16xi32>, vector<16xi32>], vector<16xf32>,
        %gather3A_245 = tpu.vector_load_idx %arg13[%add3A_166, %add3A_238] : memref<128x128xf32, #tpu.memory_space<vmem>>[vector<16xi32>, vector<16xi32>], vector<16xf32>,
        %gather3A_246 = tpu.vector_load_idx %arg13[%add3A_166, %add3A_241] : memref<128x128xf32, #tpu.memory_space<vmem>>[vector<16xi32>, vector<16xi32>], vector<16xf32>,
        %pack3A_247 = tpu.pack_subelements %gather3A, %gather3A_242 {pack_format = #tpu.pack_format<interleaved>, positions = array<i32: 0, 1>} : vector<16xf32>, vector<16xf32> -> vector<32xbf16>
        %pack3A_248 = tpu.pack_subelements %gather3A_243, %gather3A_244 {pack_format = #tpu.pack_format<interleaved>, positions = array<i32: 0, 1>} : vector<16xf32>, vector<16xf32> -> vector<32xbf16>
        %pack3A_249 = tpu.pack_subelements %gather3A_245, %gather3A_246 {pack_format = #tpu.pack_format<interleaved>, positions = array<i32: 0, 1>} : vector<16xf32>, vector<16xf32> -> vector<32xbf16>
        %mul3A_250 = arith.mulf %pack3A_247, %pack3A_247 : vector<32xbf16>
        %mul3A_251 = arith.mulf %pack3A_248, %pack3A_248 : vector<32xbf16>
        %mul3A_252 = arith.mulf %pack3A_214, %mul3A_250 : vector<32xbf16>
        %add3A_253 = arith.addf %mul3A_252, %pack3A : vector<32xbf16>
        %mul3A_254 = arith.mulf %add3A_253, %mul3A_250 : vector<32xbf16>
        %add3A_255 = arith.constant 1.000000e+00 : bf16
        %add3A_256 = vector.broadcast %add3A_255 : bf16 to vector<32xbf16>
        %add3A_257 = arith.addf %mul3A_254, %add3A_256 : vector<32xbf16>
        %mul3A_258 = arith.mulf %pack3A_216, %mul3A_251 : vector<32xbf16>
        %add3A_259 = arith.addf %mul3A_258, %pack3A_215 : vector<32xbf16>
        %mul3A_260 = arith.mulf %add3A_259, %mul3A_251 : vector<32xbf16>
        %add3A_261 = arith.constant 1.000000e+00 : bf16
        %add3A_262 = vector.broadcast %add3A_261 : bf16 to vector<32xbf16>
        %add3A_263 = arith.addf %mul3A_260, %add3A_262 : vector<32xbf16>
        %mul3A_264 = arith.mulf %pack3A_247, %pack3A_248 : vector<32xbf16>
        %mul3A_265 = arith.mulf %add3A_257, %add3A_263 : vector<32xbf16>
        %mul3A_266 = arith.mulf %mul3A_264, %mul3A_265 : vector<32xbf16>
        %mul3A_267 = arith.mulf %mul3A_266, %pack3A_249 : vector<32xbf16>
        %unpack3A = tpu.unpack_subelements %mul3A_267, 0 {pack_format = #tpu.pack_format<interleaved>} : vector<32xbf16> -> vector<16xf32>
        %unpack3A_268 = tpu.unpack_subelements %mul3A_267, 1 {pack_format = #tpu.pack_format<interleaved>} : vector<32xbf16> -> vector<16xf32>
        %add3A_269 = arith.addf %scan3A_231, %unpack3A : vector<16xf32>
        %add3A_270 = arith.addf %add3A_269, %unpack3A_268 : vector<16xf32>
        %add3A_271 = arith.constant 32 : i32
        %add3A_272 = vector.broadcast %add3A_271 : i32 to vector<16xi32>
        %add3A_273 = arith.addi %and3A_235, %add3A_272 : vector<16xi32>
        %add3A_274 = arith.constant 48 : i32
        %add3A_275 = vector.broadcast %add3A_274 : i32 to vector<16xi32>
        %add3A_276 = arith.addi %and3A_235, %add3A_275 : vector<16xi32>
        %gather3A_277 = tpu.vector_load_idx %arg11[%add3A_166, %add3A_273] : memref<128x128xf32, #tpu.memory_space<vmem>>[vector<16xi32>, vector<16xi32>], vector<16xf32>,
        %gather3A_278 = tpu.vector_load_idx %arg11[%add3A_166, %add3A_276] : memref<128x128xf32, #tpu.memory_space<vmem>>[vector<16xi32>, vector<16xi32>], vector<16xf32>,
        %gather3A_279 = tpu.vector_load_idx %arg12[%add3A_166, %add3A_273] : memref<128x128xf32, #tpu.memory_space<vmem>>[vector<16xi32>, vector<16xi32>], vector<16xf32>,
        %gather3A_280 = tpu.vector_load_idx %arg12[%add3A_166, %add3A_276] : memref<128x128xf32, #tpu.memory_space<vmem>>[vector<16xi32>, vector<16xi32>], vector<16xf32>,
        %gather3A_281 = tpu.vector_load_idx %arg13[%add3A_166, %add3A_273] : memref<128x128xf32, #tpu.memory_space<vmem>>[vector<16xi32>, vector<16xi32>], vector<16xf32>,
        %gather3A_282 = tpu.vector_load_idx %arg13[%add3A_166, %add3A_276] : memref<128x128xf32, #tpu.memory_space<vmem>>[vector<16xi32>, vector<16xi32>], vector<16xf32>,
        %pack3A_283 = tpu.pack_subelements %gather3A_277, %gather3A_278 {pack_format = #tpu.pack_format<interleaved>, positions = array<i32: 0, 1>} : vector<16xf32>, vector<16xf32> -> vector<32xbf16>
        %pack3A_284 = tpu.pack_subelements %gather3A_279, %gather3A_280 {pack_format = #tpu.pack_format<interleaved>, positions = array<i32: 0, 1>} : vector<16xf32>, vector<16xf32> -> vector<32xbf16>
        %pack3A_285 = tpu.pack_subelements %gather3A_281, %gather3A_282 {pack_format = #tpu.pack_format<interleaved>, positions = array<i32: 0, 1>} : vector<16xf32>, vector<16xf32> -> vector<32xbf16>
        %mul3A_286 = arith.mulf %pack3A_283, %pack3A_283 : vector<32xbf16>
        %mul3A_287 = arith.mulf %pack3A_284, %pack3A_284 : vector<32xbf16>
        %mul3A_288 = arith.mulf %pack3A_214, %mul3A_286 : vector<32xbf16>
        %add3A_289 = arith.addf %mul3A_288, %pack3A : vector<32xbf16>
        %mul3A_290 = arith.mulf %add3A_289, %mul3A_286 : vector<32xbf16>
        %add3A_291 = arith.constant 1.000000e+00 : bf16
        %add3A_292 = vector.broadcast %add3A_291 : bf16 to vector<32xbf16>
        %add3A_293 = arith.addf %mul3A_290, %add3A_292 : vector<32xbf16>
        %mul3A_294 = arith.mulf %pack3A_216, %mul3A_287 : vector<32xbf16>
        %add3A_295 = arith.addf %mul3A_294, %pack3A_215 : vector<32xbf16>
        %mul3A_296 = arith.mulf %add3A_295, %mul3A_287 : vector<32xbf16>
        %add3A_297 = arith.constant 1.000000e+00 : bf16
        %add3A_298 = vector.broadcast %add3A_297 : bf16 to vector<32xbf16>
        %add3A_299 = arith.addf %mul3A_296, %add3A_298 : vector<32xbf16>
        %mul3A_300 = arith.mulf %pack3A_283, %pack3A_284 : vector<32xbf16>
        %mul3A_301 = arith.mulf %add3A_293, %add3A_299 : vector<32xbf16>
        %mul3A_302 = arith.mulf %mul3A_300, %mul3A_301 : vector<32xbf16>
        %mul3A_303 = arith.mulf %mul3A_302, %pack3A_285 : vector<32xbf16>
        %unpack3A_304 = tpu.unpack_subelements %mul3A_303, 0 {pack_format = #tpu.pack_format<interleaved>} : vector<32xbf16> -> vector<16xf32>
        %unpack3A_305 = tpu.unpack_subelements %mul3A_303, 1 {pack_format = #tpu.pack_format<interleaved>} : vector<32xbf16> -> vector<16xf32>
        %add3A_306 = arith.addf %add3A_270, %unpack3A_304 : vector<16xf32>
        %add3A_307 = arith.addf %add3A_306, %unpack3A_305 : vector<16xf32>
        %add3A_308 = arith.constant 64 : i32
        %add3A_309 = vector.broadcast %add3A_308 : i32 to vector<16xi32>
        %add3A_310 = arith.addi %and3A_235, %add3A_309 : vector<16xi32>
        %add3A_311 = arith.constant 80 : i32
        %add3A_312 = vector.broadcast %add3A_311 : i32 to vector<16xi32>
        %add3A_313 = arith.addi %and3A_235, %add3A_312 : vector<16xi32>
        %gather3A_314 = tpu.vector_load_idx %arg11[%add3A_166, %add3A_310] : memref<128x128xf32, #tpu.memory_space<vmem>>[vector<16xi32>, vector<16xi32>], vector<16xf32>,
        %gather3A_315 = tpu.vector_load_idx %arg11[%add3A_166, %add3A_313] : memref<128x128xf32, #tpu.memory_space<vmem>>[vector<16xi32>, vector<16xi32>], vector<16xf32>,
        %gather3A_316 = tpu.vector_load_idx %arg12[%add3A_166, %add3A_310] : memref<128x128xf32, #tpu.memory_space<vmem>>[vector<16xi32>, vector<16xi32>], vector<16xf32>,
        %gather3A_317 = tpu.vector_load_idx %arg12[%add3A_166, %add3A_313] : memref<128x128xf32, #tpu.memory_space<vmem>>[vector<16xi32>, vector<16xi32>], vector<16xf32>,
        %gather3A_318 = tpu.vector_load_idx %arg13[%add3A_166, %add3A_310] : memref<128x128xf32, #tpu.memory_space<vmem>>[vector<16xi32>, vector<16xi32>], vector<16xf32>,
        %gather3A_319 = tpu.vector_load_idx %arg13[%add3A_166, %add3A_313] : memref<128x128xf32, #tpu.memory_space<vmem>>[vector<16xi32>, vector<16xi32>], vector<16xf32>,
        %pack3A_320 = tpu.pack_subelements %gather3A_314, %gather3A_315 {pack_format = #tpu.pack_format<interleaved>, positions = array<i32: 0, 1>} : vector<16xf32>, vector<16xf32> -> vector<32xbf16>
        %pack3A_321 = tpu.pack_subelements %gather3A_316, %gather3A_317 {pack_format = #tpu.pack_format<interleaved>, positions = array<i32: 0, 1>} : vector<16xf32>, vector<16xf32> -> vector<32xbf16>
        %pack3A_322 = tpu.pack_subelements %gather3A_318, %gather3A_319 {pack_format = #tpu.pack_format<interleaved>, positions = array<i32: 0, 1>} : vector<16xf32>, vector<16xf32> -> vector<32xbf16>
        %mul3A_323 = arith.mulf %pack3A_320, %pack3A_320 : vector<32xbf16>
        %mul3A_324 = arith.mulf %pack3A_321, %pack3A_321 : vector<32xbf16>
        %mul3A_325 = arith.mulf %pack3A_214, %mul3A_323 : vector<32xbf16>
        %add3A_326 = arith.addf %mul3A_325, %pack3A : vector<32xbf16>
        %mul3A_327 = arith.mulf %add3A_326, %mul3A_323 : vector<32xbf16>
        %add3A_328 = arith.constant 1.000000e+00 : bf16
        %add3A_329 = vector.broadcast %add3A_328 : bf16 to vector<32xbf16>
        %add3A_330 = arith.addf %mul3A_327, %add3A_329 : vector<32xbf16>
        %mul3A_331 = arith.mulf %pack3A_216, %mul3A_324 : vector<32xbf16>
        %add3A_332 = arith.addf %mul3A_331, %pack3A_215 : vector<32xbf16>
        %mul3A_333 = arith.mulf %add3A_332, %mul3A_324 : vector<32xbf16>
        %add3A_334 = arith.constant 1.000000e+00 : bf16
        %add3A_335 = vector.broadcast %add3A_334 : bf16 to vector<32xbf16>
        %add3A_336 = arith.addf %mul3A_333, %add3A_335 : vector<32xbf16>
        %mul3A_337 = arith.mulf %pack3A_320, %pack3A_321 : vector<32xbf16>
        %mul3A_338 = arith.mulf %add3A_330, %add3A_336 : vector<32xbf16>
        %mul3A_339 = arith.mulf %mul3A_337, %mul3A_338 : vector<32xbf16>
        %mul3A_340 = arith.mulf %mul3A_339, %pack3A_322 : vector<32xbf16>
        %unpack3A_341 = tpu.unpack_subelements %mul3A_340, 0 {pack_format = #tpu.pack_format<interleaved>} : vector<32xbf16> -> vector<16xf32>
        %unpack3A_342 = tpu.unpack_subelements %mul3A_340, 1 {pack_format = #tpu.pack_format<interleaved>} : vector<32xbf16> -> vector<16xf32>
        %add3A_343 = arith.addf %add3A_307, %unpack3A_341 : vector<16xf32>
        %add3A_344 = arith.addf %add3A_343, %unpack3A_342 : vector<16xf32>
        %add3A_345 = arith.constant 96 : i32
        %add3A_346 = vector.broadcast %add3A_345 : i32 to vector<16xi32>
        %add3A_347 = arith.addi %and3A_235, %add3A_346 : vector<16xi32>
        %add3A_348 = arith.constant 112 : i32
        %add3A_349 = vector.broadcast %add3A_348 : i32 to vector<16xi32>
        %add3A_350 = arith.addi %and3A_235, %add3A_349 : vector<16xi32>
        %gather3A_351 = tpu.vector_load_idx %arg11[%add3A_166, %add3A_347] : memref<128x128xf32, #tpu.memory_space<vmem>>[vector<16xi32>, vector<16xi32>], vector<16xf32>,
        %gather3A_352 = tpu.vector_load_idx %arg11[%add3A_166, %add3A_350] : memref<128x128xf32, #tpu.memory_space<vmem>>[vector<16xi32>, vector<16xi32>], vector<16xf32>,
        %gather3A_353 = tpu.vector_load_idx %arg12[%add3A_166, %add3A_347] : memref<128x128xf32, #tpu.memory_space<vmem>>[vector<16xi32>, vector<16xi32>], vector<16xf32>,
        %gather3A_354 = tpu.vector_load_idx %arg12[%add3A_166, %add3A_350] : memref<128x128xf32, #tpu.memory_space<vmem>>[vector<16xi32>, vector<16xi32>], vector<16xf32>,
        %gather3A_355 = tpu.vector_load_idx %arg13[%add3A_166, %add3A_347] : memref<128x128xf32, #tpu.memory_space<vmem>>[vector<16xi32>, vector<16xi32>], vector<16xf32>,
        %gather3A_356 = tpu.vector_load_idx %arg13[%add3A_166, %add3A_350] : memref<128x128xf32, #tpu.memory_space<vmem>>[vector<16xi32>, vector<16xi32>], vector<16xf32>,
        %pack3A_357 = tpu.pack_subelements %gather3A_351, %gather3A_352 {pack_format = #tpu.pack_format<interleaved>, positions = array<i32: 0, 1>} : vector<16xf32>, vector<16xf32> -> vector<32xbf16>
        %pack3A_358 = tpu.pack_subelements %gather3A_353, %gather3A_354 {pack_format = #tpu.pack_format<interleaved>, positions = array<i32: 0, 1>} : vector<16xf32>, vector<16xf32> -> vector<32xbf16>
        %pack3A_359 = tpu.pack_subelements %gather3A_355, %gather3A_356 {pack_format = #tpu.pack_format<interleaved>, positions = array<i32: 0, 1>} : vector<16xf32>, vector<16xf32> -> vector<32xbf16>
        %mul3A_360 = arith.mulf %pack3A_357, %pack3A_357 : vector<32xbf16>
        %mul3A_361 = arith.mulf %pack3A_358, %pack3A_358 : vector<32xbf16>
        %mul3A_362 = arith.mulf %pack3A_214, %mul3A_360 : vector<32xbf16>
        %add3A_363 = arith.addf %mul3A_362, %pack3A : vector<32xbf16>
        %mul3A_364 = arith.mulf %add3A_363, %mul3A_360 : vector<32xbf16>
        %add3A_365 = arith.constant 1.000000e+00 : bf16
        %add3A_366 = vector.broadcast %add3A_365 : bf16 to vector<32xbf16>
        %add3A_367 = arith.addf %mul3A_364, %add3A_366 : vector<32xbf16>
        %mul3A_368 = arith.mulf %pack3A_216, %mul3A_361 : vector<32xbf16>
        %add3A_369 = arith.addf %mul3A_368, %pack3A_215 : vector<32xbf16>
        %mul3A_370 = arith.mulf %add3A_369, %mul3A_361 : vector<32xbf16>
        %add3A_371 = arith.constant 1.000000e+00 : bf16
        %add3A_372 = vector.broadcast %add3A_371 : bf16 to vector<32xbf16>
        %add3A_373 = arith.addf %mul3A_370, %add3A_372 : vector<32xbf16>
        %mul3A_374 = arith.mulf %pack3A_357, %pack3A_358 : vector<32xbf16>
        %mul3A_375 = arith.mulf %add3A_367, %add3A_373 : vector<32xbf16>
        %mul3A_376 = arith.mulf %mul3A_374, %mul3A_375 : vector<32xbf16>
        %mul3A_377 = arith.mulf %mul3A_376, %pack3A_359 : vector<32xbf16>
        %unpack3A_378 = tpu.unpack_subelements %mul3A_377, 0 {pack_format = #tpu.pack_format<interleaved>} : vector<32xbf16> -> vector<16xf32>
        %unpack3A_379 = tpu.unpack_subelements %mul3A_377, 1 {pack_format = #tpu.pack_format<interleaved>} : vector<32xbf16> -> vector<16xf32>
        %add3A_380 = arith.addf %add3A_344, %unpack3A_378 : vector<16xf32>
        %add3A_381 = arith.addf %add3A_380, %unpack3A_379 : vector<16xf32>
        scf.yield %add3A_381 : vector<16xf32>
      }
      %scan3A_222 = arith.constant 16 : i32
      %mul3A_223 = arith.mulf %scan3A_221, %mul3A_196 : vector<16xf32>
      %mul3A_224 = arith.constant 16 : i32
      %mul3A_225 = arith.muli %scan3A_161, %mul3A_224 : i32
      %add3A_226 = arith.constant 0 : i32
      %add3A_227 = arith.addi %add3A_226, %mul3A_225 : i32
      %swap3A = arith.index_cast %add3A_227 : i32 to index
      %swap3A_228 = tpu.vector_load %arg17[%swap3A] {strides = array<i32>} : memref<512xf32, #tpu.memory_space<vmem>>, vector<16xf32>,
      tpu.vector_store %arg17[%swap3A], %mul3A_223 {strides = array<i32>} : memref<512xf32, #tpu.memory_space<vmem>>, vector<16xf32>,
      %scan3A_229 = arith.constant 0 : i32
      scf.yield %scan3A_229 : i32
    }
    %scan3A_64 = arith.constant 8 : i32
    %dma_wait3A_65 = arith.constant 128 : i32
    %dma_wait3A_66 = tpu.memref_slice %arg8[%dma_wait3A_65] : memref<512xi32, #tpu.memory_space<vmem>> -> memref<128xi32, #tpu.memory_space<vmem>>
    %dma_wait3A_67 = arith.constant 0 : i32
    %dma_wait3A_68 = arith.constant 0 : i32
    %dma_wait3A_69 = tpu.memref_slice %arg5[%dma_wait3A_67, %dma_wait3A_68] : memref<100000x128xf32, #tpu.memory_space<hbm>> -> memref<100000x128xf32, #tpu.memory_space<hbm>>
    tpu.wait_indirect_dma semaphore(%arg19 : memref<!tpu.dma_semaphore, #tpu.memory_space<semaphore_mem>>) src(%dma_wait3A_69 : memref<100000x128xf32, #tpu.memory_space<hbm>>) dst(%arg14 : memref<128x128xf32, #tpu.memory_space<vmem>>)
    %dma_wait3A_70 = arith.constant 128 : i32
    %dma_wait3A_71 = tpu.memref_slice %arg10[%dma_wait3A_70] : memref<512xi32, #tpu.memory_space<vmem>> -> memref<128xi32, #tpu.memory_space<vmem>>
    %dma_wait3A_72 = arith.constant 0 : i32
    %dma_wait3A_73 = arith.constant 0 : i32
    %dma_wait3A_74 = tpu.memref_slice %arg5[%dma_wait3A_72, %dma_wait3A_73] : memref<100000x128xf32, #tpu.memory_space<hbm>> -> memref<100000x128xf32, #tpu.memory_space<hbm>>
    tpu.wait_indirect_dma semaphore(%arg19 : memref<!tpu.dma_semaphore, #tpu.memory_space<semaphore_mem>>) src(%dma_wait3A_74 : memref<100000x128xf32, #tpu.memory_space<hbm>>) dst(%arg15 : memref<128x128xf32, #tpu.memory_space<vmem>>)
    %dma_wait3A_75 = arith.constant 128 : i32
    %dma_wait3A_76 = tpu.memref_slice %arg9[%dma_wait3A_75] : memref<512xi32, #tpu.memory_space<vmem>> -> memref<128xi32, #tpu.memory_space<vmem>>
    %dma_wait3A_77 = arith.constant 0 : i32
    %dma_wait3A_78 = arith.constant 0 : i32
    %dma_wait3A_79 = tpu.memref_slice %arg6[%dma_wait3A_77, %dma_wait3A_78] : memref<1000x128xf32, #tpu.memory_space<hbm>> -> memref<1000x128xf32, #tpu.memory_space<hbm>>
    tpu.wait_indirect_dma semaphore(%arg19 : memref<!tpu.dma_semaphore, #tpu.memory_space<semaphore_mem>>) src(%dma_wait3A_79 : memref<1000x128xf32, #tpu.memory_space<hbm>>) dst(%arg16 : memref<128x128xf32, #tpu.memory_space<vmem>>)
    %dma_start3A_80 = arith.constant 256 : i32
    %dma_start3A_81 = tpu.memref_slice %arg8[%dma_start3A_80] : memref<512xi32, #tpu.memory_space<vmem>> -> memref<128xi32, #tpu.memory_space<vmem>>
    %dma_start3A_82 = arith.constant 0 : i32
    %dma_start3A_83 = arith.constant 0 : i32
    %dma_start3A_84 = tpu.memref_slice %arg5[%dma_start3A_82, %dma_start3A_83] : memref<100000x128xf32, #tpu.memory_space<hbm>> -> memref<100000x128xf32, #tpu.memory_space<hbm>>
    tpu.enqueue_indirect_dma source(%dma_start3A_84 : memref<100000x128xf32, #tpu.memory_space<hbm>>) target(%arg11 : memref<128x128xf32, #tpu.memory_space<vmem>>) offsets(%dma_start3A_81 : memref<128xi32, #tpu.memory_space<vmem>>) semaphore(%arg18 : memref<!tpu.dma_semaphore, #tpu.memory_space<semaphore_mem>>)
    %dma_start3A_85 = arith.constant 256 : i32
    %dma_start3A_86 = tpu.memref_slice %arg10[%dma_start3A_85] : memref<512xi32, #tpu.memory_space<vmem>> -> memref<128xi32, #tpu.memory_space<vmem>>
    %dma_start3A_87 = arith.constant 0 : i32
    %dma_start3A_88 = arith.constant 0 : i32
    %dma_start3A_89 = tpu.memref_slice %arg5[%dma_start3A_87, %dma_start3A_88] : memref<100000x128xf32, #tpu.memory_space<hbm>> -> memref<100000x128xf32, #tpu.memory_space<hbm>>
    tpu.enqueue_indirect_dma source(%dma_start3A_89 : memref<100000x128xf32, #tpu.memory_space<hbm>>) target(%arg12 : memref<128x128xf32, #tpu.memory_space<vmem>>) offsets(%dma_start3A_86 : memref<128xi32, #tpu.memory_space<vmem>>) semaphore(%arg18 : memref<!tpu.dma_semaphore, #tpu.memory_space<semaphore_mem>>)
    %dma_start3A_90 = arith.constant 256 : i32
    %dma_start3A_91 = tpu.memref_slice %arg9[%dma_start3A_90] : memref<512xi32, #tpu.memory_space<vmem>> -> memref<128xi32, #tpu.memory_space<vmem>>
    %dma_start3A_92 = arith.constant 0 : i32
    %dma_start3A_93 = arith.constant 0 : i32
    %dma_start3A_94 = tpu.memref_slice %arg6[%dma_start3A_92, %dma_start3A_93] : memref<1000x128xf32, #tpu.memory_space<hbm>> -> memref<1000x128xf32, #tpu.memory_space<hbm>>
    tpu.enqueue_indirect_dma source(%dma_start3A_94 : memref<1000x128xf32, #tpu.memory_space<hbm>>) target(%arg13 : memref<128x128xf32, #tpu.memory_space<vmem>>) offsets(%dma_start3A_91 : memref<128xi32, #tpu.memory_space<vmem>>) semaphore(%arg18 : memref<!tpu.dma_semaphore, #tpu.memory_space<semaphore_mem>>)
    %scan3A_95 = arith.constant 0 : i32
    %scan3A_96 = arith.constant 0 : i32
    %scan3A_97 = arith.constant 8 : i32
    %scan3A_98 = arith.addi %scan3A_96, %scan3A_97 : i32
    %scan3A_99 = arith.constant 1 : i32
    %scan3A_100 = scf.for %scan3A_161 = %scan3A_96 to %scan3A_98 step %scan3A_99 iter_args(%scan3A_162 = %scan3A_95) -> (i32)  : i32 {
      %mul3A_163 = arith.constant 16 : i32
      %mul3A_164 = arith.muli %scan3A_161, %mul3A_163 : i32
      %add3A_165 = vector.broadcast %mul3A_164 : i32 to vector<16xi32>
      %add3A_166 = arith.addi %add3A_165, %iota3A : vector<16xi32>
      %scan3A_167 = arith.constant 0 : i32
      %scan3A_168 = arith.constant 16 : i32
      %scan3A_169 = arith.addi %scan3A_167, %scan3A_168 : i32
      %scan3A_170 = arith.constant 1 : i32
      %scan3A_171:2 = scf.for %scan3A_230 = %scan3A_167 to %scan3A_169 step %scan3A_170 iter_args(%scan3A_231 = %broadcast_in_dim3A_13, %scan3A_232 = %broadcast_in_dim3A_13) -> (vector<16xf32>, vector<16xf32>)  : i32 {
        %add3A_233 = vector.broadcast %scan3A_230 : i32 to vector<16xi32>
        %add3A_234 = arith.addi %add3A_233, %iota3A : vector<16xi32>
        %and3A = arith.constant 15 : i32
        %and3A_235 = vector.broadcast %and3A : i32 to vector<16xi32>
        %and3A_236 = arith.andi %add3A_234, %and3A_235 : vector<16xi32>
        %add3A_237 = arith.constant 0 : i32
        %add3A_238 = vector.broadcast %add3A_237 : i32 to vector<16xi32>
        %add3A_239 = arith.addi %and3A_236, %add3A_238 : vector<16xi32>
        %gather3A = tpu.vector_load_idx %arg14[%add3A_166, %add3A_239] : memref<128x128xf32, #tpu.memory_space<vmem>>[vector<16xi32>, vector<16xi32>], vector<16xf32>,
        %gather3A_240 = tpu.vector_load_idx %arg15[%add3A_166, %add3A_239] : memref<128x128xf32, #tpu.memory_space<vmem>>[vector<16xi32>, vector<16xi32>], vector<16xf32>,
        %mul3A_241 = arith.mulf %gather3A, %gather3A : vector<16xf32>
        %add3A_242 = arith.addf %scan3A_231, %mul3A_241 : vector<16xf32>
        %mul3A_243 = arith.mulf %gather3A_240, %gather3A_240 : vector<16xf32>
        %add3A_244 = arith.addf %scan3A_232, %mul3A_243 : vector<16xf32>
        %add3A_245 = arith.constant 16 : i32
        %add3A_246 = vector.broadcast %add3A_245 : i32 to vector<16xi32>
        %add3A_247 = arith.addi %and3A_236, %add3A_246 : vector<16xi32>
        %gather3A_248 = tpu.vector_load_idx %arg14[%add3A_166, %add3A_247] : memref<128x128xf32, #tpu.memory_space<vmem>>[vector<16xi32>, vector<16xi32>], vector<16xf32>,
        %gather3A_249 = tpu.vector_load_idx %arg15[%add3A_166, %add3A_247] : memref<128x128xf32, #tpu.memory_space<vmem>>[vector<16xi32>, vector<16xi32>], vector<16xf32>,
        %mul3A_250 = arith.mulf %gather3A_248, %gather3A_248 : vector<16xf32>
        %add3A_251 = arith.addf %add3A_242, %mul3A_250 : vector<16xf32>
        %mul3A_252 = arith.mulf %gather3A_249, %gather3A_249 : vector<16xf32>
        %add3A_253 = arith.addf %add3A_244, %mul3A_252 : vector<16xf32>
        %add3A_254 = arith.constant 32 : i32
        %add3A_255 = vector.broadcast %add3A_254 : i32 to vector<16xi32>
        %add3A_256 = arith.addi %and3A_236, %add3A_255 : vector<16xi32>
        %gather3A_257 = tpu.vector_load_idx %arg14[%add3A_166, %add3A_256] : memref<128x128xf32, #tpu.memory_space<vmem>>[vector<16xi32>, vector<16xi32>], vector<16xf32>,
        %gather3A_258 = tpu.vector_load_idx %arg15[%add3A_166, %add3A_256] : memref<128x128xf32, #tpu.memory_space<vmem>>[vector<16xi32>, vector<16xi32>], vector<16xf32>,
        %mul3A_259 = arith.mulf %gather3A_257, %gather3A_257 : vector<16xf32>
        %add3A_260 = arith.addf %add3A_251, %mul3A_259 : vector<16xf32>
        %mul3A_261 = arith.mulf %gather3A_258, %gather3A_258 : vector<16xf32>
        %add3A_262 = arith.addf %add3A_253, %mul3A_261 : vector<16xf32>
        %add3A_263 = arith.constant 48 : i32
        %add3A_264 = vector.broadcast %add3A_263 : i32 to vector<16xi32>
        %add3A_265 = arith.addi %and3A_236, %add3A_264 : vector<16xi32>
        %gather3A_266 = tpu.vector_load_idx %arg14[%add3A_166, %add3A_265] : memref<128x128xf32, #tpu.memory_space<vmem>>[vector<16xi32>, vector<16xi32>], vector<16xf32>,
        %gather3A_267 = tpu.vector_load_idx %arg15[%add3A_166, %add3A_265] : memref<128x128xf32, #tpu.memory_space<vmem>>[vector<16xi32>, vector<16xi32>], vector<16xf32>,
        %mul3A_268 = arith.mulf %gather3A_266, %gather3A_266 : vector<16xf32>
        %add3A_269 = arith.addf %add3A_260, %mul3A_268 : vector<16xf32>
        %mul3A_270 = arith.mulf %gather3A_267, %gather3A_267 : vector<16xf32>
        %add3A_271 = arith.addf %add3A_262, %mul3A_270 : vector<16xf32>
        %add3A_272 = arith.constant 64 : i32
        %add3A_273 = vector.broadcast %add3A_272 : i32 to vector<16xi32>
        %add3A_274 = arith.addi %and3A_236, %add3A_273 : vector<16xi32>
        %gather3A_275 = tpu.vector_load_idx %arg14[%add3A_166, %add3A_274] : memref<128x128xf32, #tpu.memory_space<vmem>>[vector<16xi32>, vector<16xi32>], vector<16xf32>,
        %gather3A_276 = tpu.vector_load_idx %arg15[%add3A_166, %add3A_274] : memref<128x128xf32, #tpu.memory_space<vmem>>[vector<16xi32>, vector<16xi32>], vector<16xf32>,
        %mul3A_277 = arith.mulf %gather3A_275, %gather3A_275 : vector<16xf32>
        %add3A_278 = arith.addf %add3A_269, %mul3A_277 : vector<16xf32>
        %mul3A_279 = arith.mulf %gather3A_276, %gather3A_276 : vector<16xf32>
        %add3A_280 = arith.addf %add3A_271, %mul3A_279 : vector<16xf32>
        %add3A_281 = arith.constant 80 : i32
        %add3A_282 = vector.broadcast %add3A_281 : i32 to vector<16xi32>
        %add3A_283 = arith.addi %and3A_236, %add3A_282 : vector<16xi32>
        %gather3A_284 = tpu.vector_load_idx %arg14[%add3A_166, %add3A_283] : memref<128x128xf32, #tpu.memory_space<vmem>>[vector<16xi32>, vector<16xi32>], vector<16xf32>,
        %gather3A_285 = tpu.vector_load_idx %arg15[%add3A_166, %add3A_283] : memref<128x128xf32, #tpu.memory_space<vmem>>[vector<16xi32>, vector<16xi32>], vector<16xf32>,
        %mul3A_286 = arith.mulf %gather3A_284, %gather3A_284 : vector<16xf32>
        %add3A_287 = arith.addf %add3A_278, %mul3A_286 : vector<16xf32>
        %mul3A_288 = arith.mulf %gather3A_285, %gather3A_285 : vector<16xf32>
        %add3A_289 = arith.addf %add3A_280, %mul3A_288 : vector<16xf32>
        %add3A_290 = arith.constant 96 : i32
        %add3A_291 = vector.broadcast %add3A_290 : i32 to vector<16xi32>
        %add3A_292 = arith.addi %and3A_236, %add3A_291 : vector<16xi32>
        %gather3A_293 = tpu.vector_load_idx %arg14[%add3A_166, %add3A_292] : memref<128x128xf32, #tpu.memory_space<vmem>>[vector<16xi32>, vector<16xi32>], vector<16xf32>,
        %gather3A_294 = tpu.vector_load_idx %arg15[%add3A_166, %add3A_292] : memref<128x128xf32, #tpu.memory_space<vmem>>[vector<16xi32>, vector<16xi32>], vector<16xf32>,
        %mul3A_295 = arith.mulf %gather3A_293, %gather3A_293 : vector<16xf32>
        %add3A_296 = arith.addf %add3A_287, %mul3A_295 : vector<16xf32>
        %mul3A_297 = arith.mulf %gather3A_294, %gather3A_294 : vector<16xf32>
        %add3A_298 = arith.addf %add3A_289, %mul3A_297 : vector<16xf32>
        %add3A_299 = arith.constant 112 : i32
        %add3A_300 = vector.broadcast %add3A_299 : i32 to vector<16xi32>
        %add3A_301 = arith.addi %and3A_236, %add3A_300 : vector<16xi32>
        %gather3A_302 = tpu.vector_load_idx %arg14[%add3A_166, %add3A_301] : memref<128x128xf32, #tpu.memory_space<vmem>>[vector<16xi32>, vector<16xi32>], vector<16xf32>,
        %gather3A_303 = tpu.vector_load_idx %arg15[%add3A_166, %add3A_301] : memref<128x128xf32, #tpu.memory_space<vmem>>[vector<16xi32>, vector<16xi32>], vector<16xf32>,
        %mul3A_304 = arith.mulf %gather3A_302, %gather3A_302 : vector<16xf32>
        %add3A_305 = arith.addf %add3A_296, %mul3A_304 : vector<16xf32>
        %mul3A_306 = arith.mulf %gather3A_303, %gather3A_303 : vector<16xf32>
        %add3A_307 = arith.addf %add3A_298, %mul3A_306 : vector<16xf32>
        scf.yield %add3A_305, %add3A_307 : vector<16xf32>, vector<16xf32>
      }
      %scan3A_172 = arith.constant 16 : i32
      %mul3A_173 = arith.mulf %scan3A_171#0, %scan3A_171#1 : vector<16xf32>
      %bitcast3A = vector.bitcast %mul3A_173 : vector<16xf32> to vector<16xi32>
      %shift_right_arithmetic3A = arith.constant 1 : i32
      %shift_right_arithmetic3A_174 = vector.broadcast %shift_right_arithmetic3A : i32 to vector<16xi32>
      %shift_right_arithmetic3A_175 = arith.shrsi %bitcast3A, %shift_right_arithmetic3A_174 : vector<16xi32>
      %sub3A = arith.constant 1597463007 : i32
      %sub3A_176 = vector.broadcast %sub3A : i32 to vector<16xi32>
      %sub3A_177 = arith.subi %sub3A_176, %shift_right_arithmetic3A_175 : vector<16xi32>
      %bitcast3A_178 = vector.bitcast %sub3A_177 : vector<16xi32> to vector<16xf32>
      %mul3A_179 = arith.constant 5.000000e-01 : f32
      %mul3A_180 = vector.broadcast %mul3A_179 : f32 to vector<16xf32>
      %mul3A_181 = arith.mulf %mul3A_180, %mul3A_173 : vector<16xf32>
      %mul3A_182 = arith.mulf %mul3A_181, %bitcast3A_178 : vector<16xf32>
      %mul3A_183 = arith.mulf %mul3A_182, %bitcast3A_178 : vector<16xf32>
      %sub3A_184 = arith.constant 1.500000e+00 : f32
      %sub3A_185 = vector.broadcast %sub3A_184 : f32 to vector<16xf32>
      %sub3A_186 = arith.subf %sub3A_185, %mul3A_183 : vector<16xf32>
      %mul3A_187 = arith.mulf %bitcast3A_178, %sub3A_186 : vector<16xf32>
      %mul3A_188 = arith.constant 5.000000e-01 : f32
      %mul3A_189 = vector.broadcast %mul3A_188 : f32 to vector<16xf32>
      %mul3A_190 = arith.mulf %mul3A_189, %mul3A_173 : vector<16xf32>
      %mul3A_191 = arith.mulf %mul3A_190, %mul3A_187 : vector<16xf32>
      %mul3A_192 = arith.mulf %mul3A_191, %mul3A_187 : vector<16xf32>
      %sub3A_193 = arith.constant 1.500000e+00 : f32
      %sub3A_194 = vector.broadcast %sub3A_193 : f32 to vector<16xf32>
      %sub3A_195 = arith.subf %sub3A_194, %mul3A_192 : vector<16xf32>
      %mul3A_196 = arith.mulf %mul3A_187, %sub3A_195 : vector<16xf32>
      %mul3A_197 = arith.mulf %mul3A_196, %mul3A_196 : vector<16xf32>
      %mul3A_198 = arith.mulf %mul3A_197, %scan3A_171#1 : vector<16xf32>
      %mul3A_199 = arith.mulf %mul3A_197, %scan3A_171#0 : vector<16xf32>
      %mul3A_200 = arith.constant -0.317531466 : f32
      %mul3A_201 = vector.broadcast %mul3A_200 : f32 to vector<16xf32>
      %mul3A_202 = arith.mulf %mul3A_201, %mul3A_198 : vector<16xf32>
      %mul3A_203 = arith.mulf %mul3A_198, %mul3A_198 : vector<16xf32>
      %mul3A_204 = arith.constant 7.981710e-02 : f32
      %mul3A_205 = vector.broadcast %mul3A_204 : f32 to vector<16xf32>
      %mul3A_206 = arith.mulf %mul3A_205, %mul3A_203 : vector<16xf32>
      %mul3A_207 = arith.constant -0.317531466 : f32
      %mul3A_208 = vector.broadcast %mul3A_207 : f32 to vector<16xf32>
      %mul3A_209 = arith.mulf %mul3A_208, %mul3A_199 : vector<16xf32>
      %mul3A_210 = arith.mulf %mul3A_199, %mul3A_199 : vector<16xf32>
      %mul3A_211 = arith.constant 7.981710e-02 : f32
      %mul3A_212 = vector.broadcast %mul3A_211 : f32 to vector<16xf32>
      %mul3A_213 = arith.mulf %mul3A_212, %mul3A_210 : vector<16xf32>
      %pack3A = tpu.pack_subelements %mul3A_202, %mul3A_202 {pack_format = #tpu.pack_format<interleaved>, positions = array<i32: 0, 1>} : vector<16xf32>, vector<16xf32> -> vector<32xbf16>
      %pack3A_214 = tpu.pack_subelements %mul3A_206, %mul3A_206 {pack_format = #tpu.pack_format<interleaved>, positions = array<i32: 0, 1>} : vector<16xf32>, vector<16xf32> -> vector<32xbf16>
      %pack3A_215 = tpu.pack_subelements %mul3A_209, %mul3A_209 {pack_format = #tpu.pack_format<interleaved>, positions = array<i32: 0, 1>} : vector<16xf32>, vector<16xf32> -> vector<32xbf16>
      %pack3A_216 = tpu.pack_subelements %mul3A_213, %mul3A_213 {pack_format = #tpu.pack_format<interleaved>, positions = array<i32: 0, 1>} : vector<16xf32>, vector<16xf32> -> vector<32xbf16>
      %scan3A_217 = arith.constant 0 : i32
      %scan3A_218 = arith.constant 16 : i32
      %scan3A_219 = arith.addi %scan3A_217, %scan3A_218 : i32
      %scan3A_220 = arith.constant 1 : i32
      %scan3A_221 = scf.for %scan3A_230 = %scan3A_217 to %scan3A_219 step %scan3A_220 iter_args(%scan3A_231 = %broadcast_in_dim3A_13) -> (vector<16xf32>)  : i32 {
        %add3A_232 = vector.broadcast %scan3A_230 : i32 to vector<16xi32>
        %add3A_233 = arith.addi %add3A_232, %iota3A : vector<16xi32>
        %and3A = arith.constant 15 : i32
        %and3A_234 = vector.broadcast %and3A : i32 to vector<16xi32>
        %and3A_235 = arith.andi %add3A_233, %and3A_234 : vector<16xi32>
        %add3A_236 = arith.constant 0 : i32
        %add3A_237 = vector.broadcast %add3A_236 : i32 to vector<16xi32>
        %add3A_238 = arith.addi %and3A_235, %add3A_237 : vector<16xi32>
        %add3A_239 = arith.constant 16 : i32
        %add3A_240 = vector.broadcast %add3A_239 : i32 to vector<16xi32>
        %add3A_241 = arith.addi %and3A_235, %add3A_240 : vector<16xi32>
        %gather3A = tpu.vector_load_idx %arg14[%add3A_166, %add3A_238] : memref<128x128xf32, #tpu.memory_space<vmem>>[vector<16xi32>, vector<16xi32>], vector<16xf32>,
        %gather3A_242 = tpu.vector_load_idx %arg14[%add3A_166, %add3A_241] : memref<128x128xf32, #tpu.memory_space<vmem>>[vector<16xi32>, vector<16xi32>], vector<16xf32>,
        %gather3A_243 = tpu.vector_load_idx %arg15[%add3A_166, %add3A_238] : memref<128x128xf32, #tpu.memory_space<vmem>>[vector<16xi32>, vector<16xi32>], vector<16xf32>,
        %gather3A_244 = tpu.vector_load_idx %arg15[%add3A_166, %add3A_241] : memref<128x128xf32, #tpu.memory_space<vmem>>[vector<16xi32>, vector<16xi32>], vector<16xf32>,
        %gather3A_245 = tpu.vector_load_idx %arg16[%add3A_166, %add3A_238] : memref<128x128xf32, #tpu.memory_space<vmem>>[vector<16xi32>, vector<16xi32>], vector<16xf32>,
        %gather3A_246 = tpu.vector_load_idx %arg16[%add3A_166, %add3A_241] : memref<128x128xf32, #tpu.memory_space<vmem>>[vector<16xi32>, vector<16xi32>], vector<16xf32>,
        %pack3A_247 = tpu.pack_subelements %gather3A, %gather3A_242 {pack_format = #tpu.pack_format<interleaved>, positions = array<i32: 0, 1>} : vector<16xf32>, vector<16xf32> -> vector<32xbf16>
        %pack3A_248 = tpu.pack_subelements %gather3A_243, %gather3A_244 {pack_format = #tpu.pack_format<interleaved>, positions = array<i32: 0, 1>} : vector<16xf32>, vector<16xf32> -> vector<32xbf16>
        %pack3A_249 = tpu.pack_subelements %gather3A_245, %gather3A_246 {pack_format = #tpu.pack_format<interleaved>, positions = array<i32: 0, 1>} : vector<16xf32>, vector<16xf32> -> vector<32xbf16>
        %mul3A_250 = arith.mulf %pack3A_247, %pack3A_247 : vector<32xbf16>
        %mul3A_251 = arith.mulf %pack3A_248, %pack3A_248 : vector<32xbf16>
        %mul3A_252 = arith.mulf %pack3A_214, %mul3A_250 : vector<32xbf16>
        %add3A_253 = arith.addf %mul3A_252, %pack3A : vector<32xbf16>
        %mul3A_254 = arith.mulf %add3A_253, %mul3A_250 : vector<32xbf16>
        %add3A_255 = arith.constant 1.000000e+00 : bf16
        %add3A_256 = vector.broadcast %add3A_255 : bf16 to vector<32xbf16>
        %add3A_257 = arith.addf %mul3A_254, %add3A_256 : vector<32xbf16>
        %mul3A_258 = arith.mulf %pack3A_216, %mul3A_251 : vector<32xbf16>
        %add3A_259 = arith.addf %mul3A_258, %pack3A_215 : vector<32xbf16>
        %mul3A_260 = arith.mulf %add3A_259, %mul3A_251 : vector<32xbf16>
        %add3A_261 = arith.constant 1.000000e+00 : bf16
        %add3A_262 = vector.broadcast %add3A_261 : bf16 to vector<32xbf16>
        %add3A_263 = arith.addf %mul3A_260, %add3A_262 : vector<32xbf16>
        %mul3A_264 = arith.mulf %pack3A_247, %pack3A_248 : vector<32xbf16>
        %mul3A_265 = arith.mulf %add3A_257, %add3A_263 : vector<32xbf16>
        %mul3A_266 = arith.mulf %mul3A_264, %mul3A_265 : vector<32xbf16>
        %mul3A_267 = arith.mulf %mul3A_266, %pack3A_249 : vector<32xbf16>
        %unpack3A = tpu.unpack_subelements %mul3A_267, 0 {pack_format = #tpu.pack_format<interleaved>} : vector<32xbf16> -> vector<16xf32>
        %unpack3A_268 = tpu.unpack_subelements %mul3A_267, 1 {pack_format = #tpu.pack_format<interleaved>} : vector<32xbf16> -> vector<16xf32>
        %add3A_269 = arith.addf %scan3A_231, %unpack3A : vector<16xf32>
        %add3A_270 = arith.addf %add3A_269, %unpack3A_268 : vector<16xf32>
        %add3A_271 = arith.constant 32 : i32
        %add3A_272 = vector.broadcast %add3A_271 : i32 to vector<16xi32>
        %add3A_273 = arith.addi %and3A_235, %add3A_272 : vector<16xi32>
        %add3A_274 = arith.constant 48 : i32
        %add3A_275 = vector.broadcast %add3A_274 : i32 to vector<16xi32>
        %add3A_276 = arith.addi %and3A_235, %add3A_275 : vector<16xi32>
        %gather3A_277 = tpu.vector_load_idx %arg14[%add3A_166, %add3A_273] : memref<128x128xf32, #tpu.memory_space<vmem>>[vector<16xi32>, vector<16xi32>], vector<16xf32>,
        %gather3A_278 = tpu.vector_load_idx %arg14[%add3A_166, %add3A_276] : memref<128x128xf32, #tpu.memory_space<vmem>>[vector<16xi32>, vector<16xi32>], vector<16xf32>,
        %gather3A_279 = tpu.vector_load_idx %arg15[%add3A_166, %add3A_273] : memref<128x128xf32, #tpu.memory_space<vmem>>[vector<16xi32>, vector<16xi32>], vector<16xf32>,
        %gather3A_280 = tpu.vector_load_idx %arg15[%add3A_166, %add3A_276] : memref<128x128xf32, #tpu.memory_space<vmem>>[vector<16xi32>, vector<16xi32>], vector<16xf32>,
        %gather3A_281 = tpu.vector_load_idx %arg16[%add3A_166, %add3A_273] : memref<128x128xf32, #tpu.memory_space<vmem>>[vector<16xi32>, vector<16xi32>], vector<16xf32>,
        %gather3A_282 = tpu.vector_load_idx %arg16[%add3A_166, %add3A_276] : memref<128x128xf32, #tpu.memory_space<vmem>>[vector<16xi32>, vector<16xi32>], vector<16xf32>,
        %pack3A_283 = tpu.pack_subelements %gather3A_277, %gather3A_278 {pack_format = #tpu.pack_format<interleaved>, positions = array<i32: 0, 1>} : vector<16xf32>, vector<16xf32> -> vector<32xbf16>
        %pack3A_284 = tpu.pack_subelements %gather3A_279, %gather3A_280 {pack_format = #tpu.pack_format<interleaved>, positions = array<i32: 0, 1>} : vector<16xf32>, vector<16xf32> -> vector<32xbf16>
        %pack3A_285 = tpu.pack_subelements %gather3A_281, %gather3A_282 {pack_format = #tpu.pack_format<interleaved>, positions = array<i32: 0, 1>} : vector<16xf32>, vector<16xf32> -> vector<32xbf16>
        %mul3A_286 = arith.mulf %pack3A_283, %pack3A_283 : vector<32xbf16>
        %mul3A_287 = arith.mulf %pack3A_284, %pack3A_284 : vector<32xbf16>
        %mul3A_288 = arith.mulf %pack3A_214, %mul3A_286 : vector<32xbf16>
        %add3A_289 = arith.addf %mul3A_288, %pack3A : vector<32xbf16>
        %mul3A_290 = arith.mulf %add3A_289, %mul3A_286 : vector<32xbf16>
        %add3A_291 = arith.constant 1.000000e+00 : bf16
        %add3A_292 = vector.broadcast %add3A_291 : bf16 to vector<32xbf16>
        %add3A_293 = arith.addf %mul3A_290, %add3A_292 : vector<32xbf16>
        %mul3A_294 = arith.mulf %pack3A_216, %mul3A_287 : vector<32xbf16>
        %add3A_295 = arith.addf %mul3A_294, %pack3A_215 : vector<32xbf16>
        %mul3A_296 = arith.mulf %add3A_295, %mul3A_287 : vector<32xbf16>
        %add3A_297 = arith.constant 1.000000e+00 : bf16
        %add3A_298 = vector.broadcast %add3A_297 : bf16 to vector<32xbf16>
        %add3A_299 = arith.addf %mul3A_296, %add3A_298 : vector<32xbf16>
        %mul3A_300 = arith.mulf %pack3A_283, %pack3A_284 : vector<32xbf16>
        %mul3A_301 = arith.mulf %add3A_293, %add3A_299 : vector<32xbf16>
        %mul3A_302 = arith.mulf %mul3A_300, %mul3A_301 : vector<32xbf16>
        %mul3A_303 = arith.mulf %mul3A_302, %pack3A_285 : vector<32xbf16>
        %unpack3A_304 = tpu.unpack_subelements %mul3A_303, 0 {pack_format = #tpu.pack_format<interleaved>} : vector<32xbf16> -> vector<16xf32>
        %unpack3A_305 = tpu.unpack_subelements %mul3A_303, 1 {pack_format = #tpu.pack_format<interleaved>} : vector<32xbf16> -> vector<16xf32>
        %add3A_306 = arith.addf %add3A_270, %unpack3A_304 : vector<16xf32>
        %add3A_307 = arith.addf %add3A_306, %unpack3A_305 : vector<16xf32>
        %add3A_308 = arith.constant 64 : i32
        %add3A_309 = vector.broadcast %add3A_308 : i32 to vector<16xi32>
        %add3A_310 = arith.addi %and3A_235, %add3A_309 : vector<16xi32>
        %add3A_311 = arith.constant 80 : i32
        %add3A_312 = vector.broadcast %add3A_311 : i32 to vector<16xi32>
        %add3A_313 = arith.addi %and3A_235, %add3A_312 : vector<16xi32>
        %gather3A_314 = tpu.vector_load_idx %arg14[%add3A_166, %add3A_310] : memref<128x128xf32, #tpu.memory_space<vmem>>[vector<16xi32>, vector<16xi32>], vector<16xf32>,
        %gather3A_315 = tpu.vector_load_idx %arg14[%add3A_166, %add3A_313] : memref<128x128xf32, #tpu.memory_space<vmem>>[vector<16xi32>, vector<16xi32>], vector<16xf32>,
        %gather3A_316 = tpu.vector_load_idx %arg15[%add3A_166, %add3A_310] : memref<128x128xf32, #tpu.memory_space<vmem>>[vector<16xi32>, vector<16xi32>], vector<16xf32>,
        %gather3A_317 = tpu.vector_load_idx %arg15[%add3A_166, %add3A_313] : memref<128x128xf32, #tpu.memory_space<vmem>>[vector<16xi32>, vector<16xi32>], vector<16xf32>,
        %gather3A_318 = tpu.vector_load_idx %arg16[%add3A_166, %add3A_310] : memref<128x128xf32, #tpu.memory_space<vmem>>[vector<16xi32>, vector<16xi32>], vector<16xf32>,
        %gather3A_319 = tpu.vector_load_idx %arg16[%add3A_166, %add3A_313] : memref<128x128xf32, #tpu.memory_space<vmem>>[vector<16xi32>, vector<16xi32>], vector<16xf32>,
        %pack3A_320 = tpu.pack_subelements %gather3A_314, %gather3A_315 {pack_format = #tpu.pack_format<interleaved>, positions = array<i32: 0, 1>} : vector<16xf32>, vector<16xf32> -> vector<32xbf16>
        %pack3A_321 = tpu.pack_subelements %gather3A_316, %gather3A_317 {pack_format = #tpu.pack_format<interleaved>, positions = array<i32: 0, 1>} : vector<16xf32>, vector<16xf32> -> vector<32xbf16>
        %pack3A_322 = tpu.pack_subelements %gather3A_318, %gather3A_319 {pack_format = #tpu.pack_format<interleaved>, positions = array<i32: 0, 1>} : vector<16xf32>, vector<16xf32> -> vector<32xbf16>
        %mul3A_323 = arith.mulf %pack3A_320, %pack3A_320 : vector<32xbf16>
        %mul3A_324 = arith.mulf %pack3A_321, %pack3A_321 : vector<32xbf16>
        %mul3A_325 = arith.mulf %pack3A_214, %mul3A_323 : vector<32xbf16>
        %add3A_326 = arith.addf %mul3A_325, %pack3A : vector<32xbf16>
        %mul3A_327 = arith.mulf %add3A_326, %mul3A_323 : vector<32xbf16>
        %add3A_328 = arith.constant 1.000000e+00 : bf16
        %add3A_329 = vector.broadcast %add3A_328 : bf16 to vector<32xbf16>
        %add3A_330 = arith.addf %mul3A_327, %add3A_329 : vector<32xbf16>
        %mul3A_331 = arith.mulf %pack3A_216, %mul3A_324 : vector<32xbf16>
        %add3A_332 = arith.addf %mul3A_331, %pack3A_215 : vector<32xbf16>
        %mul3A_333 = arith.mulf %add3A_332, %mul3A_324 : vector<32xbf16>
        %add3A_334 = arith.constant 1.000000e+00 : bf16
        %add3A_335 = vector.broadcast %add3A_334 : bf16 to vector<32xbf16>
        %add3A_336 = arith.addf %mul3A_333, %add3A_335 : vector<32xbf16>
        %mul3A_337 = arith.mulf %pack3A_320, %pack3A_321 : vector<32xbf16>
        %mul3A_338 = arith.mulf %add3A_330, %add3A_336 : vector<32xbf16>
        %mul3A_339 = arith.mulf %mul3A_337, %mul3A_338 : vector<32xbf16>
        %mul3A_340 = arith.mulf %mul3A_339, %pack3A_322 : vector<32xbf16>
        %unpack3A_341 = tpu.unpack_subelements %mul3A_340, 0 {pack_format = #tpu.pack_format<interleaved>} : vector<32xbf16> -> vector<16xf32>
        %unpack3A_342 = tpu.unpack_subelements %mul3A_340, 1 {pack_format = #tpu.pack_format<interleaved>} : vector<32xbf16> -> vector<16xf32>
        %add3A_343 = arith.addf %add3A_307, %unpack3A_341 : vector<16xf32>
        %add3A_344 = arith.addf %add3A_343, %unpack3A_342 : vector<16xf32>
        %add3A_345 = arith.constant 96 : i32
        %add3A_346 = vector.broadcast %add3A_345 : i32 to vector<16xi32>
        %add3A_347 = arith.addi %and3A_235, %add3A_346 : vector<16xi32>
        %add3A_348 = arith.constant 112 : i32
        %add3A_349 = vector.broadcast %add3A_348 : i32 to vector<16xi32>
        %add3A_350 = arith.addi %and3A_235, %add3A_349 : vector<16xi32>
        %gather3A_351 = tpu.vector_load_idx %arg14[%add3A_166, %add3A_347] : memref<128x128xf32, #tpu.memory_space<vmem>>[vector<16xi32>, vector<16xi32>], vector<16xf32>,
        %gather3A_352 = tpu.vector_load_idx %arg14[%add3A_166, %add3A_350] : memref<128x128xf32, #tpu.memory_space<vmem>>[vector<16xi32>, vector<16xi32>], vector<16xf32>,
        %gather3A_353 = tpu.vector_load_idx %arg15[%add3A_166, %add3A_347] : memref<128x128xf32, #tpu.memory_space<vmem>>[vector<16xi32>, vector<16xi32>], vector<16xf32>,
        %gather3A_354 = tpu.vector_load_idx %arg15[%add3A_166, %add3A_350] : memref<128x128xf32, #tpu.memory_space<vmem>>[vector<16xi32>, vector<16xi32>], vector<16xf32>,
        %gather3A_355 = tpu.vector_load_idx %arg16[%add3A_166, %add3A_347] : memref<128x128xf32, #tpu.memory_space<vmem>>[vector<16xi32>, vector<16xi32>], vector<16xf32>,
        %gather3A_356 = tpu.vector_load_idx %arg16[%add3A_166, %add3A_350] : memref<128x128xf32, #tpu.memory_space<vmem>>[vector<16xi32>, vector<16xi32>], vector<16xf32>,
        %pack3A_357 = tpu.pack_subelements %gather3A_351, %gather3A_352 {pack_format = #tpu.pack_format<interleaved>, positions = array<i32: 0, 1>} : vector<16xf32>, vector<16xf32> -> vector<32xbf16>
        %pack3A_358 = tpu.pack_subelements %gather3A_353, %gather3A_354 {pack_format = #tpu.pack_format<interleaved>, positions = array<i32: 0, 1>} : vector<16xf32>, vector<16xf32> -> vector<32xbf16>
        %pack3A_359 = tpu.pack_subelements %gather3A_355, %gather3A_356 {pack_format = #tpu.pack_format<interleaved>, positions = array<i32: 0, 1>} : vector<16xf32>, vector<16xf32> -> vector<32xbf16>
        %mul3A_360 = arith.mulf %pack3A_357, %pack3A_357 : vector<32xbf16>
        %mul3A_361 = arith.mulf %pack3A_358, %pack3A_358 : vector<32xbf16>
        %mul3A_362 = arith.mulf %pack3A_214, %mul3A_360 : vector<32xbf16>
        %add3A_363 = arith.addf %mul3A_362, %pack3A : vector<32xbf16>
        %mul3A_364 = arith.mulf %add3A_363, %mul3A_360 : vector<32xbf16>
        %add3A_365 = arith.constant 1.000000e+00 : bf16
        %add3A_366 = vector.broadcast %add3A_365 : bf16 to vector<32xbf16>
        %add3A_367 = arith.addf %mul3A_364, %add3A_366 : vector<32xbf16>
        %mul3A_368 = arith.mulf %pack3A_216, %mul3A_361 : vector<32xbf16>
        %add3A_369 = arith.addf %mul3A_368, %pack3A_215 : vector<32xbf16>
        %mul3A_370 = arith.mulf %add3A_369, %mul3A_361 : vector<32xbf16>
        %add3A_371 = arith.constant 1.000000e+00 : bf16
        %add3A_372 = vector.broadcast %add3A_371 : bf16 to vector<32xbf16>
        %add3A_373 = arith.addf %mul3A_370, %add3A_372 : vector<32xbf16>
        %mul3A_374 = arith.mulf %pack3A_357, %pack3A_358 : vector<32xbf16>
        %mul3A_375 = arith.mulf %add3A_367, %add3A_373 : vector<32xbf16>
        %mul3A_376 = arith.mulf %mul3A_374, %mul3A_375 : vector<32xbf16>
        %mul3A_377 = arith.mulf %mul3A_376, %pack3A_359 : vector<32xbf16>
        %unpack3A_378 = tpu.unpack_subelements %mul3A_377, 0 {pack_format = #tpu.pack_format<interleaved>} : vector<32xbf16> -> vector<16xf32>
        %unpack3A_379 = tpu.unpack_subelements %mul3A_377, 1 {pack_format = #tpu.pack_format<interleaved>} : vector<32xbf16> -> vector<16xf32>
        %add3A_380 = arith.addf %add3A_344, %unpack3A_378 : vector<16xf32>
        %add3A_381 = arith.addf %add3A_380, %unpack3A_379 : vector<16xf32>
        scf.yield %add3A_381 : vector<16xf32>
      }
      %scan3A_222 = arith.constant 16 : i32
      %mul3A_223 = arith.mulf %scan3A_221, %mul3A_196 : vector<16xf32>
      %mul3A_224 = arith.constant 16 : i32
      %mul3A_225 = arith.muli %scan3A_161, %mul3A_224 : i32
      %add3A_226 = arith.constant 128 : i32
      %add3A_227 = arith.addi %add3A_226, %mul3A_225 : i32
      %swap3A = arith.index_cast %add3A_227 : i32 to index
      %swap3A_228 = tpu.vector_load %arg17[%swap3A] {strides = array<i32>} : memref<512xf32, #tpu.memory_space<vmem>>, vector<16xf32>,
      tpu.vector_store %arg17[%swap3A], %mul3A_223 {strides = array<i32>} : memref<512xf32, #tpu.memory_space<vmem>>, vector<16xf32>,
      %scan3A_229 = arith.constant 0 : i32
      scf.yield %scan3A_229 : i32
    }
    %scan3A_101 = arith.constant 8 : i32
    %dma_wait3A_102 = arith.constant 256 : i32
    %dma_wait3A_103 = tpu.memref_slice %arg8[%dma_wait3A_102] : memref<512xi32, #tpu.memory_space<vmem>> -> memref<128xi32, #tpu.memory_space<vmem>>
    %dma_wait3A_104 = arith.constant 0 : i32
    %dma_wait3A_105 = arith.constant 0 : i32
    %dma_wait3A_106 = tpu.memref_slice %arg5[%dma_wait3A_104, %dma_wait3A_105] : memref<100000x128xf32, #tpu.memory_space<hbm>> -> memref<100000x128xf32, #tpu.memory_space<hbm>>
    tpu.wait_indirect_dma semaphore(%arg18 : memref<!tpu.dma_semaphore, #tpu.memory_space<semaphore_mem>>) src(%dma_wait3A_106 : memref<100000x128xf32, #tpu.memory_space<hbm>>) dst(%arg11 : memref<128x128xf32, #tpu.memory_space<vmem>>)
    %dma_wait3A_107 = arith.constant 256 : i32
    %dma_wait3A_108 = tpu.memref_slice %arg10[%dma_wait3A_107] : memref<512xi32, #tpu.memory_space<vmem>> -> memref<128xi32, #tpu.memory_space<vmem>>
    %dma_wait3A_109 = arith.constant 0 : i32
    %dma_wait3A_110 = arith.constant 0 : i32
    %dma_wait3A_111 = tpu.memref_slice %arg5[%dma_wait3A_109, %dma_wait3A_110] : memref<100000x128xf32, #tpu.memory_space<hbm>> -> memref<100000x128xf32, #tpu.memory_space<hbm>>
    tpu.wait_indirect_dma semaphore(%arg18 : memref<!tpu.dma_semaphore, #tpu.memory_space<semaphore_mem>>) src(%dma_wait3A_111 : memref<100000x128xf32, #tpu.memory_space<hbm>>) dst(%arg12 : memref<128x128xf32, #tpu.memory_space<vmem>>)
    %dma_wait3A_112 = arith.constant 256 : i32
    %dma_wait3A_113 = tpu.memref_slice %arg9[%dma_wait3A_112] : memref<512xi32, #tpu.memory_space<vmem>> -> memref<128xi32, #tpu.memory_space<vmem>>
    %dma_wait3A_114 = arith.constant 0 : i32
    %dma_wait3A_115 = arith.constant 0 : i32
    %dma_wait3A_116 = tpu.memref_slice %arg6[%dma_wait3A_114, %dma_wait3A_115] : memref<1000x128xf32, #tpu.memory_space<hbm>> -> memref<1000x128xf32, #tpu.memory_space<hbm>>
    tpu.wait_indirect_dma semaphore(%arg18 : memref<!tpu.dma_semaphore, #tpu.memory_space<semaphore_mem>>) src(%dma_wait3A_116 : memref<1000x128xf32, #tpu.memory_space<hbm>>) dst(%arg13 : memref<128x128xf32, #tpu.memory_space<vmem>>)
    %dma_start3A_117 = arith.constant 384 : i32
    %dma_start3A_118 = tpu.memref_slice %arg8[%dma_start3A_117] : memref<512xi32, #tpu.memory_space<vmem>> -> memref<128xi32, #tpu.memory_space<vmem>>
    %dma_start3A_119 = arith.constant 0 : i32
    %dma_start3A_120 = arith.constant 0 : i32
    %dma_start3A_121 = tpu.memref_slice %arg5[%dma_start3A_119, %dma_start3A_120] : memref<100000x128xf32, #tpu.memory_space<hbm>> -> memref<100000x128xf32, #tpu.memory_space<hbm>>
    tpu.enqueue_indirect_dma source(%dma_start3A_121 : memref<100000x128xf32, #tpu.memory_space<hbm>>) target(%arg14 : memref<128x128xf32, #tpu.memory_space<vmem>>) offsets(%dma_start3A_118 : memref<128xi32, #tpu.memory_space<vmem>>) semaphore(%arg19 : memref<!tpu.dma_semaphore, #tpu.memory_space<semaphore_mem>>)
    %dma_start3A_122 = arith.constant 384 : i32
    %dma_start3A_123 = tpu.memref_slice %arg10[%dma_start3A_122] : memref<512xi32, #tpu.memory_space<vmem>> -> memref<128xi32, #tpu.memory_space<vmem>>
    %dma_start3A_124 = arith.constant 0 : i32
    %dma_start3A_125 = arith.constant 0 : i32
    %dma_start3A_126 = tpu.memref_slice %arg5[%dma_start3A_124, %dma_start3A_125] : memref<100000x128xf32, #tpu.memory_space<hbm>> -> memref<100000x128xf32, #tpu.memory_space<hbm>>
    tpu.enqueue_indirect_dma source(%dma_start3A_126 : memref<100000x128xf32, #tpu.memory_space<hbm>>) target(%arg15 : memref<128x128xf32, #tpu.memory_space<vmem>>) offsets(%dma_start3A_123 : memref<128xi32, #tpu.memory_space<vmem>>) semaphore(%arg19 : memref<!tpu.dma_semaphore, #tpu.memory_space<semaphore_mem>>)
    %dma_start3A_127 = arith.constant 384 : i32
    %dma_start3A_128 = tpu.memref_slice %arg9[%dma_start3A_127] : memref<512xi32, #tpu.memory_space<vmem>> -> memref<128xi32, #tpu.memory_space<vmem>>
    %dma_start3A_129 = arith.constant 0 : i32
    %dma_start3A_130 = arith.constant 0 : i32
    %dma_start3A_131 = tpu.memref_slice %arg6[%dma_start3A_129, %dma_start3A_130] : memref<1000x128xf32, #tpu.memory_space<hbm>> -> memref<1000x128xf32, #tpu.memory_space<hbm>>
    tpu.enqueue_indirect_dma source(%dma_start3A_131 : memref<1000x128xf32, #tpu.memory_space<hbm>>) target(%arg16 : memref<128x128xf32, #tpu.memory_space<vmem>>) offsets(%dma_start3A_128 : memref<128xi32, #tpu.memory_space<vmem>>) semaphore(%arg19 : memref<!tpu.dma_semaphore, #tpu.memory_space<semaphore_mem>>)
    %scan3A_132 = arith.constant 0 : i32
    %scan3A_133 = arith.constant 0 : i32
    %scan3A_134 = arith.constant 8 : i32
    %scan3A_135 = arith.addi %scan3A_133, %scan3A_134 : i32
    %scan3A_136 = arith.constant 1 : i32
    %scan3A_137 = scf.for %scan3A_161 = %scan3A_133 to %scan3A_135 step %scan3A_136 iter_args(%scan3A_162 = %scan3A_132) -> (i32)  : i32 {
      %mul3A_163 = arith.constant 16 : i32
      %mul3A_164 = arith.muli %scan3A_161, %mul3A_163 : i32
      %add3A_165 = vector.broadcast %mul3A_164 : i32 to vector<16xi32>
      %add3A_166 = arith.addi %add3A_165, %iota3A : vector<16xi32>
      %scan3A_167 = arith.constant 0 : i32
      %scan3A_168 = arith.constant 16 : i32
      %scan3A_169 = arith.addi %scan3A_167, %scan3A_168 : i32
      %scan3A_170 = arith.constant 1 : i32
      %scan3A_171:2 = scf.for %scan3A_230 = %scan3A_167 to %scan3A_169 step %scan3A_170 iter_args(%scan3A_231 = %broadcast_in_dim3A_13, %scan3A_232 = %broadcast_in_dim3A_13) -> (vector<16xf32>, vector<16xf32>)  : i32 {
        %add3A_233 = vector.broadcast %scan3A_230 : i32 to vector<16xi32>
        %add3A_234 = arith.addi %add3A_233, %iota3A : vector<16xi32>
        %and3A = arith.constant 15 : i32
        %and3A_235 = vector.broadcast %and3A : i32 to vector<16xi32>
        %and3A_236 = arith.andi %add3A_234, %and3A_235 : vector<16xi32>
        %add3A_237 = arith.constant 0 : i32
        %add3A_238 = vector.broadcast %add3A_237 : i32 to vector<16xi32>
        %add3A_239 = arith.addi %and3A_236, %add3A_238 : vector<16xi32>
        %gather3A = tpu.vector_load_idx %arg11[%add3A_166, %add3A_239] : memref<128x128xf32, #tpu.memory_space<vmem>>[vector<16xi32>, vector<16xi32>], vector<16xf32>,
        %gather3A_240 = tpu.vector_load_idx %arg12[%add3A_166, %add3A_239] : memref<128x128xf32, #tpu.memory_space<vmem>>[vector<16xi32>, vector<16xi32>], vector<16xf32>,
        %mul3A_241 = arith.mulf %gather3A, %gather3A : vector<16xf32>
        %add3A_242 = arith.addf %scan3A_231, %mul3A_241 : vector<16xf32>
        %mul3A_243 = arith.mulf %gather3A_240, %gather3A_240 : vector<16xf32>
        %add3A_244 = arith.addf %scan3A_232, %mul3A_243 : vector<16xf32>
        %add3A_245 = arith.constant 16 : i32
        %add3A_246 = vector.broadcast %add3A_245 : i32 to vector<16xi32>
        %add3A_247 = arith.addi %and3A_236, %add3A_246 : vector<16xi32>
        %gather3A_248 = tpu.vector_load_idx %arg11[%add3A_166, %add3A_247] : memref<128x128xf32, #tpu.memory_space<vmem>>[vector<16xi32>, vector<16xi32>], vector<16xf32>,
        %gather3A_249 = tpu.vector_load_idx %arg12[%add3A_166, %add3A_247] : memref<128x128xf32, #tpu.memory_space<vmem>>[vector<16xi32>, vector<16xi32>], vector<16xf32>,
        %mul3A_250 = arith.mulf %gather3A_248, %gather3A_248 : vector<16xf32>
        %add3A_251 = arith.addf %add3A_242, %mul3A_250 : vector<16xf32>
        %mul3A_252 = arith.mulf %gather3A_249, %gather3A_249 : vector<16xf32>
        %add3A_253 = arith.addf %add3A_244, %mul3A_252 : vector<16xf32>
        %add3A_254 = arith.constant 32 : i32
        %add3A_255 = vector.broadcast %add3A_254 : i32 to vector<16xi32>
        %add3A_256 = arith.addi %and3A_236, %add3A_255 : vector<16xi32>
        %gather3A_257 = tpu.vector_load_idx %arg11[%add3A_166, %add3A_256] : memref<128x128xf32, #tpu.memory_space<vmem>>[vector<16xi32>, vector<16xi32>], vector<16xf32>,
        %gather3A_258 = tpu.vector_load_idx %arg12[%add3A_166, %add3A_256] : memref<128x128xf32, #tpu.memory_space<vmem>>[vector<16xi32>, vector<16xi32>], vector<16xf32>,
        %mul3A_259 = arith.mulf %gather3A_257, %gather3A_257 : vector<16xf32>
        %add3A_260 = arith.addf %add3A_251, %mul3A_259 : vector<16xf32>
        %mul3A_261 = arith.mulf %gather3A_258, %gather3A_258 : vector<16xf32>
        %add3A_262 = arith.addf %add3A_253, %mul3A_261 : vector<16xf32>
        %add3A_263 = arith.constant 48 : i32
        %add3A_264 = vector.broadcast %add3A_263 : i32 to vector<16xi32>
        %add3A_265 = arith.addi %and3A_236, %add3A_264 : vector<16xi32>
        %gather3A_266 = tpu.vector_load_idx %arg11[%add3A_166, %add3A_265] : memref<128x128xf32, #tpu.memory_space<vmem>>[vector<16xi32>, vector<16xi32>], vector<16xf32>,
        %gather3A_267 = tpu.vector_load_idx %arg12[%add3A_166, %add3A_265] : memref<128x128xf32, #tpu.memory_space<vmem>>[vector<16xi32>, vector<16xi32>], vector<16xf32>,
        %mul3A_268 = arith.mulf %gather3A_266, %gather3A_266 : vector<16xf32>
        %add3A_269 = arith.addf %add3A_260, %mul3A_268 : vector<16xf32>
        %mul3A_270 = arith.mulf %gather3A_267, %gather3A_267 : vector<16xf32>
        %add3A_271 = arith.addf %add3A_262, %mul3A_270 : vector<16xf32>
        %add3A_272 = arith.constant 64 : i32
        %add3A_273 = vector.broadcast %add3A_272 : i32 to vector<16xi32>
        %add3A_274 = arith.addi %and3A_236, %add3A_273 : vector<16xi32>
        %gather3A_275 = tpu.vector_load_idx %arg11[%add3A_166, %add3A_274] : memref<128x128xf32, #tpu.memory_space<vmem>>[vector<16xi32>, vector<16xi32>], vector<16xf32>,
        %gather3A_276 = tpu.vector_load_idx %arg12[%add3A_166, %add3A_274] : memref<128x128xf32, #tpu.memory_space<vmem>>[vector<16xi32>, vector<16xi32>], vector<16xf32>,
        %mul3A_277 = arith.mulf %gather3A_275, %gather3A_275 : vector<16xf32>
        %add3A_278 = arith.addf %add3A_269, %mul3A_277 : vector<16xf32>
        %mul3A_279 = arith.mulf %gather3A_276, %gather3A_276 : vector<16xf32>
        %add3A_280 = arith.addf %add3A_271, %mul3A_279 : vector<16xf32>
        %add3A_281 = arith.constant 80 : i32
        %add3A_282 = vector.broadcast %add3A_281 : i32 to vector<16xi32>
        %add3A_283 = arith.addi %and3A_236, %add3A_282 : vector<16xi32>
        %gather3A_284 = tpu.vector_load_idx %arg11[%add3A_166, %add3A_283] : memref<128x128xf32, #tpu.memory_space<vmem>>[vector<16xi32>, vector<16xi32>], vector<16xf32>,
        %gather3A_285 = tpu.vector_load_idx %arg12[%add3A_166, %add3A_283] : memref<128x128xf32, #tpu.memory_space<vmem>>[vector<16xi32>, vector<16xi32>], vector<16xf32>,
        %mul3A_286 = arith.mulf %gather3A_284, %gather3A_284 : vector<16xf32>
        %add3A_287 = arith.addf %add3A_278, %mul3A_286 : vector<16xf32>
        %mul3A_288 = arith.mulf %gather3A_285, %gather3A_285 : vector<16xf32>
        %add3A_289 = arith.addf %add3A_280, %mul3A_288 : vector<16xf32>
        %add3A_290 = arith.constant 96 : i32
        %add3A_291 = vector.broadcast %add3A_290 : i32 to vector<16xi32>
        %add3A_292 = arith.addi %and3A_236, %add3A_291 : vector<16xi32>
        %gather3A_293 = tpu.vector_load_idx %arg11[%add3A_166, %add3A_292] : memref<128x128xf32, #tpu.memory_space<vmem>>[vector<16xi32>, vector<16xi32>], vector<16xf32>,
        %gather3A_294 = tpu.vector_load_idx %arg12[%add3A_166, %add3A_292] : memref<128x128xf32, #tpu.memory_space<vmem>>[vector<16xi32>, vector<16xi32>], vector<16xf32>,
        %mul3A_295 = arith.mulf %gather3A_293, %gather3A_293 : vector<16xf32>
        %add3A_296 = arith.addf %add3A_287, %mul3A_295 : vector<16xf32>
        %mul3A_297 = arith.mulf %gather3A_294, %gather3A_294 : vector<16xf32>
        %add3A_298 = arith.addf %add3A_289, %mul3A_297 : vector<16xf32>
        %add3A_299 = arith.constant 112 : i32
        %add3A_300 = vector.broadcast %add3A_299 : i32 to vector<16xi32>
        %add3A_301 = arith.addi %and3A_236, %add3A_300 : vector<16xi32>
        %gather3A_302 = tpu.vector_load_idx %arg11[%add3A_166, %add3A_301] : memref<128x128xf32, #tpu.memory_space<vmem>>[vector<16xi32>, vector<16xi32>], vector<16xf32>,
        %gather3A_303 = tpu.vector_load_idx %arg12[%add3A_166, %add3A_301] : memref<128x128xf32, #tpu.memory_space<vmem>>[vector<16xi32>, vector<16xi32>], vector<16xf32>,
        %mul3A_304 = arith.mulf %gather3A_302, %gather3A_302 : vector<16xf32>
        %add3A_305 = arith.addf %add3A_296, %mul3A_304 : vector<16xf32>
        %mul3A_306 = arith.mulf %gather3A_303, %gather3A_303 : vector<16xf32>
        %add3A_307 = arith.addf %add3A_298, %mul3A_306 : vector<16xf32>
        scf.yield %add3A_305, %add3A_307 : vector<16xf32>, vector<16xf32>
      }
      %scan3A_172 = arith.constant 16 : i32
      %mul3A_173 = arith.mulf %scan3A_171#0, %scan3A_171#1 : vector<16xf32>
      %bitcast3A = vector.bitcast %mul3A_173 : vector<16xf32> to vector<16xi32>
      %shift_right_arithmetic3A = arith.constant 1 : i32
      %shift_right_arithmetic3A_174 = vector.broadcast %shift_right_arithmetic3A : i32 to vector<16xi32>
      %shift_right_arithmetic3A_175 = arith.shrsi %bitcast3A, %shift_right_arithmetic3A_174 : vector<16xi32>
      %sub3A = arith.constant 1597463007 : i32
      %sub3A_176 = vector.broadcast %sub3A : i32 to vector<16xi32>
      %sub3A_177 = arith.subi %sub3A_176, %shift_right_arithmetic3A_175 : vector<16xi32>
      %bitcast3A_178 = vector.bitcast %sub3A_177 : vector<16xi32> to vector<16xf32>
      %mul3A_179 = arith.constant 5.000000e-01 : f32
      %mul3A_180 = vector.broadcast %mul3A_179 : f32 to vector<16xf32>
      %mul3A_181 = arith.mulf %mul3A_180, %mul3A_173 : vector<16xf32>
      %mul3A_182 = arith.mulf %mul3A_181, %bitcast3A_178 : vector<16xf32>
      %mul3A_183 = arith.mulf %mul3A_182, %bitcast3A_178 : vector<16xf32>
      %sub3A_184 = arith.constant 1.500000e+00 : f32
      %sub3A_185 = vector.broadcast %sub3A_184 : f32 to vector<16xf32>
      %sub3A_186 = arith.subf %sub3A_185, %mul3A_183 : vector<16xf32>
      %mul3A_187 = arith.mulf %bitcast3A_178, %sub3A_186 : vector<16xf32>
      %mul3A_188 = arith.constant 5.000000e-01 : f32
      %mul3A_189 = vector.broadcast %mul3A_188 : f32 to vector<16xf32>
      %mul3A_190 = arith.mulf %mul3A_189, %mul3A_173 : vector<16xf32>
      %mul3A_191 = arith.mulf %mul3A_190, %mul3A_187 : vector<16xf32>
      %mul3A_192 = arith.mulf %mul3A_191, %mul3A_187 : vector<16xf32>
      %sub3A_193 = arith.constant 1.500000e+00 : f32
      %sub3A_194 = vector.broadcast %sub3A_193 : f32 to vector<16xf32>
      %sub3A_195 = arith.subf %sub3A_194, %mul3A_192 : vector<16xf32>
      %mul3A_196 = arith.mulf %mul3A_187, %sub3A_195 : vector<16xf32>
      %mul3A_197 = arith.mulf %mul3A_196, %mul3A_196 : vector<16xf32>
      %mul3A_198 = arith.mulf %mul3A_197, %scan3A_171#1 : vector<16xf32>
      %mul3A_199 = arith.mulf %mul3A_197, %scan3A_171#0 : vector<16xf32>
      %mul3A_200 = arith.constant -0.317531466 : f32
      %mul3A_201 = vector.broadcast %mul3A_200 : f32 to vector<16xf32>
      %mul3A_202 = arith.mulf %mul3A_201, %mul3A_198 : vector<16xf32>
      %mul3A_203 = arith.mulf %mul3A_198, %mul3A_198 : vector<16xf32>
      %mul3A_204 = arith.constant 7.981710e-02 : f32
      %mul3A_205 = vector.broadcast %mul3A_204 : f32 to vector<16xf32>
      %mul3A_206 = arith.mulf %mul3A_205, %mul3A_203 : vector<16xf32>
      %mul3A_207 = arith.constant -0.317531466 : f32
      %mul3A_208 = vector.broadcast %mul3A_207 : f32 to vector<16xf32>
      %mul3A_209 = arith.mulf %mul3A_208, %mul3A_199 : vector<16xf32>
      %mul3A_210 = arith.mulf %mul3A_199, %mul3A_199 : vector<16xf32>
      %mul3A_211 = arith.constant 7.981710e-02 : f32
      %mul3A_212 = vector.broadcast %mul3A_211 : f32 to vector<16xf32>
      %mul3A_213 = arith.mulf %mul3A_212, %mul3A_210 : vector<16xf32>
      %pack3A = tpu.pack_subelements %mul3A_202, %mul3A_202 {pack_format = #tpu.pack_format<interleaved>, positions = array<i32: 0, 1>} : vector<16xf32>, vector<16xf32> -> vector<32xbf16>
      %pack3A_214 = tpu.pack_subelements %mul3A_206, %mul3A_206 {pack_format = #tpu.pack_format<interleaved>, positions = array<i32: 0, 1>} : vector<16xf32>, vector<16xf32> -> vector<32xbf16>
      %pack3A_215 = tpu.pack_subelements %mul3A_209, %mul3A_209 {pack_format = #tpu.pack_format<interleaved>, positions = array<i32: 0, 1>} : vector<16xf32>, vector<16xf32> -> vector<32xbf16>
      %pack3A_216 = tpu.pack_subelements %mul3A_213, %mul3A_213 {pack_format = #tpu.pack_format<interleaved>, positions = array<i32: 0, 1>} : vector<16xf32>, vector<16xf32> -> vector<32xbf16>
      %scan3A_217 = arith.constant 0 : i32
      %scan3A_218 = arith.constant 16 : i32
      %scan3A_219 = arith.addi %scan3A_217, %scan3A_218 : i32
      %scan3A_220 = arith.constant 1 : i32
      %scan3A_221 = scf.for %scan3A_230 = %scan3A_217 to %scan3A_219 step %scan3A_220 iter_args(%scan3A_231 = %broadcast_in_dim3A_13) -> (vector<16xf32>)  : i32 {
        %add3A_232 = vector.broadcast %scan3A_230 : i32 to vector<16xi32>
        %add3A_233 = arith.addi %add3A_232, %iota3A : vector<16xi32>
        %and3A = arith.constant 15 : i32
        %and3A_234 = vector.broadcast %and3A : i32 to vector<16xi32>
        %and3A_235 = arith.andi %add3A_233, %and3A_234 : vector<16xi32>
        %add3A_236 = arith.constant 0 : i32
        %add3A_237 = vector.broadcast %add3A_236 : i32 to vector<16xi32>
        %add3A_238 = arith.addi %and3A_235, %add3A_237 : vector<16xi32>
        %add3A_239 = arith.constant 16 : i32
        %add3A_240 = vector.broadcast %add3A_239 : i32 to vector<16xi32>
        %add3A_241 = arith.addi %and3A_235, %add3A_240 : vector<16xi32>
        %gather3A = tpu.vector_load_idx %arg11[%add3A_166, %add3A_238] : memref<128x128xf32, #tpu.memory_space<vmem>>[vector<16xi32>, vector<16xi32>], vector<16xf32>,
        %gather3A_242 = tpu.vector_load_idx %arg11[%add3A_166, %add3A_241] : memref<128x128xf32, #tpu.memory_space<vmem>>[vector<16xi32>, vector<16xi32>], vector<16xf32>,
        %gather3A_243 = tpu.vector_load_idx %arg12[%add3A_166, %add3A_238] : memref<128x128xf32, #tpu.memory_space<vmem>>[vector<16xi32>, vector<16xi32>], vector<16xf32>,
        %gather3A_244 = tpu.vector_load_idx %arg12[%add3A_166, %add3A_241] : memref<128x128xf32, #tpu.memory_space<vmem>>[vector<16xi32>, vector<16xi32>], vector<16xf32>,
        %gather3A_245 = tpu.vector_load_idx %arg13[%add3A_166, %add3A_238] : memref<128x128xf32, #tpu.memory_space<vmem>>[vector<16xi32>, vector<16xi32>], vector<16xf32>,
        %gather3A_246 = tpu.vector_load_idx %arg13[%add3A_166, %add3A_241] : memref<128x128xf32, #tpu.memory_space<vmem>>[vector<16xi32>, vector<16xi32>], vector<16xf32>,
        %pack3A_247 = tpu.pack_subelements %gather3A, %gather3A_242 {pack_format = #tpu.pack_format<interleaved>, positions = array<i32: 0, 1>} : vector<16xf32>, vector<16xf32> -> vector<32xbf16>
        %pack3A_248 = tpu.pack_subelements %gather3A_243, %gather3A_244 {pack_format = #tpu.pack_format<interleaved>, positions = array<i32: 0, 1>} : vector<16xf32>, vector<16xf32> -> vector<32xbf16>
        %pack3A_249 = tpu.pack_subelements %gather3A_245, %gather3A_246 {pack_format = #tpu.pack_format<interleaved>, positions = array<i32: 0, 1>} : vector<16xf32>, vector<16xf32> -> vector<32xbf16>
        %mul3A_250 = arith.mulf %pack3A_247, %pack3A_247 : vector<32xbf16>
        %mul3A_251 = arith.mulf %pack3A_248, %pack3A_248 : vector<32xbf16>
        %mul3A_252 = arith.mulf %pack3A_214, %mul3A_250 : vector<32xbf16>
        %add3A_253 = arith.addf %mul3A_252, %pack3A : vector<32xbf16>
        %mul3A_254 = arith.mulf %add3A_253, %mul3A_250 : vector<32xbf16>
        %add3A_255 = arith.constant 1.000000e+00 : bf16
        %add3A_256 = vector.broadcast %add3A_255 : bf16 to vector<32xbf16>
        %add3A_257 = arith.addf %mul3A_254, %add3A_256 : vector<32xbf16>
        %mul3A_258 = arith.mulf %pack3A_216, %mul3A_251 : vector<32xbf16>
        %add3A_259 = arith.addf %mul3A_258, %pack3A_215 : vector<32xbf16>
        %mul3A_260 = arith.mulf %add3A_259, %mul3A_251 : vector<32xbf16>
        %add3A_261 = arith.constant 1.000000e+00 : bf16
        %add3A_262 = vector.broadcast %add3A_261 : bf16 to vector<32xbf16>
        %add3A_263 = arith.addf %mul3A_260, %add3A_262 : vector<32xbf16>
        %mul3A_264 = arith.mulf %pack3A_247, %pack3A_248 : vector<32xbf16>
        %mul3A_265 = arith.mulf %add3A_257, %add3A_263 : vector<32xbf16>
        %mul3A_266 = arith.mulf %mul3A_264, %mul3A_265 : vector<32xbf16>
        %mul3A_267 = arith.mulf %mul3A_266, %pack3A_249 : vector<32xbf16>
        %unpack3A = tpu.unpack_subelements %mul3A_267, 0 {pack_format = #tpu.pack_format<interleaved>} : vector<32xbf16> -> vector<16xf32>
        %unpack3A_268 = tpu.unpack_subelements %mul3A_267, 1 {pack_format = #tpu.pack_format<interleaved>} : vector<32xbf16> -> vector<16xf32>
        %add3A_269 = arith.addf %scan3A_231, %unpack3A : vector<16xf32>
        %add3A_270 = arith.addf %add3A_269, %unpack3A_268 : vector<16xf32>
        %add3A_271 = arith.constant 32 : i32
        %add3A_272 = vector.broadcast %add3A_271 : i32 to vector<16xi32>
        %add3A_273 = arith.addi %and3A_235, %add3A_272 : vector<16xi32>
        %add3A_274 = arith.constant 48 : i32
        %add3A_275 = vector.broadcast %add3A_274 : i32 to vector<16xi32>
        %add3A_276 = arith.addi %and3A_235, %add3A_275 : vector<16xi32>
        %gather3A_277 = tpu.vector_load_idx %arg11[%add3A_166, %add3A_273] : memref<128x128xf32, #tpu.memory_space<vmem>>[vector<16xi32>, vector<16xi32>], vector<16xf32>,
        %gather3A_278 = tpu.vector_load_idx %arg11[%add3A_166, %add3A_276] : memref<128x128xf32, #tpu.memory_space<vmem>>[vector<16xi32>, vector<16xi32>], vector<16xf32>,
        %gather3A_279 = tpu.vector_load_idx %arg12[%add3A_166, %add3A_273] : memref<128x128xf32, #tpu.memory_space<vmem>>[vector<16xi32>, vector<16xi32>], vector<16xf32>,
        %gather3A_280 = tpu.vector_load_idx %arg12[%add3A_166, %add3A_276] : memref<128x128xf32, #tpu.memory_space<vmem>>[vector<16xi32>, vector<16xi32>], vector<16xf32>,
        %gather3A_281 = tpu.vector_load_idx %arg13[%add3A_166, %add3A_273] : memref<128x128xf32, #tpu.memory_space<vmem>>[vector<16xi32>, vector<16xi32>], vector<16xf32>,
        %gather3A_282 = tpu.vector_load_idx %arg13[%add3A_166, %add3A_276] : memref<128x128xf32, #tpu.memory_space<vmem>>[vector<16xi32>, vector<16xi32>], vector<16xf32>,
        %pack3A_283 = tpu.pack_subelements %gather3A_277, %gather3A_278 {pack_format = #tpu.pack_format<interleaved>, positions = array<i32: 0, 1>} : vector<16xf32>, vector<16xf32> -> vector<32xbf16>
        %pack3A_284 = tpu.pack_subelements %gather3A_279, %gather3A_280 {pack_format = #tpu.pack_format<interleaved>, positions = array<i32: 0, 1>} : vector<16xf32>, vector<16xf32> -> vector<32xbf16>
        %pack3A_285 = tpu.pack_subelements %gather3A_281, %gather3A_282 {pack_format = #tpu.pack_format<interleaved>, positions = array<i32: 0, 1>} : vector<16xf32>, vector<16xf32> -> vector<32xbf16>
        %mul3A_286 = arith.mulf %pack3A_283, %pack3A_283 : vector<32xbf16>
        %mul3A_287 = arith.mulf %pack3A_284, %pack3A_284 : vector<32xbf16>
        %mul3A_288 = arith.mulf %pack3A_214, %mul3A_286 : vector<32xbf16>
        %add3A_289 = arith.addf %mul3A_288, %pack3A : vector<32xbf16>
        %mul3A_290 = arith.mulf %add3A_289, %mul3A_286 : vector<32xbf16>
        %add3A_291 = arith.constant 1.000000e+00 : bf16
        %add3A_292 = vector.broadcast %add3A_291 : bf16 to vector<32xbf16>
        %add3A_293 = arith.addf %mul3A_290, %add3A_292 : vector<32xbf16>
        %mul3A_294 = arith.mulf %pack3A_216, %mul3A_287 : vector<32xbf16>
        %add3A_295 = arith.addf %mul3A_294, %pack3A_215 : vector<32xbf16>
        %mul3A_296 = arith.mulf %add3A_295, %mul3A_287 : vector<32xbf16>
        %add3A_297 = arith.constant 1.000000e+00 : bf16
        %add3A_298 = vector.broadcast %add3A_297 : bf16 to vector<32xbf16>
        %add3A_299 = arith.addf %mul3A_296, %add3A_298 : vector<32xbf16>
        %mul3A_300 = arith.mulf %pack3A_283, %pack3A_284 : vector<32xbf16>
        %mul3A_301 = arith.mulf %add3A_293, %add3A_299 : vector<32xbf16>
        %mul3A_302 = arith.mulf %mul3A_300, %mul3A_301 : vector<32xbf16>
        %mul3A_303 = arith.mulf %mul3A_302, %pack3A_285 : vector<32xbf16>
        %unpack3A_304 = tpu.unpack_subelements %mul3A_303, 0 {pack_format = #tpu.pack_format<interleaved>} : vector<32xbf16> -> vector<16xf32>
        %unpack3A_305 = tpu.unpack_subelements %mul3A_303, 1 {pack_format = #tpu.pack_format<interleaved>} : vector<32xbf16> -> vector<16xf32>
        %add3A_306 = arith.addf %add3A_270, %unpack3A_304 : vector<16xf32>
        %add3A_307 = arith.addf %add3A_306, %unpack3A_305 : vector<16xf32>
        %add3A_308 = arith.constant 64 : i32
        %add3A_309 = vector.broadcast %add3A_308 : i32 to vector<16xi32>
        %add3A_310 = arith.addi %and3A_235, %add3A_309 : vector<16xi32>
        %add3A_311 = arith.constant 80 : i32
        %add3A_312 = vector.broadcast %add3A_311 : i32 to vector<16xi32>
        %add3A_313 = arith.addi %and3A_235, %add3A_312 : vector<16xi32>
        %gather3A_314 = tpu.vector_load_idx %arg11[%add3A_166, %add3A_310] : memref<128x128xf32, #tpu.memory_space<vmem>>[vector<16xi32>, vector<16xi32>], vector<16xf32>,
        %gather3A_315 = tpu.vector_load_idx %arg11[%add3A_166, %add3A_313] : memref<128x128xf32, #tpu.memory_space<vmem>>[vector<16xi32>, vector<16xi32>], vector<16xf32>,
        %gather3A_316 = tpu.vector_load_idx %arg12[%add3A_166, %add3A_310] : memref<128x128xf32, #tpu.memory_space<vmem>>[vector<16xi32>, vector<16xi32>], vector<16xf32>,
        %gather3A_317 = tpu.vector_load_idx %arg12[%add3A_166, %add3A_313] : memref<128x128xf32, #tpu.memory_space<vmem>>[vector<16xi32>, vector<16xi32>], vector<16xf32>,
        %gather3A_318 = tpu.vector_load_idx %arg13[%add3A_166, %add3A_310] : memref<128x128xf32, #tpu.memory_space<vmem>>[vector<16xi32>, vector<16xi32>], vector<16xf32>,
        %gather3A_319 = tpu.vector_load_idx %arg13[%add3A_166, %add3A_313] : memref<128x128xf32, #tpu.memory_space<vmem>>[vector<16xi32>, vector<16xi32>], vector<16xf32>,
        %pack3A_320 = tpu.pack_subelements %gather3A_314, %gather3A_315 {pack_format = #tpu.pack_format<interleaved>, positions = array<i32: 0, 1>} : vector<16xf32>, vector<16xf32> -> vector<32xbf16>
        %pack3A_321 = tpu.pack_subelements %gather3A_316, %gather3A_317 {pack_format = #tpu.pack_format<interleaved>, positions = array<i32: 0, 1>} : vector<16xf32>, vector<16xf32> -> vector<32xbf16>
        %pack3A_322 = tpu.pack_subelements %gather3A_318, %gather3A_319 {pack_format = #tpu.pack_format<interleaved>, positions = array<i32: 0, 1>} : vector<16xf32>, vector<16xf32> -> vector<32xbf16>
        %mul3A_323 = arith.mulf %pack3A_320, %pack3A_320 : vector<32xbf16>
        %mul3A_324 = arith.mulf %pack3A_321, %pack3A_321 : vector<32xbf16>
        %mul3A_325 = arith.mulf %pack3A_214, %mul3A_323 : vector<32xbf16>
        %add3A_326 = arith.addf %mul3A_325, %pack3A : vector<32xbf16>
        %mul3A_327 = arith.mulf %add3A_326, %mul3A_323 : vector<32xbf16>
        %add3A_328 = arith.constant 1.000000e+00 : bf16
        %add3A_329 = vector.broadcast %add3A_328 : bf16 to vector<32xbf16>
        %add3A_330 = arith.addf %mul3A_327, %add3A_329 : vector<32xbf16>
        %mul3A_331 = arith.mulf %pack3A_216, %mul3A_324 : vector<32xbf16>
        %add3A_332 = arith.addf %mul3A_331, %pack3A_215 : vector<32xbf16>
        %mul3A_333 = arith.mulf %add3A_332, %mul3A_324 : vector<32xbf16>
        %add3A_334 = arith.constant 1.000000e+00 : bf16
        %add3A_335 = vector.broadcast %add3A_334 : bf16 to vector<32xbf16>
        %add3A_336 = arith.addf %mul3A_333, %add3A_335 : vector<32xbf16>
        %mul3A_337 = arith.mulf %pack3A_320, %pack3A_321 : vector<32xbf16>
        %mul3A_338 = arith.mulf %add3A_330, %add3A_336 : vector<32xbf16>
        %mul3A_339 = arith.mulf %mul3A_337, %mul3A_338 : vector<32xbf16>
        %mul3A_340 = arith.mulf %mul3A_339, %pack3A_322 : vector<32xbf16>
        %unpack3A_341 = tpu.unpack_subelements %mul3A_340, 0 {pack_format = #tpu.pack_format<interleaved>} : vector<32xbf16> -> vector<16xf32>
        %unpack3A_342 = tpu.unpack_subelements %mul3A_340, 1 {pack_format = #tpu.pack_format<interleaved>} : vector<32xbf16> -> vector<16xf32>
        %add3A_343 = arith.addf %add3A_307, %unpack3A_341 : vector<16xf32>
        %add3A_344 = arith.addf %add3A_343, %unpack3A_342 : vector<16xf32>
        %add3A_345 = arith.constant 96 : i32
        %add3A_346 = vector.broadcast %add3A_345 : i32 to vector<16xi32>
        %add3A_347 = arith.addi %and3A_235, %add3A_346 : vector<16xi32>
        %add3A_348 = arith.constant 112 : i32
        %add3A_349 = vector.broadcast %add3A_348 : i32 to vector<16xi32>
        %add3A_350 = arith.addi %and3A_235, %add3A_349 : vector<16xi32>
        %gather3A_351 = tpu.vector_load_idx %arg11[%add3A_166, %add3A_347] : memref<128x128xf32, #tpu.memory_space<vmem>>[vector<16xi32>, vector<16xi32>], vector<16xf32>,
        %gather3A_352 = tpu.vector_load_idx %arg11[%add3A_166, %add3A_350] : memref<128x128xf32, #tpu.memory_space<vmem>>[vector<16xi32>, vector<16xi32>], vector<16xf32>,
        %gather3A_353 = tpu.vector_load_idx %arg12[%add3A_166, %add3A_347] : memref<128x128xf32, #tpu.memory_space<vmem>>[vector<16xi32>, vector<16xi32>], vector<16xf32>,
        %gather3A_354 = tpu.vector_load_idx %arg12[%add3A_166, %add3A_350] : memref<128x128xf32, #tpu.memory_space<vmem>>[vector<16xi32>, vector<16xi32>], vector<16xf32>,
        %gather3A_355 = tpu.vector_load_idx %arg13[%add3A_166, %add3A_347] : memref<128x128xf32, #tpu.memory_space<vmem>>[vector<16xi32>, vector<16xi32>], vector<16xf32>,
        %gather3A_356 = tpu.vector_load_idx %arg13[%add3A_166, %add3A_350] : memref<128x128xf32, #tpu.memory_space<vmem>>[vector<16xi32>, vector<16xi32>], vector<16xf32>,
        %pack3A_357 = tpu.pack_subelements %gather3A_351, %gather3A_352 {pack_format = #tpu.pack_format<interleaved>, positions = array<i32: 0, 1>} : vector<16xf32>, vector<16xf32> -> vector<32xbf16>
        %pack3A_358 = tpu.pack_subelements %gather3A_353, %gather3A_354 {pack_format = #tpu.pack_format<interleaved>, positions = array<i32: 0, 1>} : vector<16xf32>, vector<16xf32> -> vector<32xbf16>
        %pack3A_359 = tpu.pack_subelements %gather3A_355, %gather3A_356 {pack_format = #tpu.pack_format<interleaved>, positions = array<i32: 0, 1>} : vector<16xf32>, vector<16xf32> -> vector<32xbf16>
        %mul3A_360 = arith.mulf %pack3A_357, %pack3A_357 : vector<32xbf16>
        %mul3A_361 = arith.mulf %pack3A_358, %pack3A_358 : vector<32xbf16>
        %mul3A_362 = arith.mulf %pack3A_214, %mul3A_360 : vector<32xbf16>
        %add3A_363 = arith.addf %mul3A_362, %pack3A : vector<32xbf16>
        %mul3A_364 = arith.mulf %add3A_363, %mul3A_360 : vector<32xbf16>
        %add3A_365 = arith.constant 1.000000e+00 : bf16
        %add3A_366 = vector.broadcast %add3A_365 : bf16 to vector<32xbf16>
        %add3A_367 = arith.addf %mul3A_364, %add3A_366 : vector<32xbf16>
        %mul3A_368 = arith.mulf %pack3A_216, %mul3A_361 : vector<32xbf16>
        %add3A_369 = arith.addf %mul3A_368, %pack3A_215 : vector<32xbf16>
        %mul3A_370 = arith.mulf %add3A_369, %mul3A_361 : vector<32xbf16>
        %add3A_371 = arith.constant 1.000000e+00 : bf16
        %add3A_372 = vector.broadcast %add3A_371 : bf16 to vector<32xbf16>
        %add3A_373 = arith.addf %mul3A_370, %add3A_372 : vector<32xbf16>
        %mul3A_374 = arith.mulf %pack3A_357, %pack3A_358 : vector<32xbf16>
        %mul3A_375 = arith.mulf %add3A_367, %add3A_373 : vector<32xbf16>
        %mul3A_376 = arith.mulf %mul3A_374, %mul3A_375 : vector<32xbf16>
        %mul3A_377 = arith.mulf %mul3A_376, %pack3A_359 : vector<32xbf16>
        %unpack3A_378 = tpu.unpack_subelements %mul3A_377, 0 {pack_format = #tpu.pack_format<interleaved>} : vector<32xbf16> -> vector<16xf32>
        %unpack3A_379 = tpu.unpack_subelements %mul3A_377, 1 {pack_format = #tpu.pack_format<interleaved>} : vector<32xbf16> -> vector<16xf32>
        %add3A_380 = arith.addf %add3A_344, %unpack3A_378 : vector<16xf32>
        %add3A_381 = arith.addf %add3A_380, %unpack3A_379 : vector<16xf32>
        scf.yield %add3A_381 : vector<16xf32>
      }
      %scan3A_222 = arith.constant 16 : i32
      %mul3A_223 = arith.mulf %scan3A_221, %mul3A_196 : vector<16xf32>
      %mul3A_224 = arith.constant 16 : i32
      %mul3A_225 = arith.muli %scan3A_161, %mul3A_224 : i32
      %add3A_226 = arith.constant 256 : i32
      %add3A_227 = arith.addi %add3A_226, %mul3A_225 : i32
      %swap3A = arith.index_cast %add3A_227 : i32 to index
      %swap3A_228 = tpu.vector_load %arg17[%swap3A] {strides = array<i32>} : memref<512xf32, #tpu.memory_space<vmem>>, vector<16xf32>,
      tpu.vector_store %arg17[%swap3A], %mul3A_223 {strides = array<i32>} : memref<512xf32, #tpu.memory_space<vmem>>, vector<16xf32>,
      %scan3A_229 = arith.constant 0 : i32
      scf.yield %scan3A_229 : i32
    }
    %scan3A_138 = arith.constant 8 : i32
    %dma_wait3A_139 = arith.constant 384 : i32
    %dma_wait3A_140 = tpu.memref_slice %arg8[%dma_wait3A_139] : memref<512xi32, #tpu.memory_space<vmem>> -> memref<128xi32, #tpu.memory_space<vmem>>
    %dma_wait3A_141 = arith.constant 0 : i32
    %dma_wait3A_142 = arith.constant 0 : i32
    %dma_wait3A_143 = tpu.memref_slice %arg5[%dma_wait3A_141, %dma_wait3A_142] : memref<100000x128xf32, #tpu.memory_space<hbm>> -> memref<100000x128xf32, #tpu.memory_space<hbm>>
    tpu.wait_indirect_dma semaphore(%arg19 : memref<!tpu.dma_semaphore, #tpu.memory_space<semaphore_mem>>) src(%dma_wait3A_143 : memref<100000x128xf32, #tpu.memory_space<hbm>>) dst(%arg14 : memref<128x128xf32, #tpu.memory_space<vmem>>)
    %dma_wait3A_144 = arith.constant 384 : i32
    %dma_wait3A_145 = tpu.memref_slice %arg10[%dma_wait3A_144] : memref<512xi32, #tpu.memory_space<vmem>> -> memref<128xi32, #tpu.memory_space<vmem>>
    %dma_wait3A_146 = arith.constant 0 : i32
    %dma_wait3A_147 = arith.constant 0 : i32
    %dma_wait3A_148 = tpu.memref_slice %arg5[%dma_wait3A_146, %dma_wait3A_147] : memref<100000x128xf32, #tpu.memory_space<hbm>> -> memref<100000x128xf32, #tpu.memory_space<hbm>>
    tpu.wait_indirect_dma semaphore(%arg19 : memref<!tpu.dma_semaphore, #tpu.memory_space<semaphore_mem>>) src(%dma_wait3A_148 : memref<100000x128xf32, #tpu.memory_space<hbm>>) dst(%arg15 : memref<128x128xf32, #tpu.memory_space<vmem>>)
    %dma_wait3A_149 = arith.constant 384 : i32
    %dma_wait3A_150 = tpu.memref_slice %arg9[%dma_wait3A_149] : memref<512xi32, #tpu.memory_space<vmem>> -> memref<128xi32, #tpu.memory_space<vmem>>
    %dma_wait3A_151 = arith.constant 0 : i32
    %dma_wait3A_152 = arith.constant 0 : i32
    %dma_wait3A_153 = tpu.memref_slice %arg6[%dma_wait3A_151, %dma_wait3A_152] : memref<1000x128xf32, #tpu.memory_space<hbm>> -> memref<1000x128xf32, #tpu.memory_space<hbm>>
    tpu.wait_indirect_dma semaphore(%arg19 : memref<!tpu.dma_semaphore, #tpu.memory_space<semaphore_mem>>) src(%dma_wait3A_153 : memref<1000x128xf32, #tpu.memory_space<hbm>>) dst(%arg16 : memref<128x128xf32, #tpu.memory_space<vmem>>)
    %scan3A_154 = arith.constant 0 : i32
    %scan3A_155 = arith.constant 0 : i32
    %scan3A_156 = arith.constant 8 : i32
    %scan3A_157 = arith.addi %scan3A_155, %scan3A_156 : i32
    %scan3A_158 = arith.constant 1 : i32
    %scan3A_159 = scf.for %scan3A_161 = %scan3A_155 to %scan3A_157 step %scan3A_158 iter_args(%scan3A_162 = %scan3A_154) -> (i32)  : i32 {
      %mul3A_163 = arith.constant 16 : i32
      %mul3A_164 = arith.muli %scan3A_161, %mul3A_163 : i32
      %add3A_165 = vector.broadcast %mul3A_164 : i32 to vector<16xi32>
      %add3A_166 = arith.addi %add3A_165, %iota3A : vector<16xi32>
      %scan3A_167 = arith.constant 0 : i32
      %scan3A_168 = arith.constant 16 : i32
      %scan3A_169 = arith.addi %scan3A_167, %scan3A_168 : i32
      %scan3A_170 = arith.constant 1 : i32
      %scan3A_171:2 = scf.for %scan3A_230 = %scan3A_167 to %scan3A_169 step %scan3A_170 iter_args(%scan3A_231 = %broadcast_in_dim3A_13, %scan3A_232 = %broadcast_in_dim3A_13) -> (vector<16xf32>, vector<16xf32>)  : i32 {
        %add3A_233 = vector.broadcast %scan3A_230 : i32 to vector<16xi32>
        %add3A_234 = arith.addi %add3A_233, %iota3A : vector<16xi32>
        %and3A = arith.constant 15 : i32
        %and3A_235 = vector.broadcast %and3A : i32 to vector<16xi32>
        %and3A_236 = arith.andi %add3A_234, %and3A_235 : vector<16xi32>
        %add3A_237 = arith.constant 0 : i32
        %add3A_238 = vector.broadcast %add3A_237 : i32 to vector<16xi32>
        %add3A_239 = arith.addi %and3A_236, %add3A_238 : vector<16xi32>
        %gather3A = tpu.vector_load_idx %arg14[%add3A_166, %add3A_239] : memref<128x128xf32, #tpu.memory_space<vmem>>[vector<16xi32>, vector<16xi32>], vector<16xf32>,
        %gather3A_240 = tpu.vector_load_idx %arg15[%add3A_166, %add3A_239] : memref<128x128xf32, #tpu.memory_space<vmem>>[vector<16xi32>, vector<16xi32>], vector<16xf32>,
        %mul3A_241 = arith.mulf %gather3A, %gather3A : vector<16xf32>
        %add3A_242 = arith.addf %scan3A_231, %mul3A_241 : vector<16xf32>
        %mul3A_243 = arith.mulf %gather3A_240, %gather3A_240 : vector<16xf32>
        %add3A_244 = arith.addf %scan3A_232, %mul3A_243 : vector<16xf32>
        %add3A_245 = arith.constant 16 : i32
        %add3A_246 = vector.broadcast %add3A_245 : i32 to vector<16xi32>
        %add3A_247 = arith.addi %and3A_236, %add3A_246 : vector<16xi32>
        %gather3A_248 = tpu.vector_load_idx %arg14[%add3A_166, %add3A_247] : memref<128x128xf32, #tpu.memory_space<vmem>>[vector<16xi32>, vector<16xi32>], vector<16xf32>,
        %gather3A_249 = tpu.vector_load_idx %arg15[%add3A_166, %add3A_247] : memref<128x128xf32, #tpu.memory_space<vmem>>[vector<16xi32>, vector<16xi32>], vector<16xf32>,
        %mul3A_250 = arith.mulf %gather3A_248, %gather3A_248 : vector<16xf32>
        %add3A_251 = arith.addf %add3A_242, %mul3A_250 : vector<16xf32>
        %mul3A_252 = arith.mulf %gather3A_249, %gather3A_249 : vector<16xf32>
        %add3A_253 = arith.addf %add3A_244, %mul3A_252 : vector<16xf32>
        %add3A_254 = arith.constant 32 : i32
        %add3A_255 = vector.broadcast %add3A_254 : i32 to vector<16xi32>
        %add3A_256 = arith.addi %and3A_236, %add3A_255 : vector<16xi32>
        %gather3A_257 = tpu.vector_load_idx %arg14[%add3A_166, %add3A_256] : memref<128x128xf32, #tpu.memory_space<vmem>>[vector<16xi32>, vector<16xi32>], vector<16xf32>,
        %gather3A_258 = tpu.vector_load_idx %arg15[%add3A_166, %add3A_256] : memref<128x128xf32, #tpu.memory_space<vmem>>[vector<16xi32>, vector<16xi32>], vector<16xf32>,
        %mul3A_259 = arith.mulf %gather3A_257, %gather3A_257 : vector<16xf32>
        %add3A_260 = arith.addf %add3A_251, %mul3A_259 : vector<16xf32>
        %mul3A_261 = arith.mulf %gather3A_258, %gather3A_258 : vector<16xf32>
        %add3A_262 = arith.addf %add3A_253, %mul3A_261 : vector<16xf32>
        %add3A_263 = arith.constant 48 : i32
        %add3A_264 = vector.broadcast %add3A_263 : i32 to vector<16xi32>
        %add3A_265 = arith.addi %and3A_236, %add3A_264 : vector<16xi32>
        %gather3A_266 = tpu.vector_load_idx %arg14[%add3A_166, %add3A_265] : memref<128x128xf32, #tpu.memory_space<vmem>>[vector<16xi32>, vector<16xi32>], vector<16xf32>,
        %gather3A_267 = tpu.vector_load_idx %arg15[%add3A_166, %add3A_265] : memref<128x128xf32, #tpu.memory_space<vmem>>[vector<16xi32>, vector<16xi32>], vector<16xf32>,
        %mul3A_268 = arith.mulf %gather3A_266, %gather3A_266 : vector<16xf32>
        %add3A_269 = arith.addf %add3A_260, %mul3A_268 : vector<16xf32>
        %mul3A_270 = arith.mulf %gather3A_267, %gather3A_267 : vector<16xf32>
        %add3A_271 = arith.addf %add3A_262, %mul3A_270 : vector<16xf32>
        %add3A_272 = arith.constant 64 : i32
        %add3A_273 = vector.broadcast %add3A_272 : i32 to vector<16xi32>
        %add3A_274 = arith.addi %and3A_236, %add3A_273 : vector<16xi32>
        %gather3A_275 = tpu.vector_load_idx %arg14[%add3A_166, %add3A_274] : memref<128x128xf32, #tpu.memory_space<vmem>>[vector<16xi32>, vector<16xi32>], vector<16xf32>,
        %gather3A_276 = tpu.vector_load_idx %arg15[%add3A_166, %add3A_274] : memref<128x128xf32, #tpu.memory_space<vmem>>[vector<16xi32>, vector<16xi32>], vector<16xf32>,
        %mul3A_277 = arith.mulf %gather3A_275, %gather3A_275 : vector<16xf32>
        %add3A_278 = arith.addf %add3A_269, %mul3A_277 : vector<16xf32>
        %mul3A_279 = arith.mulf %gather3A_276, %gather3A_276 : vector<16xf32>
        %add3A_280 = arith.addf %add3A_271, %mul3A_279 : vector<16xf32>
        %add3A_281 = arith.constant 80 : i32
        %add3A_282 = vector.broadcast %add3A_281 : i32 to vector<16xi32>
        %add3A_283 = arith.addi %and3A_236, %add3A_282 : vector<16xi32>
        %gather3A_284 = tpu.vector_load_idx %arg14[%add3A_166, %add3A_283] : memref<128x128xf32, #tpu.memory_space<vmem>>[vector<16xi32>, vector<16xi32>], vector<16xf32>,
        %gather3A_285 = tpu.vector_load_idx %arg15[%add3A_166, %add3A_283] : memref<128x128xf32, #tpu.memory_space<vmem>>[vector<16xi32>, vector<16xi32>], vector<16xf32>,
        %mul3A_286 = arith.mulf %gather3A_284, %gather3A_284 : vector<16xf32>
        %add3A_287 = arith.addf %add3A_278, %mul3A_286 : vector<16xf32>
        %mul3A_288 = arith.mulf %gather3A_285, %gather3A_285 : vector<16xf32>
        %add3A_289 = arith.addf %add3A_280, %mul3A_288 : vector<16xf32>
        %add3A_290 = arith.constant 96 : i32
        %add3A_291 = vector.broadcast %add3A_290 : i32 to vector<16xi32>
        %add3A_292 = arith.addi %and3A_236, %add3A_291 : vector<16xi32>
        %gather3A_293 = tpu.vector_load_idx %arg14[%add3A_166, %add3A_292] : memref<128x128xf32, #tpu.memory_space<vmem>>[vector<16xi32>, vector<16xi32>], vector<16xf32>,
        %gather3A_294 = tpu.vector_load_idx %arg15[%add3A_166, %add3A_292] : memref<128x128xf32, #tpu.memory_space<vmem>>[vector<16xi32>, vector<16xi32>], vector<16xf32>,
        %mul3A_295 = arith.mulf %gather3A_293, %gather3A_293 : vector<16xf32>
        %add3A_296 = arith.addf %add3A_287, %mul3A_295 : vector<16xf32>
        %mul3A_297 = arith.mulf %gather3A_294, %gather3A_294 : vector<16xf32>
        %add3A_298 = arith.addf %add3A_289, %mul3A_297 : vector<16xf32>
        %add3A_299 = arith.constant 112 : i32
        %add3A_300 = vector.broadcast %add3A_299 : i32 to vector<16xi32>
        %add3A_301 = arith.addi %and3A_236, %add3A_300 : vector<16xi32>
        %gather3A_302 = tpu.vector_load_idx %arg14[%add3A_166, %add3A_301] : memref<128x128xf32, #tpu.memory_space<vmem>>[vector<16xi32>, vector<16xi32>], vector<16xf32>,
        %gather3A_303 = tpu.vector_load_idx %arg15[%add3A_166, %add3A_301] : memref<128x128xf32, #tpu.memory_space<vmem>>[vector<16xi32>, vector<16xi32>], vector<16xf32>,
        %mul3A_304 = arith.mulf %gather3A_302, %gather3A_302 : vector<16xf32>
        %add3A_305 = arith.addf %add3A_296, %mul3A_304 : vector<16xf32>
        %mul3A_306 = arith.mulf %gather3A_303, %gather3A_303 : vector<16xf32>
        %add3A_307 = arith.addf %add3A_298, %mul3A_306 : vector<16xf32>
        scf.yield %add3A_305, %add3A_307 : vector<16xf32>, vector<16xf32>
      }
      %scan3A_172 = arith.constant 16 : i32
      %mul3A_173 = arith.mulf %scan3A_171#0, %scan3A_171#1 : vector<16xf32>
      %bitcast3A = vector.bitcast %mul3A_173 : vector<16xf32> to vector<16xi32>
      %shift_right_arithmetic3A = arith.constant 1 : i32
      %shift_right_arithmetic3A_174 = vector.broadcast %shift_right_arithmetic3A : i32 to vector<16xi32>
      %shift_right_arithmetic3A_175 = arith.shrsi %bitcast3A, %shift_right_arithmetic3A_174 : vector<16xi32>
      %sub3A = arith.constant 1597463007 : i32
      %sub3A_176 = vector.broadcast %sub3A : i32 to vector<16xi32>
      %sub3A_177 = arith.subi %sub3A_176, %shift_right_arithmetic3A_175 : vector<16xi32>
      %bitcast3A_178 = vector.bitcast %sub3A_177 : vector<16xi32> to vector<16xf32>
      %mul3A_179 = arith.constant 5.000000e-01 : f32
      %mul3A_180 = vector.broadcast %mul3A_179 : f32 to vector<16xf32>
      %mul3A_181 = arith.mulf %mul3A_180, %mul3A_173 : vector<16xf32>
      %mul3A_182 = arith.mulf %mul3A_181, %bitcast3A_178 : vector<16xf32>
      %mul3A_183 = arith.mulf %mul3A_182, %bitcast3A_178 : vector<16xf32>
      %sub3A_184 = arith.constant 1.500000e+00 : f32
      %sub3A_185 = vector.broadcast %sub3A_184 : f32 to vector<16xf32>
      %sub3A_186 = arith.subf %sub3A_185, %mul3A_183 : vector<16xf32>
      %mul3A_187 = arith.mulf %bitcast3A_178, %sub3A_186 : vector<16xf32>
      %mul3A_188 = arith.constant 5.000000e-01 : f32
      %mul3A_189 = vector.broadcast %mul3A_188 : f32 to vector<16xf32>
      %mul3A_190 = arith.mulf %mul3A_189, %mul3A_173 : vector<16xf32>
      %mul3A_191 = arith.mulf %mul3A_190, %mul3A_187 : vector<16xf32>
      %mul3A_192 = arith.mulf %mul3A_191, %mul3A_187 : vector<16xf32>
      %sub3A_193 = arith.constant 1.500000e+00 : f32
      %sub3A_194 = vector.broadcast %sub3A_193 : f32 to vector<16xf32>
      %sub3A_195 = arith.subf %sub3A_194, %mul3A_192 : vector<16xf32>
      %mul3A_196 = arith.mulf %mul3A_187, %sub3A_195 : vector<16xf32>
      %mul3A_197 = arith.mulf %mul3A_196, %mul3A_196 : vector<16xf32>
      %mul3A_198 = arith.mulf %mul3A_197, %scan3A_171#1 : vector<16xf32>
      %mul3A_199 = arith.mulf %mul3A_197, %scan3A_171#0 : vector<16xf32>
      %mul3A_200 = arith.constant -0.317531466 : f32
      %mul3A_201 = vector.broadcast %mul3A_200 : f32 to vector<16xf32>
      %mul3A_202 = arith.mulf %mul3A_201, %mul3A_198 : vector<16xf32>
      %mul3A_203 = arith.mulf %mul3A_198, %mul3A_198 : vector<16xf32>
      %mul3A_204 = arith.constant 7.981710e-02 : f32
      %mul3A_205 = vector.broadcast %mul3A_204 : f32 to vector<16xf32>
      %mul3A_206 = arith.mulf %mul3A_205, %mul3A_203 : vector<16xf32>
      %mul3A_207 = arith.constant -0.317531466 : f32
      %mul3A_208 = vector.broadcast %mul3A_207 : f32 to vector<16xf32>
      %mul3A_209 = arith.mulf %mul3A_208, %mul3A_199 : vector<16xf32>
      %mul3A_210 = arith.mulf %mul3A_199, %mul3A_199 : vector<16xf32>
      %mul3A_211 = arith.constant 7.981710e-02 : f32
      %mul3A_212 = vector.broadcast %mul3A_211 : f32 to vector<16xf32>
      %mul3A_213 = arith.mulf %mul3A_212, %mul3A_210 : vector<16xf32>
      %pack3A = tpu.pack_subelements %mul3A_202, %mul3A_202 {pack_format = #tpu.pack_format<interleaved>, positions = array<i32: 0, 1>} : vector<16xf32>, vector<16xf32> -> vector<32xbf16>
      %pack3A_214 = tpu.pack_subelements %mul3A_206, %mul3A_206 {pack_format = #tpu.pack_format<interleaved>, positions = array<i32: 0, 1>} : vector<16xf32>, vector<16xf32> -> vector<32xbf16>
      %pack3A_215 = tpu.pack_subelements %mul3A_209, %mul3A_209 {pack_format = #tpu.pack_format<interleaved>, positions = array<i32: 0, 1>} : vector<16xf32>, vector<16xf32> -> vector<32xbf16>
      %pack3A_216 = tpu.pack_subelements %mul3A_213, %mul3A_213 {pack_format = #tpu.pack_format<interleaved>, positions = array<i32: 0, 1>} : vector<16xf32>, vector<16xf32> -> vector<32xbf16>
      %scan3A_217 = arith.constant 0 : i32
      %scan3A_218 = arith.constant 16 : i32
      %scan3A_219 = arith.addi %scan3A_217, %scan3A_218 : i32
      %scan3A_220 = arith.constant 1 : i32
      %scan3A_221 = scf.for %scan3A_230 = %scan3A_217 to %scan3A_219 step %scan3A_220 iter_args(%scan3A_231 = %broadcast_in_dim3A_13) -> (vector<16xf32>)  : i32 {
        %add3A_232 = vector.broadcast %scan3A_230 : i32 to vector<16xi32>
        %add3A_233 = arith.addi %add3A_232, %iota3A : vector<16xi32>
        %and3A = arith.constant 15 : i32
        %and3A_234 = vector.broadcast %and3A : i32 to vector<16xi32>
        %and3A_235 = arith.andi %add3A_233, %and3A_234 : vector<16xi32>
        %add3A_236 = arith.constant 0 : i32
        %add3A_237 = vector.broadcast %add3A_236 : i32 to vector<16xi32>
        %add3A_238 = arith.addi %and3A_235, %add3A_237 : vector<16xi32>
        %add3A_239 = arith.constant 16 : i32
        %add3A_240 = vector.broadcast %add3A_239 : i32 to vector<16xi32>
        %add3A_241 = arith.addi %and3A_235, %add3A_240 : vector<16xi32>
        %gather3A = tpu.vector_load_idx %arg14[%add3A_166, %add3A_238] : memref<128x128xf32, #tpu.memory_space<vmem>>[vector<16xi32>, vector<16xi32>], vector<16xf32>,
        %gather3A_242 = tpu.vector_load_idx %arg14[%add3A_166, %add3A_241] : memref<128x128xf32, #tpu.memory_space<vmem>>[vector<16xi32>, vector<16xi32>], vector<16xf32>,
        %gather3A_243 = tpu.vector_load_idx %arg15[%add3A_166, %add3A_238] : memref<128x128xf32, #tpu.memory_space<vmem>>[vector<16xi32>, vector<16xi32>], vector<16xf32>,
        %gather3A_244 = tpu.vector_load_idx %arg15[%add3A_166, %add3A_241] : memref<128x128xf32, #tpu.memory_space<vmem>>[vector<16xi32>, vector<16xi32>], vector<16xf32>,
        %gather3A_245 = tpu.vector_load_idx %arg16[%add3A_166, %add3A_238] : memref<128x128xf32, #tpu.memory_space<vmem>>[vector<16xi32>, vector<16xi32>], vector<16xf32>,
        %gather3A_246 = tpu.vector_load_idx %arg16[%add3A_166, %add3A_241] : memref<128x128xf32, #tpu.memory_space<vmem>>[vector<16xi32>, vector<16xi32>], vector<16xf32>,
        %pack3A_247 = tpu.pack_subelements %gather3A, %gather3A_242 {pack_format = #tpu.pack_format<interleaved>, positions = array<i32: 0, 1>} : vector<16xf32>, vector<16xf32> -> vector<32xbf16>
        %pack3A_248 = tpu.pack_subelements %gather3A_243, %gather3A_244 {pack_format = #tpu.pack_format<interleaved>, positions = array<i32: 0, 1>} : vector<16xf32>, vector<16xf32> -> vector<32xbf16>
        %pack3A_249 = tpu.pack_subelements %gather3A_245, %gather3A_246 {pack_format = #tpu.pack_format<interleaved>, positions = array<i32: 0, 1>} : vector<16xf32>, vector<16xf32> -> vector<32xbf16>
        %mul3A_250 = arith.mulf %pack3A_247, %pack3A_247 : vector<32xbf16>
        %mul3A_251 = arith.mulf %pack3A_248, %pack3A_248 : vector<32xbf16>
        %mul3A_252 = arith.mulf %pack3A_214, %mul3A_250 : vector<32xbf16>
        %add3A_253 = arith.addf %mul3A_252, %pack3A : vector<32xbf16>
        %mul3A_254 = arith.mulf %add3A_253, %mul3A_250 : vector<32xbf16>
        %add3A_255 = arith.constant 1.000000e+00 : bf16
        %add3A_256 = vector.broadcast %add3A_255 : bf16 to vector<32xbf16>
        %add3A_257 = arith.addf %mul3A_254, %add3A_256 : vector<32xbf16>
        %mul3A_258 = arith.mulf %pack3A_216, %mul3A_251 : vector<32xbf16>
        %add3A_259 = arith.addf %mul3A_258, %pack3A_215 : vector<32xbf16>
        %mul3A_260 = arith.mulf %add3A_259, %mul3A_251 : vector<32xbf16>
        %add3A_261 = arith.constant 1.000000e+00 : bf16
        %add3A_262 = vector.broadcast %add3A_261 : bf16 to vector<32xbf16>
        %add3A_263 = arith.addf %mul3A_260, %add3A_262 : vector<32xbf16>
        %mul3A_264 = arith.mulf %pack3A_247, %pack3A_248 : vector<32xbf16>
        %mul3A_265 = arith.mulf %add3A_257, %add3A_263 : vector<32xbf16>
        %mul3A_266 = arith.mulf %mul3A_264, %mul3A_265 : vector<32xbf16>
        %mul3A_267 = arith.mulf %mul3A_266, %pack3A_249 : vector<32xbf16>
        %unpack3A = tpu.unpack_subelements %mul3A_267, 0 {pack_format = #tpu.pack_format<interleaved>} : vector<32xbf16> -> vector<16xf32>
        %unpack3A_268 = tpu.unpack_subelements %mul3A_267, 1 {pack_format = #tpu.pack_format<interleaved>} : vector<32xbf16> -> vector<16xf32>
        %add3A_269 = arith.addf %scan3A_231, %unpack3A : vector<16xf32>
        %add3A_270 = arith.addf %add3A_269, %unpack3A_268 : vector<16xf32>
        %add3A_271 = arith.constant 32 : i32
        %add3A_272 = vector.broadcast %add3A_271 : i32 to vector<16xi32>
        %add3A_273 = arith.addi %and3A_235, %add3A_272 : vector<16xi32>
        %add3A_274 = arith.constant 48 : i32
        %add3A_275 = vector.broadcast %add3A_274 : i32 to vector<16xi32>
        %add3A_276 = arith.addi %and3A_235, %add3A_275 : vector<16xi32>
        %gather3A_277 = tpu.vector_load_idx %arg14[%add3A_166, %add3A_273] : memref<128x128xf32, #tpu.memory_space<vmem>>[vector<16xi32>, vector<16xi32>], vector<16xf32>,
        %gather3A_278 = tpu.vector_load_idx %arg14[%add3A_166, %add3A_276] : memref<128x128xf32, #tpu.memory_space<vmem>>[vector<16xi32>, vector<16xi32>], vector<16xf32>,
        %gather3A_279 = tpu.vector_load_idx %arg15[%add3A_166, %add3A_273] : memref<128x128xf32, #tpu.memory_space<vmem>>[vector<16xi32>, vector<16xi32>], vector<16xf32>,
        %gather3A_280 = tpu.vector_load_idx %arg15[%add3A_166, %add3A_276] : memref<128x128xf32, #tpu.memory_space<vmem>>[vector<16xi32>, vector<16xi32>], vector<16xf32>,
        %gather3A_281 = tpu.vector_load_idx %arg16[%add3A_166, %add3A_273] : memref<128x128xf32, #tpu.memory_space<vmem>>[vector<16xi32>, vector<16xi32>], vector<16xf32>,
        %gather3A_282 = tpu.vector_load_idx %arg16[%add3A_166, %add3A_276] : memref<128x128xf32, #tpu.memory_space<vmem>>[vector<16xi32>, vector<16xi32>], vector<16xf32>,
        %pack3A_283 = tpu.pack_subelements %gather3A_277, %gather3A_278 {pack_format = #tpu.pack_format<interleaved>, positions = array<i32: 0, 1>} : vector<16xf32>, vector<16xf32> -> vector<32xbf16>
        %pack3A_284 = tpu.pack_subelements %gather3A_279, %gather3A_280 {pack_format = #tpu.pack_format<interleaved>, positions = array<i32: 0, 1>} : vector<16xf32>, vector<16xf32> -> vector<32xbf16>
        %pack3A_285 = tpu.pack_subelements %gather3A_281, %gather3A_282 {pack_format = #tpu.pack_format<interleaved>, positions = array<i32: 0, 1>} : vector<16xf32>, vector<16xf32> -> vector<32xbf16>
        %mul3A_286 = arith.mulf %pack3A_283, %pack3A_283 : vector<32xbf16>
        %mul3A_287 = arith.mulf %pack3A_284, %pack3A_284 : vector<32xbf16>
        %mul3A_288 = arith.mulf %pack3A_214, %mul3A_286 : vector<32xbf16>
        %add3A_289 = arith.addf %mul3A_288, %pack3A : vector<32xbf16>
        %mul3A_290 = arith.mulf %add3A_289, %mul3A_286 : vector<32xbf16>
        %add3A_291 = arith.constant 1.000000e+00 : bf16
        %add3A_292 = vector.broadcast %add3A_291 : bf16 to vector<32xbf16>
        %add3A_293 = arith.addf %mul3A_290, %add3A_292 : vector<32xbf16>
        %mul3A_294 = arith.mulf %pack3A_216, %mul3A_287 : vector<32xbf16>
        %add3A_295 = arith.addf %mul3A_294, %pack3A_215 : vector<32xbf16>
        %mul3A_296 = arith.mulf %add3A_295, %mul3A_287 : vector<32xbf16>
        %add3A_297 = arith.constant 1.000000e+00 : bf16
        %add3A_298 = vector.broadcast %add3A_297 : bf16 to vector<32xbf16>
        %add3A_299 = arith.addf %mul3A_296, %add3A_298 : vector<32xbf16>
        %mul3A_300 = arith.mulf %pack3A_283, %pack3A_284 : vector<32xbf16>
        %mul3A_301 = arith.mulf %add3A_293, %add3A_299 : vector<32xbf16>
        %mul3A_302 = arith.mulf %mul3A_300, %mul3A_301 : vector<32xbf16>
        %mul3A_303 = arith.mulf %mul3A_302, %pack3A_285 : vector<32xbf16>
        %unpack3A_304 = tpu.unpack_subelements %mul3A_303, 0 {pack_format = #tpu.pack_format<interleaved>} : vector<32xbf16> -> vector<16xf32>
        %unpack3A_305 = tpu.unpack_subelements %mul3A_303, 1 {pack_format = #tpu.pack_format<interleaved>} : vector<32xbf16> -> vector<16xf32>
        %add3A_306 = arith.addf %add3A_270, %unpack3A_304 : vector<16xf32>
        %add3A_307 = arith.addf %add3A_306, %unpack3A_305 : vector<16xf32>
        %add3A_308 = arith.constant 64 : i32
        %add3A_309 = vector.broadcast %add3A_308 : i32 to vector<16xi32>
        %add3A_310 = arith.addi %and3A_235, %add3A_309 : vector<16xi32>
        %add3A_311 = arith.constant 80 : i32
        %add3A_312 = vector.broadcast %add3A_311 : i32 to vector<16xi32>
        %add3A_313 = arith.addi %and3A_235, %add3A_312 : vector<16xi32>
        %gather3A_314 = tpu.vector_load_idx %arg14[%add3A_166, %add3A_310] : memref<128x128xf32, #tpu.memory_space<vmem>>[vector<16xi32>, vector<16xi32>], vector<16xf32>,
        %gather3A_315 = tpu.vector_load_idx %arg14[%add3A_166, %add3A_313] : memref<128x128xf32, #tpu.memory_space<vmem>>[vector<16xi32>, vector<16xi32>], vector<16xf32>,
        %gather3A_316 = tpu.vector_load_idx %arg15[%add3A_166, %add3A_310] : memref<128x128xf32, #tpu.memory_space<vmem>>[vector<16xi32>, vector<16xi32>], vector<16xf32>,
        %gather3A_317 = tpu.vector_load_idx %arg15[%add3A_166, %add3A_313] : memref<128x128xf32, #tpu.memory_space<vmem>>[vector<16xi32>, vector<16xi32>], vector<16xf32>,
        %gather3A_318 = tpu.vector_load_idx %arg16[%add3A_166, %add3A_310] : memref<128x128xf32, #tpu.memory_space<vmem>>[vector<16xi32>, vector<16xi32>], vector<16xf32>,
        %gather3A_319 = tpu.vector_load_idx %arg16[%add3A_166, %add3A_313] : memref<128x128xf32, #tpu.memory_space<vmem>>[vector<16xi32>, vector<16xi32>], vector<16xf32>,
        %pack3A_320 = tpu.pack_subelements %gather3A_314, %gather3A_315 {pack_format = #tpu.pack_format<interleaved>, positions = array<i32: 0, 1>} : vector<16xf32>, vector<16xf32> -> vector<32xbf16>
        %pack3A_321 = tpu.pack_subelements %gather3A_316, %gather3A_317 {pack_format = #tpu.pack_format<interleaved>, positions = array<i32: 0, 1>} : vector<16xf32>, vector<16xf32> -> vector<32xbf16>
        %pack3A_322 = tpu.pack_subelements %gather3A_318, %gather3A_319 {pack_format = #tpu.pack_format<interleaved>, positions = array<i32: 0, 1>} : vector<16xf32>, vector<16xf32> -> vector<32xbf16>
        %mul3A_323 = arith.mulf %pack3A_320, %pack3A_320 : vector<32xbf16>
        %mul3A_324 = arith.mulf %pack3A_321, %pack3A_321 : vector<32xbf16>
        %mul3A_325 = arith.mulf %pack3A_214, %mul3A_323 : vector<32xbf16>
        %add3A_326 = arith.addf %mul3A_325, %pack3A : vector<32xbf16>
        %mul3A_327 = arith.mulf %add3A_326, %mul3A_323 : vector<32xbf16>
        %add3A_328 = arith.constant 1.000000e+00 : bf16
        %add3A_329 = vector.broadcast %add3A_328 : bf16 to vector<32xbf16>
        %add3A_330 = arith.addf %mul3A_327, %add3A_329 : vector<32xbf16>
        %mul3A_331 = arith.mulf %pack3A_216, %mul3A_324 : vector<32xbf16>
        %add3A_332 = arith.addf %mul3A_331, %pack3A_215 : vector<32xbf16>
        %mul3A_333 = arith.mulf %add3A_332, %mul3A_324 : vector<32xbf16>
        %add3A_334 = arith.constant 1.000000e+00 : bf16
        %add3A_335 = vector.broadcast %add3A_334 : bf16 to vector<32xbf16>
        %add3A_336 = arith.addf %mul3A_333, %add3A_335 : vector<32xbf16>
        %mul3A_337 = arith.mulf %pack3A_320, %pack3A_321 : vector<32xbf16>
        %mul3A_338 = arith.mulf %add3A_330, %add3A_336 : vector<32xbf16>
        %mul3A_339 = arith.mulf %mul3A_337, %mul3A_338 : vector<32xbf16>
        %mul3A_340 = arith.mulf %mul3A_339, %pack3A_322 : vector<32xbf16>
        %unpack3A_341 = tpu.unpack_subelements %mul3A_340, 0 {pack_format = #tpu.pack_format<interleaved>} : vector<32xbf16> -> vector<16xf32>
        %unpack3A_342 = tpu.unpack_subelements %mul3A_340, 1 {pack_format = #tpu.pack_format<interleaved>} : vector<32xbf16> -> vector<16xf32>
        %add3A_343 = arith.addf %add3A_307, %unpack3A_341 : vector<16xf32>
        %add3A_344 = arith.addf %add3A_343, %unpack3A_342 : vector<16xf32>
        %add3A_345 = arith.constant 96 : i32
        %add3A_346 = vector.broadcast %add3A_345 : i32 to vector<16xi32>
        %add3A_347 = arith.addi %and3A_235, %add3A_346 : vector<16xi32>
        %add3A_348 = arith.constant 112 : i32
        %add3A_349 = vector.broadcast %add3A_348 : i32 to vector<16xi32>
        %add3A_350 = arith.addi %and3A_235, %add3A_349 : vector<16xi32>
        %gather3A_351 = tpu.vector_load_idx %arg14[%add3A_166, %add3A_347] : memref<128x128xf32, #tpu.memory_space<vmem>>[vector<16xi32>, vector<16xi32>], vector<16xf32>,
        %gather3A_352 = tpu.vector_load_idx %arg14[%add3A_166, %add3A_350] : memref<128x128xf32, #tpu.memory_space<vmem>>[vector<16xi32>, vector<16xi32>], vector<16xf32>,
        %gather3A_353 = tpu.vector_load_idx %arg15[%add3A_166, %add3A_347] : memref<128x128xf32, #tpu.memory_space<vmem>>[vector<16xi32>, vector<16xi32>], vector<16xf32>,
        %gather3A_354 = tpu.vector_load_idx %arg15[%add3A_166, %add3A_350] : memref<128x128xf32, #tpu.memory_space<vmem>>[vector<16xi32>, vector<16xi32>], vector<16xf32>,
        %gather3A_355 = tpu.vector_load_idx %arg16[%add3A_166, %add3A_347] : memref<128x128xf32, #tpu.memory_space<vmem>>[vector<16xi32>, vector<16xi32>], vector<16xf32>,
        %gather3A_356 = tpu.vector_load_idx %arg16[%add3A_166, %add3A_350] : memref<128x128xf32, #tpu.memory_space<vmem>>[vector<16xi32>, vector<16xi32>], vector<16xf32>,
        %pack3A_357 = tpu.pack_subelements %gather3A_351, %gather3A_352 {pack_format = #tpu.pack_format<interleaved>, positions = array<i32: 0, 1>} : vector<16xf32>, vector<16xf32> -> vector<32xbf16>
        %pack3A_358 = tpu.pack_subelements %gather3A_353, %gather3A_354 {pack_format = #tpu.pack_format<interleaved>, positions = array<i32: 0, 1>} : vector<16xf32>, vector<16xf32> -> vector<32xbf16>
        %pack3A_359 = tpu.pack_subelements %gather3A_355, %gather3A_356 {pack_format = #tpu.pack_format<interleaved>, positions = array<i32: 0, 1>} : vector<16xf32>, vector<16xf32> -> vector<32xbf16>
        %mul3A_360 = arith.mulf %pack3A_357, %pack3A_357 : vector<32xbf16>
        %mul3A_361 = arith.mulf %pack3A_358, %pack3A_358 : vector<32xbf16>
        %mul3A_362 = arith.mulf %pack3A_214, %mul3A_360 : vector<32xbf16>
        %add3A_363 = arith.addf %mul3A_362, %pack3A : vector<32xbf16>
        %mul3A_364 = arith.mulf %add3A_363, %mul3A_360 : vector<32xbf16>
        %add3A_365 = arith.constant 1.000000e+00 : bf16
        %add3A_366 = vector.broadcast %add3A_365 : bf16 to vector<32xbf16>
        %add3A_367 = arith.addf %mul3A_364, %add3A_366 : vector<32xbf16>
        %mul3A_368 = arith.mulf %pack3A_216, %mul3A_361 : vector<32xbf16>
        %add3A_369 = arith.addf %mul3A_368, %pack3A_215 : vector<32xbf16>
        %mul3A_370 = arith.mulf %add3A_369, %mul3A_361 : vector<32xbf16>
        %add3A_371 = arith.constant 1.000000e+00 : bf16
        %add3A_372 = vector.broadcast %add3A_371 : bf16 to vector<32xbf16>
        %add3A_373 = arith.addf %mul3A_370, %add3A_372 : vector<32xbf16>
        %mul3A_374 = arith.mulf %pack3A_357, %pack3A_358 : vector<32xbf16>
        %mul3A_375 = arith.mulf %add3A_367, %add3A_373 : vector<32xbf16>
        %mul3A_376 = arith.mulf %mul3A_374, %mul3A_375 : vector<32xbf16>
        %mul3A_377 = arith.mulf %mul3A_376, %pack3A_359 : vector<32xbf16>
        %unpack3A_378 = tpu.unpack_subelements %mul3A_377, 0 {pack_format = #tpu.pack_format<interleaved>} : vector<32xbf16> -> vector<16xf32>
        %unpack3A_379 = tpu.unpack_subelements %mul3A_377, 1 {pack_format = #tpu.pack_format<interleaved>} : vector<32xbf16> -> vector<16xf32>
        %add3A_380 = arith.addf %add3A_344, %unpack3A_378 : vector<16xf32>
        %add3A_381 = arith.addf %add3A_380, %unpack3A_379 : vector<16xf32>
        scf.yield %add3A_381 : vector<16xf32>
      }
      %scan3A_222 = arith.constant 16 : i32
      %mul3A_223 = arith.mulf %scan3A_221, %mul3A_196 : vector<16xf32>
      %mul3A_224 = arith.constant 16 : i32
      %mul3A_225 = arith.muli %scan3A_161, %mul3A_224 : i32
      %add3A_226 = arith.constant 384 : i32
      %add3A_227 = arith.addi %add3A_226, %mul3A_225 : i32
      %swap3A = arith.index_cast %add3A_227 : i32 to index
      %swap3A_228 = tpu.vector_load %arg17[%swap3A] {strides = array<i32>} : memref<512xf32, #tpu.memory_space<vmem>>, vector<16xf32>,
      tpu.vector_store %arg17[%swap3A], %mul3A_223 {strides = array<i32>} : memref<512xf32, #tpu.memory_space<vmem>>, vector<16xf32>,
      %scan3A_229 = arith.constant 0 : i32
      scf.yield %scan3A_229 : i32
    }
    %scan3A_160 = arith.constant 8 : i32
    "tpu.region"() ({
      %run_scoped3A = tpu.sem_alloc : memref<!tpu.dma_semaphore, #tpu.memory_space<semaphore_mem>>
      %dma_start3A_161 = tpu.memref_slice %arg7[%mul3A_2] : memref<16384xf32, #tpu.memory_space<hbm>> -> memref<512xf32, #tpu.memory_space<hbm>>
      %dma_start3A_162 = tpu.memref_slice %arg7[%mul3A_2] : memref<16384xf32, #tpu.memory_space<hbm>> -> memref<512xf32, #tpu.memory_space<hbm>>
      tpu.enqueue_dma source(%arg17 : memref<512xf32, #tpu.memory_space<vmem>>) target(%dma_start3A_162 : memref<512xf32, #tpu.memory_space<hbm>>) target_semaphore(%run_scoped3A : memref<!tpu.dma_semaphore, #tpu.memory_space<semaphore_mem>>)
      %dma_wait3A_163 = tpu.memref_slice %arg7[%mul3A_2] : memref<16384xf32, #tpu.memory_space<hbm>> -> memref<512xf32, #tpu.memory_space<hbm>>
      %dma_wait3A_164 = tpu.memref_slice %arg7[%mul3A_2] : memref<16384xf32, #tpu.memory_space<hbm>> -> memref<512xf32, #tpu.memory_space<hbm>>
      tpu.wait_dma2 semaphore(%run_scoped3A : memref<!tpu.dma_semaphore, #tpu.memory_space<semaphore_mem>>) src(%arg17 : memref<512xf32, #tpu.memory_space<vmem>>) dst(%dma_wait3A_164 : memref<512xf32, #tpu.memory_space<hbm>>)
      tpu.yield
    }) : () -> ()
    return
  }
}

</mosaic_0001>

<sc_bundles>
// kernel: kernel.3.cloned.1.call-start
scs
__scs_entry_jumppad:
0x0: {  	(pc) =	sbr.rel $0x88, $3  }
0x1: {  	(tag) =	ssettag $0x0;
	lr =	simm.s32 $0x1  }
0x2: {  	[smem:$0x3F9C] =	sst lr;
	_ =	strace $0xD0000000  }
0x3: {  	_ = 	snop  }
0x4: {  	_ = 	snop  }
0x5: {  	_ = 	snop  }
0x6: {  	_ = 	snop  }
0x7: {  	_ = 	snop  }
__scs_overlays_trampoline_lowered:
0x8: {  	[smem:$0x3FAB] =	sst s0  }
0x9: {  	[smem:$0x3FAC] =	sst s1  }
0xa: {  	[smem:$0x3FAD] =	sst s2  }
0xb: {  	[smem:$0x3FAE] =	sst s3  }
0xc: {  	[smem:$0x3FAF] =	sst s4  }
0xd: {  	[smem:$0x3FB0] =	sst s5  }
0xe: {  	[smem:$0x3FB1] =	sst s6  }
0xf: {  	[smem:$0x3FB2] =	sst s7  }
0x10: {  	[smem:$0x3FB3] =	sst s8  }
0x11: {  	[smem:$0x3FB4] =	sst s9;
	s0 =	simm.s32 @!p0 $0x0  }
0x12: {  	s1 =	sld [smem:$0x3F9A];
	s0 =	simm.s32 @p0 $0x1  }
0x13: {  	[smem:$0x3FB5] =	sst s0;
	s0 =	simm.s32 @!p1 $0x0  }
0x14: {  	s2 =	sld [smem:$0x3F99];
	s0 =	simm.s32 @p1 $0x1  }
0x15: {  	[smem:$0x3FB6] =	sst s0;
	s0 =	simm.s32 @!p2 $0x0  }
0x16: {  	s3 =	sld [smem:$0x3FDB];
	s0 =	simm.s32 @p2 $0x1  }
0x17: {  	s4 =	simm.s32 $0x1BF5;
	[smem:$0x3FB8] =	sst s0  }
0x18: {  	s0 =	sld [smem:$0x3F9B];
	_ =	swait.ge [sflag:s4], $0x0  }
0x19: {  	s7 =	sld [smem:$0x3F9C]  }
0x1a: {  	s8 =	sadd.s32 $0xFFFFE003, lr  }
0x1b: {  	s9 =	sadd.s32 $0xFFFFFEF7, lr;
	s5 =	simm.s32 $0xFFFFFFFF;
	p2 =	slt.u32 s8, $0xFFFFF086  }
0x1c: {  	p1 =	slt.u32 s9, $0xF7A;
	s5 =	simm.s32 @!p2 $0x0  }
0x1d: {  	s5 =	simm.s32 @p1 $0x1;
	p0 =	seq.s32 s7, s2  }
0x1e: {  	s7 =	smul.u32 @!p0 $0xF7A, s2;
	p2 =	seq.s32 @!p0 s5, $0x0  }
0x1f: {  	s9 =	smul.u32 $0xF7A, s1;
	s8 =	simm.s32 @!p0 $0x1BF5;
	p2 =	por !p2, p0  }
0x20: {  	[sflag:s8] =	ssyncset.s32 @!p0 $0xFFFFF086;
	s6 =	sadd.s32 @!p0 s3, s7;
	s7 =	simm.s32 @!p0 $0x108  }
0x21: {  	s3 =	sadd.s32 s3, s9;
	s6 =	sadd.s32 @!p0 $0x88, s6;
	s7 =	simm.s32 @p2 $0x1082  }
0x22: {  	[simem:s7], [sflag:s8] =	dma.local @!p0 [hbm:s6], $0xF7A  }
0x23: {  	s9 =	sor.u32 $0xD0000000, s2;
	s6 =	simm.s32 $0x108;
	_ =	swait.ge @!p0 [sflag:s8], $0x0  }
0x24: {  	s3 =	sadd.s32 $0x88, s3;
	s6 =	simm.s32 @!p1 $0x1082;
	[sflag:s4] =	ssyncset.s32 $0xFFFFF086  }
0x25: {  	[simem:s6], [sflag:s4] =	dma.local [hbm:s3], $0xF7A  }
0x26: {  	[smem:$0x3F9C] =	sst s1;
	(tag) =	ssettag s2;
	_ =	strace s9  }
0x27: {  	s1 =	sld [smem:$0x3FAC]  }
0x28: {  	s2 =	sld [smem:$0x3FAD]  }
0x29: {  	s4 =	sld [smem:$0x3FAF]  }
0x2a: {  	p0 =	seq.s32 s5, $0x0;
	s5 =	sld [smem:$0x3FB0]  }
0x2b: {  	s6 =	sld [smem:$0x3FB1]  }
0x2c: {  	s7 =	sld [smem:$0x3FB2]  }
0x2d: {  	s3 =	simm.s32 $0x108;
	s8 =	sld [smem:$0x3FB3]  }
0x2e: {  	s3 =	simm.s32 @!p0 $0x1082;
	s9 =	sld [smem:$0x3FB4]  }
0x2f: {  	lr =	sadd.s32 s0, s3;
	s0 =	sld [smem:$0x3FAB]  }
0x30: {  	s3 =	sld [smem:$0x3FAE]  }
0x31: {  	[smem:$0x3FB7] =	sst s10  }
0x32: {  	s10 =	sld [smem:$0x3FB5];
	_ =	sdelay $0x3  }
0x33: {  	p0 =	seq.s32 s10, $0x1;
	s10 =	sld [smem:$0x3FB7];
	_ =	sdelay $0x3  }
0x34: {  	[smem:$0x3FB7] =	sst s10  }
0x35: {  	s10 =	sld [smem:$0x3FB6];
	_ =	sdelay $0x3  }
0x36: {  	p1 =	seq.s32 s10, $0x1;
	s10 =	sld [smem:$0x3FB7];
	_ =	sdelay $0x3  }
0x37: {  	[smem:$0x3FB7] =	sst s10  }
0x38: {  	s10 =	sld [smem:$0x3FB8]  }
0x39: {  	_ = 	snop;
	(pc) =	sbr.ind lr, $3  }
0x3a: {  	_ = 	snop  }
0x3b: {  	_ = 	snop  }
0x3c: {  	p2 =	seq.s32 s10, $0x1;
	s10 =	sld [smem:$0x3FB7]  }
0x3d: {  	_ =	shalt  }
0x3e: {  	_ =	shalt  }
0x3f: {  	_ =	shalt  }
0x40: {  	_ =	shalt  }
0x41: {  	_ =	shalt  }
0x42: {  	_ =	shalt  }
0x43: {  	_ =	shalt  }
0x44: {  	_ =	shalt  }
0x45: {  	_ =	shalt  }
0x46: {  	_ =	shalt  }
0x47: {  	_ =	shalt  }
0x48: {  	_ =	shalt  }
0x49: {  	_ =	shalt  }
0x4a: {  	_ =	shalt  }
0x4b: {  	_ =	shalt  }
0x4c: {  	_ =	shalt  }
0x4d: {  	_ =	shalt  }
0x4e: {  	_ =	shalt  }
0x4f: {  	_ =	shalt  }
0x50: {  	_ =	shalt  }
0x51: {  	_ =	shalt  }
0x52: {  	_ =	shalt  }
0x53: {  	_ =	shalt  }
0x54: {  	_ =	shalt  }
0x55: {  	_ =	shalt  }
0x56: {  	_ =	shalt  }
0x57: {  	_ =	shalt  }
0x58: {  	_ =	shalt  }
0x59: {  	_ =	shalt  }
0x5a: {  	_ =	shalt  }
0x5b: {  	_ =	shalt  }
0x5c: {  	_ =	shalt  }
0x5d: {  	_ =	shalt  }
0x5e: {  	_ =	shalt  }
0x5f: {  	_ =	shalt  }
0x60: {  	_ =	shalt  }
0x61: {  	_ =	shalt  }
0x62: {  	_ =	shalt  }
0x63: {  	_ =	shalt  }
0x64: {  	_ =	shalt  }
0x65: {  	_ =	shalt  }
0x66: {  	_ =	shalt  }
0x67: {  	_ =	shalt  }
0x68: {  	_ =	shalt  }
0x69: {  	_ =	shalt  }
0x6a: {  	_ =	shalt  }
0x6b: {  	_ =	shalt  }
0x6c: {  	_ =	shalt  }
0x6d: {  	_ =	shalt  }
0x6e: {  	_ =	shalt  }
0x6f: {  	_ =	shalt  }
0x70: {  	_ =	shalt  }
0x71: {  	_ =	shalt  }
0x72: {  	_ =	shalt  }
0x73: {  	_ =	shalt  }
0x74: {  	_ =	shalt  }
0x75: {  	_ =	shalt  }
0x76: {  	_ =	shalt  }
0x77: {  	_ =	shalt  }
0x78: {  	_ =	shalt  }
0x79: {  	_ =	shalt  }
0x7a: {  	_ =	shalt  }
0x7b: {  	_ =	shalt  }
0x7c: {  	_ =	shalt  }
0x7d: {  	_ =	shalt  }
0x7e: {  	_ =	shalt  }
0x7f: {  	_ =	shalt  }
0x80: {  	_ =	shalt  }
0x81: {  	_ =	shalt  }
0x82: {  	_ =	shalt  }
0x83: {  	_ =	shalt  }
0x84: {  	_ =	shalt  }
0x85: {  	_ =	shalt  }
0x86: {  	_ =	shalt  }
0x87: {  	_ =	shalt  }
.Lfunc_end0:
.L_simem_size_0:
called_computation_lowered:
.L_overlay_start_0:
0x88: {  	s2 =	sld [smem:$0x3FD9]  }
0x89: {  	s3 =	sld [smem:$0x3FFE];
	_ =	sdelay $0x1  }
0x8a: {  	s1 =	srdreg.scid  }
0x8b: {  	s0 =	sand.u32 $0x1, s1  }
0x8c: {  	s18 =	sshll.u32 s0, $0xA;
	s2 =	sadd.s32 s3, s2  }
0x8d: {  	s2 =	sadd.s32 s2, s18  }
0x8e: {  	[smem:$0x3FC3] =	sst s2  }
0x8f: {  	_ = 	snop  }
0x90: {  	s2 =	sld [smem:$0x3FC9]  }
0x91: {  	s19 =	sld [smem:$0x3FC8]  }
0x92: {  	s4 =	sld [smem:$0x3FC7]  }
0x93: {  	s5 =	sld [smem:$0x3FC6]  }
0x94: {  	s6 =	sld [smem:$0x3FC5]  }
0x95: {  	s7 =	sld [smem:$0x3FD0];
	(tm) =	ssettm $0x1  }
0x96: {  	s8 =	sld [smem:$0x3FFB];
	_ =	sdelay $0x3  }
0x97: {  	_ =	strace s8  }
0x98: {  	s8 =	sld [smem:$0x3FFC];
	_ =	sdelay $0x3  }
0x99: {  	_ =	strace s8  }
0x9a: {  	s8 =	sld [smem:$0x3FFD];
	_ =	sdelay $0x3  }
0x9b: {  	_ =	strace s8  }
0x9c: {  	_ =	strace $0x8FFFFFFF  }
0x9d: {  	s20 =	sld [smem:$0x3FDB];
	_ =	sdelay $0x1  }
0x9e: {  	s9 =	simm.s32 $_scs_section_size  }
0x9f: {  	s10 =	simm.s32 $_size__tile_overlayer_lowered;
	s11 =	simm.s32 $_tile_overlayer_lowered  }
0xa0: {  	s23 =	simm.s32 $0x1BFF;
	s22 =	sshll.u32 s11, $0x1;
	s8 =	sadd.s32 s9, s20  }
0xa1: {  	s12 =	simm.s32 $0x0;
	s21 =	sshll.u32 s10, $0x1;
	s10 =	sadd.s32 s22, s8  }
0xa2: {  	[timem:s12], [sflag:s23] =	dma.local [hbm:s10], s21  }
0xa3: {  	_ =	swait.ge [sflag:s23], s21  }
0xa4: {  	s9 =	ssub.s32 $0x0, s21;
	[sflag:s23] =	ssyncset.done $0x0  }
0xa5: {  	[sflag:s23] =	ssyncadd.s32 s9;
	_ =	sdelay $0x1  }
0xa6: {  	s24 =	simm.s32 $0x1B8B  }
0xa7: {  	_ =	swait.ge [sflag:s24], $0x1  }
0xa8: {  	[sflag:s24] =	ssyncset.done $0x0  }
0xa9: {  	s25 =	simm.s32 $0x1B8E;
	[sflag:s24] =	ssyncadd.s32 $0xFFFFFFFF  }
0xaa: {  	s26 =	simm.s32 $execute0_lowered;
	[smem:$0x3FD2] =	sst s25  }
0xab: {  	s9 =	sshll.u32 s26, $0x1;
	_ =	strace $0x80000046;
	[dreg:$0x1] =	wrdreg $0xFFFFFFFF  }
0xac: {  	s28 =	simm.s32 $_size_execute0_lowered;
	s8 =	sadd.s32 s8, s9;
	[dreg:$0x0] =	wrdreg $0x0  }
0xad: {  	s9 =	sshll.u32 s28, $0x1;
	[dreg:$0x2] =	wrdreg s8  }
0xae: {  	[dreg:$0x3] =	wrdreg s9  }
0xaf: {  	[dreg:$0x4] =	wrdreg $0xC0  }
0xb0: {  	_ =	task [dreg:s12], $0x5FFFF  }
0xb1: {  	[dreg:$0x1] =	wrdreg $0xFFFFFFFF  }
0xb2: {  	[dreg:$0x0] =	wrdreg $0x60  }
0xb3: {  	[dreg:$0x2] =	wrdreg s2  }
0xb4: {  	[dreg:$0x3] =	wrdreg s19  }
0xb5: {  	[dreg:$0x4] =	wrdreg s4  }
0xb6: {  	[dreg:$0x5] =	wrdreg s5  }
0xb7: {  	[dreg:$0x6] =	wrdreg s6  }
0xb8: {  	[dreg:$0x7] =	wrdreg s7  }
0xb9: {  	[dreg:$0x8] =	wrdreg $0x9  }
0xba: {  	_ =	task.clear_ibuf [dreg:s12], $0x9FFFF;
	_ =	strace $0x90000046  }
0xbb: {  	s29 =	simm.s32 $0x9;
	_ =	strace $0x80000048  }
0xbc: {  	_ =	swait.ge [sflag:s29], $0x1  }
0xbd: {  	[sflag:s29] =	ssyncadd.s32 $0xFFFFFFFF  }
0xbe: {  	_ =	strace $0x90000048  }
0xbf: {  	_ =	sfence  }
0xc0: {  	s30 =	sld [smem:$0x0];
	_ =	sdelay $0x2  }
0xc1: {  	s31 =	sshll.u32 s1, $0xD;
	s1 =	sshrl.u32 s1, $0x2  }
0xc2: {  	s3 =	sand.u32 $0x4000, s31;
	s1 =	sadd.s32 s1, s30  }
0xc3: {  	s0 =	sor.u32 s3, s0;
	s1 =	sshll.u32 s1, $0x11  }
0xc4: {  	s0 =	sor.u32 s1, s0  }
0xc5: {  	s0 =	sadd.s32 $0x8F2B, s0  }
0xc6: {  	[sflag:s0] =	ssyncadd.remote.s32 $0x1  }
0xc7: {  	_ =	sfence.sel $0xFFFF  }
0xc8: {  	[dreg:$0x0] =	wrdreg $0xFFFFFFFF;
	(pc) =	sbr.abs _section_cstart, $3  }
0xc9: {  	[dreg:$0x1] =	wrdreg $0xFFFFFFFF  }
0xca: {  	_ =	task.clear_ibuf [dreg:s12], $0x2FFFF;
	_ =	strace $0x9FFFFFFF  }
0xcb: {  	(tm) =	ssettm $0x7FFFFFFF  }
tec
execute0_lowered:
.L_overlay_start_1:
0x0: {  	(tag) =	ssettag $0x1  }
0x1: {  	s0 =	rddreg [dreg:$0x0]  }
0x2: {  	s3 =	rddreg [dreg:$0x1]  }
0x3: {  	s7 =	rddreg [dreg:$0x2]  }
0x4: {  	s1 =	rddreg [dreg:$0x3]  }
0x5: {  	s2 =	rddreg [dreg:$0x4]  }
0x6: {  	s8 =	rddreg [dreg:$0x5]  }
0x7: {  	s5 =	srdreg.scid;
	s4 =	simm.s32 $0x0;
	s10 =	stileid.u32  }
0x8: {  	s11 =	simm.s32 $0x400;
	s12 =	simm.s32 $0x1;
	s13 =	simm.s32 $0x80  }
0x9: {  	s14 =	simm.s32 $0x600;
	s15 =	simm.s32 $0x4600;
	s16 =	simm.s32 $0x8600  }
0xa: {  	s17 =	simm.s32 $0xC600;
	s19 =	simm.s32 $0x10600;
	s21 =	simm.s32 $0x14600  }
0xb: {  	s22 =	simm.s32 $0x2;
	s24 =	simm.s32 $0x500;
	s25 =	simm.s32 $0x300  }
0xc: {  	s26 =	simm.s32 $0x180;
	s28 =	simm.s32 $0x580;
	s29 =	simm.s32 $0x380  }
0xd: {  	s30 =	simm.s32 $0x18600;
	s31 =	simm.s32 $0x3;
	s5 =	sand.u32 $0x1, s5  }
0xe: {  	s10 =	sshll.u32 s10, $0x7;
	s6 =	ssub.s32 $0x2, s5;
	s5 =	sshll.u32 s5, $0x6  }
0xf: {  	[smem:$0x7FF] =	sst s4;
	s9 =	sshrl.u32 s6, $0x1;
	s10 =	sor.u32 s5, s10  }
0x10: {  	_ =	strace $0x80000047;
	s9 =	ssub.s32 s6, s9;
	s5 =	sadd.s32 s0, s10  }
0x11: {  	v0 =	vlaneseq.u32;
	s6 =	sadd.s32 s3, s10;
	s7 =	sadd.s32 s7, s10;
	s8 =	sadd.s32 s8, s10  }
0x12: {  	v2 =	vimm.bf16 $1.0000e+00;
	v1 =	vmul.u32 $0x80, v0;
	s10 =	simm.s32 $0x200;
	s0 =	simm.s32 $0x0;
	s9 =	smax.u32 s9, $0x1  }
.LBB2_1:
0x13: {  	[tilespmem:s4], [sflag:$0x1] =	stream.linear.gather [hbm4b:s5+s4], $0x200, $0x38;
	[tilespmem:$0x18800] =	vst v63  }
0x14: {  	_ = 	snop  }
0x15: {  	[tilespmem:s10], [sflag:$0x1] =	stream.linear.gather [hbm4b:s6+s4], $0x200, $0x38;
	[tilespmem:$0x18800] =	vst v63  }
0x16: {  	_ = 	snop  }
0x17: {  	[tilespmem:s11], [sflag:$0x1] =	stream.linear.gather [hbm4b:s7+s4], $0x200, $0x38;
	[tilespmem:$0x18800] =	vst v63  }
0x18: {  	_ =	swait.ge [sflag:s12], $0x200  }
0x19: {  	[sflag:s12] =	ssyncset.done $0x0  }
0x1a: {  	[sflag:s12] =	ssyncadd.s32 $0xFFFFFE00  }
0x1b: {  	_ =	swait.ge [sflag:s12], $0x200  }
0x1c: {  	[sflag:s12] =	ssyncset.done $0x0  }
0x1d: {  	[sflag:s12] =	ssyncadd.s32 $0xFFFFFE00  }
0x1e: {  	_ =	swait.ge [sflag:s12], $0x200  }
0x1f: {  	[sflag:s12] =	ssyncset.done $0x0  }
0x20: {  	[sflag:s12] =	ssyncadd.s32 $0xFFFFFE00  }
0x21: {  	[tilespmem:s14], [sflag:$0x1] =	stream.indirect.gather [hbm4b:s1+s13], $0x80, s4, s13, $0xb8;
	[tilespmem:$0x18800] =	vst v63  }
0x22: {  	_ = 	snop  }
0x23: {  	[tilespmem:s15], [sflag:$0x1] =	stream.indirect.gather [hbm4b:s1+s13], $0x80, s11, s13, $0xb8;
	[tilespmem:$0x18800] =	vst v63  }
0x24: {  	_ = 	snop  }
0x25: {  	[tilespmem:s16], [sflag:$0x1] =	stream.indirect.gather [hbm4b:s2+s13], $0x80, s10, s13, $0xb8;
	[tilespmem:$0x18800] =	vst v63  }
0x26: {  	_ =	swait.ge [sflag:s12], $0x4000  }
0x27: {  	[sflag:s12] =	ssyncset.done $0x0  }
0x28: {  	[sflag:s12] =	ssyncadd.s32 $0xFFFFC000  }
0x29: {  	_ =	swait.ge [sflag:s12], $0x4000  }
0x2a: {  	[sflag:s12] =	ssyncset.done $0x0  }
0x2b: {  	[sflag:s12] =	ssyncadd.s32 $0xFFFFC000  }
0x2c: {  	_ =	swait.ge [sflag:s12], $0x4000  }
0x2d: {  	[sflag:s12] =	ssyncset.done $0x0  }
0x2e: {  	[sflag:s12] =	ssyncadd.s32 $0xFFFFC000  }
0x2f: {  	[tilespmem:s17], [sflag:$0x2] =	stream.indirect.gather [hbm4b:s1+s13], $0x80, s13, s13, $0xb8;
	[tilespmem:$0x18800] =	vst v63  }
0x30: {  	s3 =	simm.s32 $0x480  }
0x31: {  	[tilespmem:s19], [sflag:$0x2] =	stream.indirect.gather [hbm4b:s1+s13], $0x80, s3, s13, $0xb8;
	[tilespmem:$0x18800] =	vst v63  }
0x32: {  	s23 =	simm.s32 $0x280;
	s3 =	simm.s32 $0x0  }
0x33: {  	[tilespmem:s21], [sflag:$0x2] =	stream.indirect.gather [hbm4b:s2+s13], $0x80, s23, s13, $0xb8;
	[tilespmem:$0x18800] =	vst v63  }
.LBB2_2:
0x34: {  	s18 =	sshll.u32 s3, $0x4  }
0x35: {  	s20 =	simm.s32 $0x0;
	v3 =	vmov s18  }
0x36: {  	v14 =	vadd.s32 s20, v0;
	v3 =	vshll.u32 v3, $0x7  }
0x37: {  	v12 =	vand.u32 $0xF, v14;
	v3 =	vor.u32 v1, v3  }
0x38: {  	v7 =	vor.u32 v3, v12  }
0x39: {  	v4 =	vor.u32 $0x10, v3  }
0x3a: {  	v8 =	vor.u32 v4, v14  }
0x3b: {  	v5 =	vor.u32 $0x20, v3  }
0x3c: {  	v9 =	vor.u32 v5, v12  }
0x3d: {  	v6 =	vor.u32 $0x30, v3;
	v15 =	vld.idx.msk [tilespmem:v7+s14+$0x0], $0xffff  }
0x3e: {  	v17 =	vor.u32 v6, v14;
	v18 =	vld.idx.msk [tilespmem:v7+s15+$0x0], $0xffff  }
0x3f: {  	v7 =	vor.u32 $0x40, v3;
	v20 =	vld.idx.msk [tilespmem:v8+s14+$0x0], $0xffff  }
0x40: {  	v21 =	vor.u32 v7, v12;
	v22 =	vld.idx.msk [tilespmem:v8+s15+$0x0], $0xffff  }
0x41: {  	v8 =	vor.u32 $0x50, v3;
	v24 =	vld.idx.msk [tilespmem:v9+s14+$0x0], $0xffff  }
0x42: {  	v26 =	vimm.f32 $0.0e+00;
	s23 =	simm.s32 $0x1;
	v16 =	vld.idx.msk [tilespmem:v9+s15+$0x0], $0xffff;
	v13 =	vor.u32 v8, v14  }
0x43: {  	v11 =	vadd.s32 s23, v0;
	v10 =	vor.u32 $0x70, v3;
	v9 =	vor.u32 $0x60, v3;
	v19 =	vld.idx.msk [tilespmem:v17+s14+$0x0], $0xffff  }
0x44: {  	v15 =	vmul.f32 v15, v15;
	v27 =	vmul.f32 v18, v18;
	v18 =	vld.idx.msk [tilespmem:v17+s15+$0x0], $0xffff;
	v17 =	vor.u32 v9, v12  }
0x45: {  	v14 =	vor.u32 v10, v14;
	v12 =	vand.u32 $0xF, v11;
	v23 =	vmul.f32 v20, v20;
	v20 =	vld.idx.msk [tilespmem:v21+s14+$0x0], $0xffff  }
0x46: {  	v21 =	vld.idx.msk [tilespmem:v21+s15+$0x0], $0xffff;
	v25 =	vadd.f32 v15, v26;
	v26 =	vadd.f32 v27, v26;
	v27 =	vmul.f32 v22, v22  }
0x47: {  	s20 =	simm.s32 $0x2;
	v24 =	vmul.f32 v24, v24;
	v15 =	vor.u32 v3, v12;
	v22 =	vld.idx.msk [tilespmem:v13+s14+$0x0], $0xffff  }
.LBB2_3:
0x48: {  	p0 =	sne.s32 s20, $0xF;
	v23 =	vadd.f32 v23, v25;
	v25 =	vadd.f32 v27, v26;
	v16 =	vmul.f32 v16, v16;
	v13 =	vld.idx.msk [tilespmem:v13+s15+$0x0], $0xffff  }
0x49: {  	v26 =	vor.u32 v4, v11;
	v19 =	vmul.f32 v19, v19;
	v27 =	vld.idx.msk [tilespmem:v17+s14+$0x0], $0xffff  }
0x4a: {  	v18 =	vmul.f32 v18, v18;
	v23 =	vadd.f32 v24, v23;
	v16 =	vadd.f32 v16, v25;
	v17 =	vld.idx.msk [tilespmem:v17+s15+$0x0], $0xffff  }
0x4b: {  	v24 =	vor.u32 v5, v12;
	v20 =	vmul.f32 v20, v20;
	v25 =	vld.idx.msk [tilespmem:v14+s14+$0x0], $0xffff  }
0x4c: {  	v19 =	vadd.f32 v19, v23;
	v16 =	vadd.f32 v18, v16;
	v18 =	vmul.f32 v21, v21;
	v14 =	vld.idx.msk [tilespmem:v14+s15+$0x0], $0xffff  }
0x4d: {  	v23 =	vor.u32 v6, v11;
	v22 =	vmul.f32 v22, v22;
	v21 =	vld.idx.msk [tilespmem:v15+s14+$0x0], $0xffff  }
0x4e: {  	v13 =	vmul.f32 v13, v13;
	v15 =	vld.idx.msk [tilespmem:v15+s15+$0x0], $0xffff;
	v19 =	vadd.f32 v20, v19;
	v16 =	vadd.f32 v18, v16  }
0x4f: {  	v28 =	vor.u32 v7, v12;
	v18 =	vmul.f32 v27, v27;
	v20 =	vld.idx.msk [tilespmem:v26+s14+$0x0], $0xffff  }
0x50: {  	v17 =	vmul.f32 v17, v17;
	v27 =	vld.idx.msk [tilespmem:v26+s15+$0x0], $0xffff;
	v19 =	vadd.f32 v22, v19;
	v22 =	vadd.f32 v13, v16  }
0x51: {  	v13 =	vor.u32 v8, v11;
	v25 =	vmul.f32 v25, v25;
	v29 =	vld.idx.msk [tilespmem:v24+s14+$0x0], $0xffff  }
0x52: {  	v14 =	vmul.f32 v14, v14;
	v16 =	vld.idx.msk [tilespmem:v24+s15+$0x0], $0xffff;
	v24 =	vadd.f32 v18, v19;
	v22 =	vadd.f32 v17, v22  }
.Ltmp0:
0x53: {  	v26 =	vadd.s32 s20, v0;
	v21 =	vmul.f32 v21, v21;
	v17 =	vor.u32 v9, v12;
	v19 =	vld.idx.msk [tilespmem:v23+s14+$0x0], $0xffff;
	(pc) =	sbr.rel @p0 .LBB2_3-.Ltmp0, $4  }
0x54: {  	v15 =	vmul.f32 v15, v15;
	v18 =	vld.idx.msk [tilespmem:v23+s15+$0x0], $0xffff;
	v24 =	vadd.f32 v25, v24;
	v22 =	vadd.f32 v14, v22  }
0x55: {  	v12 =	vand.u32 $0xF, v26;
	v23 =	vmul.f32 v20, v20;
	v14 =	vor.u32 v10, v11;
	v11 =	vmovc v26;
	v20 =	vld.idx.msk [tilespmem:v28+s14+$0x0], $0xffff  }
0x56: {  	v27 =	vmul.f32 v27, v27;
	v25 =	vadd.f32 v21, v24;
	v26 =	vadd.f32 v15, v22;
	v21 =	vld.idx.msk [tilespmem:v28+s15+$0x0], $0xffff  }
0x57: {  	s20 =	sadd.s32 $0x1, s20;
	v15 =	vor.u32 v3, v12;
	v24 =	vmul.f32 v29, v29;
	v22 =	vld.idx.msk [tilespmem:v13+s14+$0x0], $0xffff  }
0x58: {  	_ =	sdelay $0x2  }
0x59: {  	v23 =	vadd.f32 v23, v25  }
0x5a: {  	v25 =	vadd.f32 v27, v26;
	v16 =	vmul.f32 v16, v16;
	v13 =	vld.idx.msk [tilespmem:v13+s15+$0x0], $0xffff  }
0x5b: {  	v19 =	vmul.f32 v19, v19;
	v26 =	vld.idx.msk [tilespmem:v17+s14+$0x0], $0xffff;
	v23 =	vadd.f32 v24, v23  }
0x5c: {  	v17 =	vld.idx.msk [tilespmem:v17+s15+$0x0], $0xffff;
	v18 =	vmul.f32 v18, v18;
	v16 =	vadd.f32 v16, v25;
	v24 =	vor.u32 v4, v11  }
0x5d: {  	v20 =	vmul.f32 v20, v20;
	v25 =	vld.idx.msk [tilespmem:v14+s14+$0x0], $0xffff;
	v19 =	vadd.f32 v19, v23  }
0x5e: {  	v14 =	vld.idx.msk [tilespmem:v14+s15+$0x0], $0xffff;
	v16 =	vadd.f32 v18, v16;
	v18 =	vmul.f32 v21, v21;
	v21 =	vor.u32 v5, v12  }
0x5f: {  	v22 =	vmul.f32 v22, v22;
	v23 =	vld.idx.msk [tilespmem:v15+s14+$0x0], $0xffff;
	v19 =	vadd.f32 v20, v19  }
0x60: {  	v15 =	vld.idx.msk [tilespmem:v15+s15+$0x0], $0xffff;
	v13 =	vmul.f32 v13, v13;
	v16 =	vadd.f32 v18, v16;
	v18 =	vor.u32 v6, v11  }
0x61: {  	v20 =	vmul.f32 v26, v26;
	v26 =	vld.idx.msk [tilespmem:v24+s14+$0x0], $0xffff;
	v19 =	vadd.f32 v22, v19  }
0x62: {  	v13 =	vadd.f32 v13, v16;
	v16 =	vmul.f32 v17, v17;
	v17 =	vor.u32 v7, v12;
	v22 =	vld.idx.msk [tilespmem:v24+s15+$0x0], $0xffff  }
0x63: {  	v14 =	vmul.f32 v14, v14;
	v24 =	vmul.f32 v25, v25;
	v25 =	vld.idx.msk [tilespmem:v21+s14+$0x0], $0xffff  }
0x64: {  	v19 =	vadd.f32 v20, v19;
	v13 =	vadd.f32 v16, v13;
	v16 =	vor.u32 v8, v11;
	v20 =	vld.idx.msk [tilespmem:v21+s15+$0x0], $0xffff  }
0x65: {  	v12 =	vor.u32 v9, v12;
	v21 =	vmul.f32 v23, v23;
	v23 =	vld.idx.msk [tilespmem:v18+s14+$0x0], $0xffff  }
0x66: {  	v15 =	vmul.f32 v15, v15;
	v19 =	vadd.f32 v24, v19;
	v13 =	vadd.f32 v14, v13;
	v14 =	vld.idx.msk [tilespmem:v18+s15+$0x0], $0xffff  }
0x67: {  	v11 =	vor.u32 v10, v11;
	v18 =	vmul.f32 v26, v26;
	v24 =	vld.idx.msk [tilespmem:v17+s14+$0x0], $0xffff  }
0x68: {  	v17 =	vld.idx.msk [tilespmem:v17+s15+$0x0], $0xffff;
	v19 =	vadd.f32 v21, v19;
	v13 =	vadd.f32 v15, v13;
	v15 =	vmul.f32 v22, v22  }
0x69: {  	v21 =	vmul.f32 v25, v25;
	v22 =	vld.idx.msk [tilespmem:v16+s14+$0x0], $0xffff  }
0x6a: {  	v16 =	vld.idx.msk [tilespmem:v16+s15+$0x0], $0xffff;
	v18 =	vadd.f32 v18, v19;
	v13 =	vadd.f32 v15, v13;
	v15 =	vmul.f32 v20, v20  }
0x6b: {  	v19 =	vmul.f32 v23, v23;
	v20 =	vld.idx.msk [tilespmem:v12+s14+$0x0], $0xffff  }
0x6c: {  	v12 =	vld.idx.msk [tilespmem:v12+s15+$0x0], $0xffff;
	v14 =	vmul.f32 v14, v14;
	v18 =	vadd.f32 v21, v18;
	v13 =	vadd.f32 v15, v13  }
0x6d: {  	v15 =	vmul.f32 v24, v24;
	v21 =	vld.idx.msk [tilespmem:v11+s14+$0x0], $0xffff  }
0x6e: {  	v11 =	vld.idx.msk [tilespmem:v11+s15+$0x0], $0xffff;
	v18 =	vadd.f32 v19, v18;
	v13 =	vadd.f32 v14, v13;
	v14 =	vmul.f32 v17, v17  }
0x6f: {  	v17 =	vmul.f32 v22, v22  }
0x70: {  	v15 =	vadd.f32 v15, v18;
	v13 =	vadd.f32 v14, v13;
	v14 =	vmul.f32 v16, v16  }
0x71: {  	v12 =	vmul.f32 v12, v12  }
0x72: {  	v16 =	vmul.f32 v20, v20;
	v15 =	vadd.f32 v17, v15;
	v13 =	vadd.f32 v14, v13  }
0x73: {  	v11 =	vmul.f32 v11, v11  }
0x74: {  	v14 =	vmul.f32 v21, v21;
	v15 =	vadd.f32 v16, v15;
	v12 =	vadd.f32 v12, v13;
	_ =	sdelay $0x1  }
0x75: {  	v13 =	vadd.f32 v14, v15;
	v12 =	vadd.f32 v11, v12;
	_ =	sdelay $0x1  }
0x76: {  	v11 =	vmul.f32 v12, v13;
	_ =	sdelay $0x1  }
0x77: {  	v14 =	vshra.s32 v11, $0x1;
	v11 =	vmul.f32 $5.000000000e-01, v11  }
0x78: {  	v14 =	vsub.s32 $0x5F3759DF, v14  }
0x79: {  	v15 =	vmul.f32 v14, v11;
	_ =	sdelay $0x1  }
0x7a: {  	v15 =	vmul.f32 v14, v15;
	_ =	sdelay $0x1  }
0x7b: {  	v15 =	vsub.f32 $1.500000000e+00, v15  }
0x7c: {  	s20 =	simm.s32 $0x0  }
0x7d: {  	v14 =	vmul.f32 v14, v15;
	v15 =	vadd.s32 s20, v0  }
0x7e: {  	v26 =	vor.u32 v10, v15;
	_ =	sdelay $0x1  }
0x7f: {  	v20 =	vor.u32 v6, v15;
	_ =	sdelay $0x1  }
0x80: {  	v21 =	vor.u32 v4, v15  }
0x81: {  	v19 =	vld.idx.msk [tilespmem:v26+s14+$0x0], $0xffff  }
0x82: {  	v16 =	vand.u32 $0xF, v15;
	v32 =	vor.u32 v8, v15;
	v22 =	vld.idx.msk [tilespmem:v26+s15+$0x0], $0xffff  }
0x83: {  	v29 =	vor.u32 v9, v16;
	v24 =	vld.idx.msk [tilespmem:v20+s14+$0x0], $0xffff  }
0x84: {  	v25 =	vld.idx.msk [tilespmem:v20+s15+$0x0], $0xffff  }
0x85: {  	v11 =	vmul.f32 v14, v11;
	v27 =	vor.u32 v5, v16;
	v28 =	vld.idx.msk [tilespmem:v21+s14+$0x0], $0xffff  }
0x86: {  	v31 =	vld.idx.msk [tilespmem:v21+s15+$0x0], $0xffff  }
0x87: {  	v30 =	vor.u32 v3, v16;
	v11 =	vmul.f32 v11, v14;
	v39 =	vld.idx.msk [tilespmem:v32+s14+$0x0], $0xffff  }
0x88: {  	v23 =	vld.idx.msk [tilespmem:v29+s14+$0x0], $0xffff  }
0x89: {  	v34 =	vor.u32 v7, v16;
	v11 =	vsub.f32 $1.500000000e+00, v11;
	v33 =	vld.idx.msk [tilespmem:v29+s15+$0x0], $0xffff  }
0x8a: {  	v35 =	vld.idx.msk [tilespmem:v27+s14+$0x0], $0xffff  }
0x8b: {  	v36 =	vld.idx.msk [tilespmem:v27+s15+$0x0], $0xffff;
	v11 =	vmul.f32 v11, v14  }
0x8c: {  	v37 =	vld.idx.msk [tilespmem:v30+s14+$0x0], $0xffff  }
0x8d: {  	v38 =	vld.idx.msk [tilespmem:v30+s15+$0x0], $0xffff;
	v14 =	vmul.f32 v11, v11  }
0x8e: {  	v42 =	vld.idx.msk [tilespmem:v34+s14+$0x0], $0xffff  }
0x8f: {  	v12 =	vmul.f32 v14, v12;
	v13 =	vmul.f32 v14, v13  }
0x90: {  	v23 =	vpack.i.f32.bf16 v19, v23;
	v35 =	vpack.i.f32.bf16 v24, v35;
	v36 =	vpack.i.f32.bf16 v25, v36  }
0x91: {  	v24 =	vpack.i.f32.bf16 v22, v33;
	v22 =	vpack.i.f32.bf16 v28, v37;
	v37 =	vmul.bf16 v36, v35  }
0x92: {  	v25 =	vpack.i.f32.bf16 v31, v38;
	v31 =	vmul.bf16 v23, v23;
	v44 =	vmul.bf16 v24, v24  }
0x93: {  	v39 =	vpack.i.f32.bf16 v39, v42;
	v60 =	vmul.bf16 v22, v22;
	v38 =	vmul.bf16 v25, v25  }
0x94: {  	s23 =	simm.s32 $0x1;
	v40 =	vimm.f32 $0.0e+00;
	v42 =	vmul.bf16 v25, v22;
	v45 =	vmul.bf16 v39, v39  }
0x95: {  	v41 =	vadd.s32 s23, v0;
	v43 =	vld.idx.msk [tilespmem:v32+s15+$0x0], $0xffff;
	v14 =	vmul.f32 v12, v12;
	v15 =	vmul.f32 v13, v13  }
0x96: {  	v18 =	vor.u32 v6, v41;
	v28 =	vld.idx.msk [tilespmem:v34+s15+$0x0], $0xffff;
	v35 =	vmul.bf16 v35, v35;
	v12 =	vmul.f32 $-3.175314660e-01, v12  }
0x97: {  	v46 =	vld.idx.msk [tilespmem:v20+s16+$0x0], $0xffff;
	v19 =	vor.u32 v4, v41;
	v14 =	vmul.f32 $7.981710140e-02, v14;
	v17 =	vmul.f32 $7.981710140e-02, v15  }
0x98: {  	v27 =	vld.idx.msk [tilespmem:v27+s16+$0x0], $0xffff;
	v25 =	vand.u32 $0xF, v41;
	v36 =	vmul.bf16 v36, v36;
	v16 =	vmul.f32 $-3.175314660e-01, v13  }
0x99: {  	v13 =	vpack.i.f32.bf16 v12, v12;
	v15 =	vpack.i.f32.bf16 v14, v14;
	v14 =	vpack.i.f32.bf16 v17, v17  }
0x9a: {  	v12 =	vpack.i.f32.bf16 v16, v16;
	v22 =	vmul.bf16 v60, v15;
	v61 =	vmul.bf16 v38, v14  }
0x9b: {  	v16 =	vor.u32 v10, v41;
	v43 =	vpack.i.f32.bf16 v43, v28;
	v17 =	vor.u32 v8, v41  }
0x9c: {  	v47 =	vmul.bf16 v43, v43;
	v28 =	vadd.bf16 v22, v13;
	v41 =	vadd.bf16 v61, v12  }
0x9d: {  	v46 =	vpack.i.f32.bf16 v46, v27;
	v48 =	vmul.bf16 v35, v15;
	v49 =	vmul.bf16 v36, v14  }
0x9e: {  	v20 =	vor.u32 v5, v25;
	v28 =	vmul.bf16 v28, v60;
	v62 =	vmul.bf16 v41, v38  }
0x9f: {  	v63 =	vld.idx.msk [tilespmem:v21+s16+$0x0], $0xffff;
	v51 =	vmul.bf16 v45, v15;
	v55 =	vadd.bf16 v48, v13;
	v56 =	vadd.bf16 v49, v12  }
0xa0: {  	v50 =	vld.idx.msk [tilespmem:v30+s16+$0x0], $0xffff;
	v57 =	vmul.bf16 v31, v15;
	v30 =	vadd.bf16 v2, v28;
	v33 =	vadd.bf16 v2, v62  }
0xa1: {  	v52 =	vmul.bf16 v47, v14;
	v59 =	vadd.bf16 v51, v13;
	v27 =	vld.idx.msk [tilespmem:v16+s15+$0x0], $0xffff;
	v41 =	vmul.bf16 v55, v35  }
0xa2: {  	v22 =	vor.u32 v9, v25;
	v58 =	vmul.bf16 v56, v36;
	v35 =	vld.idx.msk [tilespmem:v32+s16+$0x0], $0xffff;
	v30 =	vmul.bf16 v33, v30  }
0xa3: {  	v61 =	vmul.bf16 v44, v14;
	v60 =	vadd.bf16 v52, v12;
	v45 =	vmul.bf16 v59, v45;
	v32 =	vld.idx.msk [tilespmem:v18+s15+$0x0], $0xffff  }
0xa4: {  	v36 =	vld.idx.msk [tilespmem:v34+s16+$0x0], $0xffff;
	v41 =	vadd.bf16 v2, v41;
	v33 =	vadd.bf16 v2, v58;
	v42 =	vmul.bf16 v30, v42  }
0xa5: {  	v49 =	vadd.bf16 v57, v13;
	v38 =	vpack.i.f32.bf16 v63, v50;
	v34 =	vld.idx.msk [tilespmem:v19+s15+$0x0], $0xffff;
	v47 =	vmul.bf16 v60, v47  }
0xa6: {  	v28 =	vld.idx.msk [tilespmem:v26+s16+$0x0], $0xffff;
	v45 =	vadd.bf16 v2, v45;
	v41 =	vmul.bf16 v33, v41;
	v50 =	vmul.bf16 v42, v38  }
0xa7: {  	v21 =	vor.u32 v3, v25;
	v26 =	vld.idx.msk [tilespmem:v16+s14+$0x0], $0xffff;
	v62 =	vadd.bf16 v61, v12;
	v63 =	vadd.bf16 v2, v47  }
0xa8: {  	v30 =	vld.idx.msk [tilespmem:v18+s14+$0x0], $0xffff;
	v38 =	vmul.bf16 v43, v39;
	v37 =	vmul.bf16 v41, v37;
	v42 =	vunpack.i.l.bf16.f32 v50  }
0xa9: {  	v33 =	vld.idx.msk [tilespmem:v19+s14+$0x0], $0xffff;
	v41 =	vmul.bf16 v49, v31;
	v43 =	vmul.bf16 v63, v45;
	v42 =	vadd.f32 v42, v40  }
0xaa: {  	s20 =	simm.s32 $0x2;
	v39 =	vmul.bf16 v37, v46;
	v37 =	vld.idx.msk [tilespmem:v29+s16+$0x0], $0xffff;
	v40 =	vmul.bf16 v62, v44;
	v44 =	vunpack.i.u.bf16.f32 v50  }
.LBB2_5:
0xab: {  	p0 =	sne.s32 s20, $0xF;
	v31 =	vor.u32 v7, v25;
	v25 =	vld.idx.msk [tilespmem:v22+s14+$0x0], $0xffff;
	v42 =	vadd.f32 v42, v44;
	v41 =	vadd.bf16 v2, v41  }
0xac: {  	v40 =	vadd.bf16 v2, v40;
	v29 =	vmovc v22;
	v44 =	vld.idx.msk [tilespmem:v22+s15+$0x0], $0xffff;
	v45 =	vunpack.i.l.bf16.f32 v39;
	v38 =	vmul.bf16 v43, v38  }
0xad: {  	v23 =	vmul.bf16 v24, v23;
	v35 =	vpack.i.f32.bf16 v35, v36;
	v22 =	vld.idx.msk [tilespmem:v20+s14+$0x0], $0xffff;
	v42 =	vadd.f32 v45, v42  }
0xae: {  	v24 =	vunpack.i.u.bf16.f32 v39;
	v36 =	vld.idx.msk [tilespmem:v20+s15+$0x0], $0xffff;
	v35 =	vmul.bf16 v38, v35;
	v38 =	vmul.bf16 v40, v41  }
0xaf: {  	v39 =	vld.idx.msk [tilespmem:v21+s14+$0x0], $0xffff;
	v24 =	vadd.f32 v42, v24  }
0xb0: {  	v40 =	vadd.s32 s20, v0;
	v41 =	vld.idx.msk [tilespmem:v21+s15+$0x0], $0xffff;
	v42 =	vunpack.i.l.bf16.f32 v35;
	v23 =	vmul.bf16 v38, v23  }
0xb1: {  	v43 =	vor.u32 v10, v40;
	v28 =	vpack.i.f32.bf16 v28, v37;
	v38 =	vld.idx.msk [tilespmem:v17+s14+$0x0], $0xffff;
	v24 =	vadd.f32 v42, v24  }
0xb2: {  	v45 =	vor.u32 v8, v40;
	v35 =	vunpack.i.u.bf16.f32 v35;
	v37 =	vld.idx.msk [tilespmem:v31+s14+$0x0], $0xffff;
	v28 =	vmul.bf16 v23, v28  }
0xb3: {  	v42 =	vor.u32 v6, v40;
	v23 =	vpack.i.f32.bf16 v26, v25;
	v25 =	vadd.f32 v24, v35  }
0xb4: {  	v22 =	vpack.i.f32.bf16 v30, v22;
	v24 =	vpack.i.f32.bf16 v27, v44;
	v26 =	vld.idx.msk [tilespmem:v17+s15+$0x0], $0xffff;
	v27 =	vunpack.i.l.bf16.f32 v28  }
0xb5: {  	v32 =	vpack.i.f32.bf16 v32, v36;
	v30 =	vpack.i.f32.bf16 v33, v39;
	v33 =	vld.idx.msk [tilespmem:v31+s15+$0x0], $0xffff;
	v25 =	vadd.f32 v27, v25  }
0xb6: {  	v28 =	vunpack.i.u.bf16.f32 v28;
	v27 =	vpack.i.f32.bf16 v34, v41;
	v34 =	vmul.bf16 v32, v22  }
0xb7: {  	v39 =	vmul.bf16 v23, v23;
	v44 =	vmul.bf16 v24, v24;
	v41 =	vadd.f32 v25, v28  }
0xb8: {  	v35 =	vmul.bf16 v27, v27;
	v28 =	vmul.bf16 v30, v30;
	v37 =	vpack.i.f32.bf16 v38, v37  }
0xb9: {  	v36 =	vor.u32 v4, v40;
	v30 =	vmul.bf16 v27, v30;
	v38 =	vmul.bf16 v37, v37  }
0xba: {  	v25 =	vand.u32 $0xF, v40;
	v40 =	vmul.bf16 v35, v14;
	v27 =	vmul.bf16 v28, v15  }
0xbb: {  	v47 =	vmul.bf16 v22, v22;
	v32 =	vmul.bf16 v32, v32;
	v33 =	vpack.i.f32.bf16 v26, v33;
	v46 =	vld.idx.msk [tilespmem:v18+s16+$0x0], $0xffff  }
0xbc: {  	v26 =	vadd.bf16 v27, v13;
	v27 =	vadd.bf16 v40, v12;
	v48 =	vmul.bf16 v33, v33;
	v40 =	vld.idx.msk [tilespmem:v20+s16+$0x0], $0xffff  }
0xbd: {  	v49 =	vmul.bf16 v47, v15;
	v50 =	vmul.bf16 v32, v14;
	v22 =	vor.u32 v9, v25;
	v18 =	vmovc v42  }
0xbe: {  	v20 =	vor.u32 v5, v25;
	v28 =	vmul.bf16 v26, v28;
	v26 =	vmul.bf16 v27, v35;
	v42 =	vld.idx.msk [tilespmem:v19+s16+$0x0], $0xffff  }
0xbf: {  	v27 =	vadd.bf16 v49, v13;
	v35 =	vadd.bf16 v50, v12;
	v49 =	vmul.bf16 v39, v15;
	v51 =	vld.idx.msk [tilespmem:v21+s16+$0x0], $0xffff  }
0xc0: {  	v52 =	vmul.bf16 v38, v15;
	v19 =	vmovc v36;
	v50 =	vadd.bf16 v2, v28;
	v26 =	vadd.bf16 v2, v26  }
0xc1: {  	v21 =	vor.u32 v3, v25;
	v36 =	vmul.bf16 v27, v47;
	v27 =	vmul.bf16 v48, v14;
	v28 =	vld.idx.msk [tilespmem:v16+s16+$0x0], $0xffff  }
0xc2: {  	v32 =	vmul.bf16 v35, v32;
	v16 =	vmul.bf16 v26, v50;
	v46 =	vpack.i.f32.bf16 v46, v40;
	v35 =	vld.idx.msk [tilespmem:v17+s16+$0x0], $0xffff  }
0xc3: {  	v47 =	vmul.bf16 v44, v14;
	v40 =	vadd.bf16 v27, v12;
	v17 =	vadd.bf16 v52, v13;
	v26 =	vld.idx.msk [tilespmem:v43+s14+$0x0], $0xffff  }
0xc4: {  	v36 =	vadd.bf16 v2, v36;
	v50 =	vadd.bf16 v2, v32;
	v16 =	vmul.bf16 v16, v30;
	v27 =	vld.idx.msk [tilespmem:v43+s15+$0x0], $0xffff  }
0xc5: {  	v40 =	vmul.bf16 v40, v48;
	v42 =	vpack.i.f32.bf16 v42, v51;
	v17 =	vmul.bf16 v17, v38;
	v30 =	vld.idx.msk [tilespmem:v18+s14+$0x0], $0xffff  }
.Ltmp1:
0xc6: {  	v49 =	vadd.bf16 v49, v13;
	v48 =	vmul.bf16 v16, v42;
	v42 =	vmul.bf16 v50, v36;
	v32 =	vld.idx.msk [tilespmem:v18+s15+$0x0], $0xffff;
	(pc) =	sbr.rel @p0 .LBB2_5-.Ltmp1, $4  }
0xc7: {  	v38 =	vmul.bf16 v33, v37;
	v51 =	vadd.bf16 v2, v17;
	v36 =	vld.idx.msk [tilespmem:v31+s16+$0x0], $0xffff;
	v31 =	vadd.bf16 v47, v12  }
0xc8: {  	v50 =	vadd.bf16 v2, v40;
	v37 =	vunpack.i.l.bf16.f32 v48;
	v47 =	vmul.bf16 v42, v34;
	v16 =	vmovc v43;
	v33 =	vld.idx.msk [tilespmem:v19+s14+$0x0], $0xffff  }
0xc9: {  	v42 =	vadd.f32 v37, v41;
	v41 =	vmul.bf16 v49, v39;
	v34 =	vld.idx.msk [tilespmem:v19+s15+$0x0], $0xffff;
	v40 =	vmul.bf16 v31, v44  }
0xca: {  	s20 =	sadd.s32 $0x1, s20;
	v43 =	vmul.bf16 v50, v51;
	v17 =	vmovc v45;
	v44 =	vunpack.i.u.bf16.f32 v48;
	v39 =	vmul.bf16 v47, v46;
	v37 =	vld.idx.msk [tilespmem:v29+s16+$0x0], $0xffff  }
0xcb: {  	_ =	sdelay $0x3  }
0xcc: {  	v3 =	vld.idx.msk [tilespmem:v22+s14+$0x0], $0xffff  }
0xcd: {  	v4 =	vor.u32 v7, v25;
	v5 =	vadd.f32 v42, v44;
	v6 =	vld.idx.msk [tilespmem:v22+s15+$0x0], $0xffff;
	v45 =	vadd.bf16 v2, v41  }
0xce: {  	v9 =	vadd.bf16 v2, v40;
	v10 =	vld.idx.msk [tilespmem:v20+s14+$0x0], $0xffff;
	v8 =	vunpack.i.l.bf16.f32 v39;
	v46 =	vmul.bf16 v43, v38  }
0xcf: {  	v47 =	vld.idx.msk [tilespmem:v20+s15+$0x0], $0xffff;
	v23 =	vmul.bf16 v24, v23;
	v29 =	vpack.i.f32.bf16 v35, v36;
	v5 =	vadd.f32 v8, v5  }
0xd0: {  	v48 =	vld.idx.msk [tilespmem:v21+s14+$0x0], $0xffff;
	v49 =	vunpack.i.u.bf16.f32 v39;
	v7 =	vmul.bf16 v9, v45;
	v25 =	vmul.bf16 v46, v29  }
0xd1: {  	v50 =	vld.idx.msk [tilespmem:v21+s15+$0x0], $0xffff;
	v5 =	vadd.f32 v5, v49  }
0xd2: {  	v18 =	vld.idx.msk [tilespmem:v18+s16+$0x0], $0xffff;
	v7 =	vmul.bf16 v7, v23;
	v28 =	vpack.i.f32.bf16 v28, v37;
	v52 =	vunpack.i.l.bf16.f32 v25  }
0xd3: {  	v41 =	vld.idx.msk [tilespmem:v20+s16+$0x0], $0xffff;
	v53 =	vunpack.i.u.bf16.f32 v25;
	v3 =	vpack.i.f32.bf16 v26, v3;
	v10 =	vpack.i.f32.bf16 v30, v10  }
0xd4: {  	v51 =	vld.idx.msk [tilespmem:v17+s14+$0x0], $0xffff;
	v8 =	vpack.i.f32.bf16 v32, v47;
	v6 =	vpack.i.f32.bf16 v27, v6;
	v7 =	vmul.bf16 v7, v28  }
0xd5: {  	v54 =	vld.idx.msk [tilespmem:v17+s15+$0x0], $0xffff;
	v9 =	vpack.i.f32.bf16 v33, v48;
	v56 =	vmul.bf16 v8, v10;
	v58 =	vmul.bf16 v3, v3  }
0xd6: {  	v31 =	vld.idx.msk [tilespmem:v4+s14+$0x0], $0xffff;
	v57 =	vpack.i.f32.bf16 v34, v50;
	v59 =	vmul.bf16 v6, v6;
	v60 =	vmul.bf16 v9, v9  }
0xd7: {  	v55 =	vld.idx.msk [tilespmem:v4+s15+$0x0], $0xffff;
	v5 =	vadd.f32 v52, v5;
	v61 =	vmul.bf16 v57, v57;
	v9 =	vmul.bf16 v57, v9  }
0xd8: {  	v18 =	vpack.i.f32.bf16 v18, v41;
	v10 =	vmul.bf16 v10, v10;
	v8 =	vmul.bf16 v8, v8  }
0xd9: {  	v5 =	vadd.f32 v5, v53;
	v36 =	vmul.bf16 v60, v15;
	v37 =	vmul.bf16 v61, v14  }
0xda: {  	v63 =	vunpack.i.l.bf16.f32 v7;
	v42 =	vmul.bf16 v10, v15;
	v43 =	vmul.bf16 v8, v14  }
0xdb: {  	v7 =	vunpack.i.u.bf16.f32 v7;
	v38 =	vadd.bf16 v36, v13;
	v39 =	vadd.bf16 v37, v12  }
0xdc: {  	v23 =	vpack.i.f32.bf16 v51, v31;
	v25 =	vpack.i.f32.bf16 v54, v55;
	v5 =	vadd.f32 v63, v5  }
0xdd: {  	v28 =	vadd.bf16 v42, v13;
	v26 =	vmul.bf16 v38, v60;
	v31 =	vmul.bf16 v39, v61  }
0xde: {  	v19 =	vld.idx.msk [tilespmem:v19+s16+$0x0], $0xffff;
	v44 =	vadd.bf16 v43, v12;
	v62 =	vmul.bf16 v23, v23;
	v40 =	vmul.bf16 v25, v25  }
0xdf: {  	v46 =	vld.idx.msk [tilespmem:v21+s16+$0x0], $0xffff;
	v48 =	vmul.bf16 v28, v10;
	v26 =	vadd.bf16 v2, v26;
	v31 =	vadd.bf16 v2, v31  }
0xe0: {  	v5 =	vadd.f32 v5, v7;
	v8 =	vmul.bf16 v44, v8;
	v47 =	vmul.bf16 v62, v15  }
0xe1: {  	v49 =	vmul.bf16 v40, v14;
	v7 =	vadd.bf16 v2, v48;
	v26 =	vmul.bf16 v31, v26  }
0xe2: {  	v45 =	vmul.bf16 v58, v15;
	v8 =	vadd.bf16 v2, v8;
	v15 =	vadd.bf16 v47, v13  }
0xe3: {  	v50 =	vmul.bf16 v59, v14;
	v10 =	vadd.bf16 v49, v12;
	v9 =	vmul.bf16 v26, v9  }
0xe4: {  	v19 =	vpack.i.f32.bf16 v19, v46;
	v7 =	vmul.bf16 v8, v7;
	v15 =	vmul.bf16 v15, v62  }
0xe5: {  	v51 =	vadd.bf16 v45, v13;
	v10 =	vmul.bf16 v10, v40;
	v9 =	vmul.bf16 v9, v19  }
0xe6: {  	v4 =	vld.idx.msk [tilespmem:v4+s16+$0x0], $0xffff;
	v54 =	vadd.bf16 v50, v12;
	v53 =	vmul.bf16 v25, v23;
	v7 =	vmul.bf16 v7, v56  }
0xe7: {  	v52 =	vld.idx.msk [tilespmem:v17+s16+$0x0], $0xffff;
	v15 =	vadd.bf16 v2, v15;
	v10 =	vadd.bf16 v2, v10;
	v55 =	vunpack.i.l.bf16.f32 v9  }
0xe8: {  	v12 =	vmul.bf16 v54, v59;
	v8 =	vmul.bf16 v51, v58;
	v5 =	vadd.f32 v55, v5  }
0xe9: {  	v7 =	vmul.bf16 v7, v18;
	v10 =	vmul.bf16 v10, v15;
	v9 =	vunpack.i.u.bf16.f32 v9  }
0xea: {  	v57 =	vld.idx.msk [tilespmem:v22+s16+$0x0], $0xffff;
	v12 =	vadd.bf16 v2, v12;
	v5 =	vadd.f32 v5, v9  }
0xeb: {  	v56 =	vld.idx.msk [tilespmem:v16+s16+$0x0], $0xffff;
	v8 =	vadd.bf16 v2, v8;
	v58 =	vunpack.i.l.bf16.f32 v7;
	v10 =	vmul.bf16 v10, v53  }
0xec: {  	v3 =	vmul.bf16 v6, v3;
	v4 =	vpack.i.f32.bf16 v52, v4;
	v5 =	vadd.f32 v58, v5  }
0xed: {  	v60 =	vmul.bf16 v12, v8;
	v59 =	vunpack.i.u.bf16.f32 v7;
	v4 =	vmul.bf16 v10, v4  }
0xee: {  	v5 =	vadd.f32 v5, v59  }
0xef: {  	v3 =	vmul.bf16 v60, v3;
	v61 =	vunpack.i.l.bf16.f32 v4  }
0xf0: {  	v62 =	vpack.i.f32.bf16 v56, v57;
	v5 =	vadd.f32 v61, v5  }
0xf1: {  	v3 =	vmul.bf16 v3, v62;
	v4 =	vunpack.i.u.bf16.f32 v4  }
0xf2: {  	v4 =	vadd.f32 v5, v4  }
0xf3: {  	v63 =	vunpack.i.l.bf16.f32 v3  }
0xf4: {  	s3 =	sadd.s32 $0x1, s3;
	v4 =	vadd.f32 v63, v4  }
0xf5: {  	p0 =	sne.s32 s3, $0x8;
	v3 =	vunpack.i.u.bf16.f32 v3  }
.Ltmp2:
0xf6: {  	v3 =	vadd.f32 v4, v3;
	(pc) =	sbr.rel @p0 .LBB2_2-.Ltmp2, $3  }
0xf7: {  	_ = 	snop  }
0xf8: {  	v3 =	vmul.f32 v3, v11;
	_ =	sdelay $0x1  }
0xf9: {  	[tilespmem:s18+$0x18600] =	vst v3  }
0xfa: {  	_ =	swait.ge [sflag:s22], $0x4000  }
0xfb: {  	[sflag:s22] =	ssyncset.done $0x0  }
0xfc: {  	[sflag:s22] =	ssyncadd.s32 $0xFFFFC000  }
0xfd: {  	_ =	swait.ge [sflag:s22], $0x4000  }
0xfe: {  	[sflag:s22] =	ssyncset.done $0x0  }
0xff: {  	[sflag:s22] =	ssyncadd.s32 $0xFFFFC000  }
0x100: {  	_ =	swait.ge [sflag:s22], $0x4000  }
0x101: {  	[sflag:s22] =	ssyncset.done $0x0  }
0x102: {  	s3 =	simm.s32 $0x100;
	[sflag:s22] =	ssyncadd.s32 $0xFFFFC000  }
0x103: {  	[tilespmem:s14], [sflag:$0x1] =	stream.indirect.gather [hbm4b:s1+s13], $0x80, s3, s13, $0xb8;
	[tilespmem:$0x18800] =	vst v63  }
0x104: {  	_ = 	snop  }
0x105: {  	[tilespmem:s15], [sflag:$0x1] =	stream.indirect.gather [hbm4b:s1+s13], $0x80, s24, s13, $0xb8;
	[tilespmem:$0x18800] =	vst v63  }
0x106: {  	s18 =	simm.s32 $0x0;
	s3 =	simm.s32 $0x0  }
0x107: {  	[tilespmem:s16], [sflag:$0x1] =	stream.indirect.gather [hbm4b:s2+s13], $0x80, s25, s13, $0xb8;
	[tilespmem:$0x18800] =	vst v63  }
.LBB2_8:
0x108: {  	s20 =	sshll.u32 s18, $0x4  }
0x109: {  	v3 =	vmov s20  }
0x10a: {  	v14 =	vadd.s32 s3, v0;
	v3 =	vshll.u32 v3, $0x7  }
0x10b: {  	v12 =	vand.u32 $0xF, v14;
	v3 =	vor.u32 v1, v3  }
0x10c: {  	v7 =	vor.u32 v3, v12  }
0x10d: {  	v4 =	vor.u32 $0x10, v3  }
0x10e: {  	v8 =	vor.u32 v4, v14  }
0x10f: {  	v5 =	vor.u32 $0x20, v3  }
0x110: {  	v9 =	vor.u32 v5, v12  }
0x111: {  	v6 =	vor.u32 $0x30, v3;
	v15 =	vld.idx.msk [tilespmem:v7+s17+$0x0], $0xffff  }
0x112: {  	v17 =	vor.u32 v6, v14;
	v18 =	vld.idx.msk [tilespmem:v7+s19+$0x0], $0xffff  }
0x113: {  	v7 =	vor.u32 $0x40, v3;
	v20 =	vld.idx.msk [tilespmem:v8+s17+$0x0], $0xffff  }
0x114: {  	v21 =	vor.u32 v7, v12;
	v22 =	vld.idx.msk [tilespmem:v8+s19+$0x0], $0xffff  }
0x115: {  	v8 =	vor.u32 $0x50, v3;
	v24 =	vld.idx.msk [tilespmem:v9+s17+$0x0], $0xffff  }
0x116: {  	v26 =	vimm.f32 $0.0e+00;
	s23 =	simm.s32 $0x1;
	v16 =	vld.idx.msk [tilespmem:v9+s19+$0x0], $0xffff;
	v13 =	vor.u32 v8, v14  }
0x117: {  	v11 =	vadd.s32 s23, v0;
	v10 =	vor.u32 $0x70, v3;
	v9 =	vor.u32 $0x60, v3;
	v19 =	vld.idx.msk [tilespmem:v17+s17+$0x0], $0xffff  }
0x118: {  	v15 =	vmul.f32 v15, v15;
	v27 =	vmul.f32 v18, v18;
	v18 =	vld.idx.msk [tilespmem:v17+s19+$0x0], $0xffff;
	v17 =	vor.u32 v9, v12  }
0x119: {  	v14 =	vor.u32 v10, v14;
	v12 =	vand.u32 $0xF, v11;
	v23 =	vmul.f32 v20, v20;
	v20 =	vld.idx.msk [tilespmem:v21+s17+$0x0], $0xffff  }
0x11a: {  	v21 =	vld.idx.msk [tilespmem:v21+s19+$0x0], $0xffff;
	v25 =	vadd.f32 v15, v26;
	v26 =	vadd.f32 v27, v26;
	v27 =	vmul.f32 v22, v22  }
0x11b: {  	s23 =	simm.s32 $0x2;
	v24 =	vmul.f32 v24, v24;
	v15 =	vor.u32 v3, v12;
	v22 =	vld.idx.msk [tilespmem:v13+s17+$0x0], $0xffff  }
.LBB2_9:
0x11c: {  	p0 =	sne.s32 s23, $0xF;
	v23 =	vadd.f32 v23, v25;
	v25 =	vadd.f32 v27, v26;
	v16 =	vmul.f32 v16, v16;
	v13 =	vld.idx.msk [tilespmem:v13+s19+$0x0], $0xffff  }
0x11d: {  	v26 =	vor.u32 v4, v11;
	v19 =	vmul.f32 v19, v19;
	v27 =	vld.idx.msk [tilespmem:v17+s17+$0x0], $0xffff  }
0x11e: {  	v18 =	vmul.f32 v18, v18;
	v23 =	vadd.f32 v24, v23;
	v16 =	vadd.f32 v16, v25;
	v17 =	vld.idx.msk [tilespmem:v17+s19+$0x0], $0xffff  }
0x11f: {  	v24 =	vor.u32 v5, v12;
	v20 =	vmul.f32 v20, v20;
	v25 =	vld.idx.msk [tilespmem:v14+s17+$0x0], $0xffff  }
0x120: {  	v19 =	vadd.f32 v19, v23;
	v16 =	vadd.f32 v18, v16;
	v18 =	vmul.f32 v21, v21;
	v14 =	vld.idx.msk [tilespmem:v14+s19+$0x0], $0xffff  }
0x121: {  	v23 =	vor.u32 v6, v11;
	v22 =	vmul.f32 v22, v22;
	v21 =	vld.idx.msk [tilespmem:v15+s17+$0x0], $0xffff  }
0x122: {  	v13 =	vmul.f32 v13, v13;
	v15 =	vld.idx.msk [tilespmem:v15+s19+$0x0], $0xffff;
	v19 =	vadd.f32 v20, v19;
	v16 =	vadd.f32 v18, v16  }
0x123: {  	v28 =	vor.u32 v7, v12;
	v18 =	vmul.f32 v27, v27;
	v20 =	vld.idx.msk [tilespmem:v26+s17+$0x0], $0xffff  }
0x124: {  	v17 =	vmul.f32 v17, v17;
	v27 =	vld.idx.msk [tilespmem:v26+s19+$0x0], $0xffff;
	v19 =	vadd.f32 v22, v19;
	v22 =	vadd.f32 v13, v16  }
0x125: {  	v13 =	vor.u32 v8, v11;
	v25 =	vmul.f32 v25, v25;
	v29 =	vld.idx.msk [tilespmem:v24+s17+$0x0], $0xffff  }
0x126: {  	v14 =	vmul.f32 v14, v14;
	v16 =	vld.idx.msk [tilespmem:v24+s19+$0x0], $0xffff;
	v24 =	vadd.f32 v18, v19;
	v22 =	vadd.f32 v17, v22  }
.Ltmp3:
0x127: {  	v26 =	vadd.s32 s23, v0;
	v21 =	vmul.f32 v21, v21;
	v17 =	vor.u32 v9, v12;
	v19 =	vld.idx.msk [tilespmem:v23+s17+$0x0], $0xffff;
	(pc) =	sbr.rel @p0 .LBB2_9-.Ltmp3, $4  }
0x128: {  	v15 =	vmul.f32 v15, v15;
	v18 =	vld.idx.msk [tilespmem:v23+s19+$0x0], $0xffff;
	v24 =	vadd.f32 v25, v24;
	v22 =	vadd.f32 v14, v22  }
0x129: {  	v12 =	vand.u32 $0xF, v26;
	v23 =	vmul.f32 v20, v20;
	v14 =	vor.u32 v10, v11;
	v11 =	vmovc v26;
	v20 =	vld.idx.msk [tilespmem:v28+s17+$0x0], $0xffff  }
0x12a: {  	v27 =	vmul.f32 v27, v27;
	v25 =	vadd.f32 v21, v24;
	v26 =	vadd.f32 v15, v22;
	v21 =	vld.idx.msk [tilespmem:v28+s19+$0x0], $0xffff  }
0x12b: {  	s23 =	sadd.s32 $0x1, s23;
	v15 =	vor.u32 v3, v12;
	v24 =	vmul.f32 v29, v29;
	v22 =	vld.idx.msk [tilespmem:v13+s17+$0x0], $0xffff  }
0x12c: {  	_ =	sdelay $0x2  }
0x12d: {  	v23 =	vadd.f32 v23, v25  }
0x12e: {  	v25 =	vadd.f32 v27, v26;
	v16 =	vmul.f32 v16, v16;
	v13 =	vld.idx.msk [tilespmem:v13+s19+$0x0], $0xffff  }
0x12f: {  	v19 =	vmul.f32 v19, v19;
	v26 =	vld.idx.msk [tilespmem:v17+s17+$0x0], $0xffff;
	v23 =	vadd.f32 v24, v23  }
0x130: {  	v17 =	vld.idx.msk [tilespmem:v17+s19+$0x0], $0xffff;
	v18 =	vmul.f32 v18, v18;
	v16 =	vadd.f32 v16, v25;
	v24 =	vor.u32 v4, v11  }
0x131: {  	v20 =	vmul.f32 v20, v20;
	v25 =	vld.idx.msk [tilespmem:v14+s17+$0x0], $0xffff;
	v19 =	vadd.f32 v19, v23  }
0x132: {  	v14 =	vld.idx.msk [tilespmem:v14+s19+$0x0], $0xffff;
	v16 =	vadd.f32 v18, v16;
	v18 =	vmul.f32 v21, v21;
	v21 =	vor.u32 v5, v12  }
0x133: {  	v22 =	vmul.f32 v22, v22;
	v23 =	vld.idx.msk [tilespmem:v15+s17+$0x0], $0xffff;
	v19 =	vadd.f32 v20, v19  }
0x134: {  	v15 =	vld.idx.msk [tilespmem:v15+s19+$0x0], $0xffff;
	v13 =	vmul.f32 v13, v13;
	v16 =	vadd.f32 v18, v16;
	v18 =	vor.u32 v6, v11  }
0x135: {  	v20 =	vmul.f32 v26, v26;
	v26 =	vld.idx.msk [tilespmem:v24+s17+$0x0], $0xffff;
	v19 =	vadd.f32 v22, v19  }
0x136: {  	v13 =	vadd.f32 v13, v16;
	v16 =	vmul.f32 v17, v17;
	v17 =	vor.u32 v7, v12;
	v22 =	vld.idx.msk [tilespmem:v24+s19+$0x0], $0xffff  }
0x137: {  	v14 =	vmul.f32 v14, v14;
	v24 =	vmul.f32 v25, v25;
	v25 =	vld.idx.msk [tilespmem:v21+s17+$0x0], $0xffff  }
0x138: {  	v19 =	vadd.f32 v20, v19;
	v13 =	vadd.f32 v16, v13;
	v16 =	vor.u32 v8, v11;
	v20 =	vld.idx.msk [tilespmem:v21+s19+$0x0], $0xffff  }
0x139: {  	v12 =	vor.u32 v9, v12;
	v21 =	vmul.f32 v23, v23;
	v23 =	vld.idx.msk [tilespmem:v18+s17+$0x0], $0xffff  }
0x13a: {  	v15 =	vmul.f32 v15, v15;
	v19 =	vadd.f32 v24, v19;
	v13 =	vadd.f32 v14, v13;
	v14 =	vld.idx.msk [tilespmem:v18+s19+$0x0], $0xffff  }
0x13b: {  	v11 =	vor.u32 v10, v11;
	v18 =	vmul.f32 v26, v26;
	v24 =	vld.idx.msk [tilespmem:v17+s17+$0x0], $0xffff  }
0x13c: {  	v17 =	vld.idx.msk [tilespmem:v17+s19+$0x0], $0xffff;
	v19 =	vadd.f32 v21, v19;
	v13 =	vadd.f32 v15, v13;
	v15 =	vmul.f32 v22, v22  }
0x13d: {  	v21 =	vmul.f32 v25, v25;
	v22 =	vld.idx.msk [tilespmem:v16+s17+$0x0], $0xffff  }
0x13e: {  	v16 =	vld.idx.msk [tilespmem:v16+s19+$0x0], $0xffff;
	v18 =	vadd.f32 v18, v19;
	v13 =	vadd.f32 v15, v13;
	v15 =	vmul.f32 v20, v20  }
0x13f: {  	v19 =	vmul.f32 v23, v23;
	v20 =	vld.idx.msk [tilespmem:v12+s17+$0x0], $0xffff  }
0x140: {  	v12 =	vld.idx.msk [tilespmem:v12+s19+$0x0], $0xffff;
	v14 =	vmul.f32 v14, v14;
	v18 =	vadd.f32 v21, v18;
	v13 =	vadd.f32 v15, v13  }
0x141: {  	v15 =	vmul.f32 v24, v24;
	v21 =	vld.idx.msk [tilespmem:v11+s17+$0x0], $0xffff  }
0x142: {  	v11 =	vld.idx.msk [tilespmem:v11+s19+$0x0], $0xffff;
	v18 =	vadd.f32 v19, v18;
	v13 =	vadd.f32 v14, v13;
	v14 =	vmul.f32 v17, v17  }
0x143: {  	v17 =	vmul.f32 v22, v22  }
0x144: {  	v15 =	vadd.f32 v15, v18;
	v13 =	vadd.f32 v14, v13;
	v14 =	vmul.f32 v16, v16  }
0x145: {  	v12 =	vmul.f32 v12, v12  }
0x146: {  	v16 =	vmul.f32 v20, v20;
	v15 =	vadd.f32 v17, v15;
	v13 =	vadd.f32 v14, v13  }
0x147: {  	v11 =	vmul.f32 v11, v11  }
0x148: {  	v14 =	vmul.f32 v21, v21;
	v15 =	vadd.f32 v16, v15;
	v12 =	vadd.f32 v12, v13;
	_ =	sdelay $0x1  }
0x149: {  	v13 =	vadd.f32 v14, v15;
	v12 =	vadd.f32 v11, v12;
	_ =	sdelay $0x1  }
0x14a: {  	v11 =	vmul.f32 v12, v13;
	_ =	sdelay $0x1  }
0x14b: {  	v14 =	vshra.s32 v11, $0x1;
	v11 =	vmul.f32 $5.000000000e-01, v11  }
0x14c: {  	v14 =	vsub.s32 $0x5F3759DF, v14  }
0x14d: {  	v15 =	vmul.f32 v14, v11;
	_ =	sdelay $0x1  }
0x14e: {  	v15 =	vmul.f32 v14, v15;
	_ =	sdelay $0x1  }
0x14f: {  	v15 =	vsub.f32 $1.500000000e+00, v15  }
0x150: {  	s23 =	simm.s32 $0x0  }
0x151: {  	v14 =	vmul.f32 v14, v15;
	v15 =	vadd.s32 s23, v0  }
0x152: {  	v26 =	vor.u32 v10, v15;
	_ =	sdelay $0x1  }
0x153: {  	v20 =	vor.u32 v6, v15;
	_ =	sdelay $0x1  }
0x154: {  	v21 =	vor.u32 v4, v15  }
0x155: {  	v19 =	vld.idx.msk [tilespmem:v26+s17+$0x0], $0xffff  }
0x156: {  	v16 =	vand.u32 $0xF, v15;
	v32 =	vor.u32 v8, v15;
	v22 =	vld.idx.msk [tilespmem:v26+s19+$0x0], $0xffff  }
0x157: {  	v29 =	vor.u32 v9, v16;
	v24 =	vld.idx.msk [tilespmem:v20+s17+$0x0], $0xffff  }
0x158: {  	v25 =	vld.idx.msk [tilespmem:v20+s19+$0x0], $0xffff  }
0x159: {  	v11 =	vmul.f32 v14, v11;
	v27 =	vor.u32 v5, v16;
	v28 =	vld.idx.msk [tilespmem:v21+s17+$0x0], $0xffff  }
0x15a: {  	v31 =	vld.idx.msk [tilespmem:v21+s19+$0x0], $0xffff  }
0x15b: {  	v30 =	vor.u32 v3, v16;
	v11 =	vmul.f32 v11, v14;
	v39 =	vld.idx.msk [tilespmem:v32+s17+$0x0], $0xffff  }
0x15c: {  	v23 =	vld.idx.msk [tilespmem:v29+s17+$0x0], $0xffff  }
0x15d: {  	v34 =	vor.u32 v7, v16;
	v11 =	vsub.f32 $1.500000000e+00, v11;
	v33 =	vld.idx.msk [tilespmem:v29+s19+$0x0], $0xffff  }
0x15e: {  	v35 =	vld.idx.msk [tilespmem:v27+s17+$0x0], $0xffff  }
0x15f: {  	v36 =	vld.idx.msk [tilespmem:v27+s19+$0x0], $0xffff;
	v11 =	vmul.f32 v11, v14  }
0x160: {  	v37 =	vld.idx.msk [tilespmem:v30+s17+$0x0], $0xffff  }
0x161: {  	v38 =	vld.idx.msk [tilespmem:v30+s19+$0x0], $0xffff;
	v14 =	vmul.f32 v11, v11  }
0x162: {  	v42 =	vld.idx.msk [tilespmem:v34+s17+$0x0], $0xffff  }
0x163: {  	v12 =	vmul.f32 v14, v12;
	v13 =	vmul.f32 v14, v13  }
0x164: {  	v23 =	vpack.i.f32.bf16 v19, v23;
	v35 =	vpack.i.f32.bf16 v24, v35;
	v36 =	vpack.i.f32.bf16 v25, v36  }
0x165: {  	v24 =	vpack.i.f32.bf16 v22, v33;
	v22 =	vpack.i.f32.bf16 v28, v37;
	v37 =	vmul.bf16 v36, v35  }
0x166: {  	v25 =	vpack.i.f32.bf16 v31, v38;
	v31 =	vmul.bf16 v23, v23;
	v44 =	vmul.bf16 v24, v24  }
0x167: {  	v39 =	vpack.i.f32.bf16 v39, v42;
	v60 =	vmul.bf16 v22, v22;
	v38 =	vmul.bf16 v25, v25  }
0x168: {  	v40 =	vimm.f32 $0.0e+00;
	s23 =	simm.s32 $0x1;
	v42 =	vmul.bf16 v25, v22;
	v45 =	vmul.bf16 v39, v39  }
0x169: {  	v41 =	vadd.s32 s23, v0;
	v43 =	vld.idx.msk [tilespmem:v32+s19+$0x0], $0xffff;
	v14 =	vmul.f32 v12, v12;
	v15 =	vmul.f32 v13, v13  }
0x16a: {  	v18 =	vor.u32 v6, v41;
	v28 =	vld.idx.msk [tilespmem:v34+s19+$0x0], $0xffff;
	v35 =	vmul.bf16 v35, v35;
	v12 =	vmul.f32 $-3.175314660e-01, v12  }
0x16b: {  	v46 =	vld.idx.msk [tilespmem:v20+s21+$0x0], $0xffff;
	v19 =	vor.u32 v4, v41;
	v14 =	vmul.f32 $7.981710140e-02, v14;
	v17 =	vmul.f32 $7.981710140e-02, v15  }
0x16c: {  	v27 =	vld.idx.msk [tilespmem:v27+s21+$0x0], $0xffff;
	v25 =	vand.u32 $0xF, v41;
	v36 =	vmul.bf16 v36, v36;
	v16 =	vmul.f32 $-3.175314660e-01, v13  }
0x16d: {  	v13 =	vpack.i.f32.bf16 v12, v12;
	v15 =	vpack.i.f32.bf16 v14, v14;
	v14 =	vpack.i.f32.bf16 v17, v17  }
0x16e: {  	v12 =	vpack.i.f32.bf16 v16, v16;
	v22 =	vmul.bf16 v60, v15;
	v61 =	vmul.bf16 v38, v14  }
0x16f: {  	v16 =	vor.u32 v10, v41;
	v43 =	vpack.i.f32.bf16 v43, v28;
	v17 =	vor.u32 v8, v41  }
0x170: {  	v47 =	vmul.bf16 v43, v43;
	v28 =	vadd.bf16 v22, v13;
	v41 =	vadd.bf16 v61, v12  }
0x171: {  	v46 =	vpack.i.f32.bf16 v46, v27;
	v48 =	vmul.bf16 v35, v15;
	v49 =	vmul.bf16 v36, v14  }
0x172: {  	v20 =	vor.u32 v5, v25;
	v28 =	vmul.bf16 v28, v60;
	v62 =	vmul.bf16 v41, v38  }
0x173: {  	v63 =	vld.idx.msk [tilespmem:v21+s21+$0x0], $0xffff;
	v51 =	vmul.bf16 v45, v15;
	v55 =	vadd.bf16 v48, v13;
	v56 =	vadd.bf16 v49, v12  }
0x174: {  	v50 =	vld.idx.msk [tilespmem:v30+s21+$0x0], $0xffff;
	v57 =	vmul.bf16 v31, v15;
	v30 =	vadd.bf16 v2, v28;
	v33 =	vadd.bf16 v2, v62  }
0x175: {  	v52 =	vmul.bf16 v47, v14;
	v59 =	vadd.bf16 v51, v13;
	v27 =	vld.idx.msk [tilespmem:v16+s19+$0x0], $0xffff;
	v41 =	vmul.bf16 v55, v35  }
0x176: {  	v22 =	vor.u32 v9, v25;
	v58 =	vmul.bf16 v56, v36;
	v35 =	vld.idx.msk [tilespmem:v32+s21+$0x0], $0xffff;
	v30 =	vmul.bf16 v33, v30  }
0x177: {  	v61 =	vmul.bf16 v44, v14;
	v60 =	vadd.bf16 v52, v12;
	v45 =	vmul.bf16 v59, v45;
	v32 =	vld.idx.msk [tilespmem:v18+s19+$0x0], $0xffff  }
0x178: {  	v36 =	vld.idx.msk [tilespmem:v34+s21+$0x0], $0xffff;
	v41 =	vadd.bf16 v2, v41;
	v33 =	vadd.bf16 v2, v58;
	v42 =	vmul.bf16 v30, v42  }
0x179: {  	v49 =	vadd.bf16 v57, v13;
	v38 =	vpack.i.f32.bf16 v63, v50;
	v34 =	vld.idx.msk [tilespmem:v19+s19+$0x0], $0xffff;
	v47 =	vmul.bf16 v60, v47  }
0x17a: {  	v28 =	vld.idx.msk [tilespmem:v26+s21+$0x0], $0xffff;
	v45 =	vadd.bf16 v2, v45;
	v41 =	vmul.bf16 v33, v41;
	v50 =	vmul.bf16 v42, v38  }
0x17b: {  	v21 =	vor.u32 v3, v25;
	v26 =	vld.idx.msk [tilespmem:v16+s17+$0x0], $0xffff;
	v62 =	vadd.bf16 v61, v12;
	v63 =	vadd.bf16 v2, v47  }
0x17c: {  	v30 =	vld.idx.msk [tilespmem:v18+s17+$0x0], $0xffff;
	v38 =	vmul.bf16 v43, v39;
	v37 =	vmul.bf16 v41, v37;
	v42 =	vunpack.i.l.bf16.f32 v50  }
0x17d: {  	v33 =	vld.idx.msk [tilespmem:v19+s17+$0x0], $0xffff;
	v41 =	vmul.bf16 v49, v31;
	v43 =	vmul.bf16 v63, v45;
	v42 =	vadd.f32 v42, v40  }
0x17e: {  	s23 =	simm.s32 $0x2;
	v39 =	vmul.bf16 v37, v46;
	v37 =	vld.idx.msk [tilespmem:v29+s21+$0x0], $0xffff;
	v40 =	vmul.bf16 v62, v44;
	v44 =	vunpack.i.u.bf16.f32 v50  }
.LBB2_11:
0x17f: {  	p0 =	sne.s32 s23, $0xF;
	v31 =	vor.u32 v7, v25;
	v25 =	vld.idx.msk [tilespmem:v22+s17+$0x0], $0xffff;
	v42 =	vadd.f32 v42, v44;
	v41 =	vadd.bf16 v2, v41  }
0x180: {  	v40 =	vadd.bf16 v2, v40;
	v29 =	vmovc v22;
	v44 =	vld.idx.msk [tilespmem:v22+s19+$0x0], $0xffff;
	v45 =	vunpack.i.l.bf16.f32 v39;
	v38 =	vmul.bf16 v43, v38  }
0x181: {  	v23 =	vmul.bf16 v24, v23;
	v35 =	vpack.i.f32.bf16 v35, v36;
	v22 =	vld.idx.msk [tilespmem:v20+s17+$0x0], $0xffff;
	v42 =	vadd.f32 v45, v42  }
0x182: {  	v24 =	vunpack.i.u.bf16.f32 v39;
	v36 =	vld.idx.msk [tilespmem:v20+s19+$0x0], $0xffff;
	v35 =	vmul.bf16 v38, v35;
	v38 =	vmul.bf16 v40, v41  }
0x183: {  	v39 =	vld.idx.msk [tilespmem:v21+s17+$0x0], $0xffff;
	v24 =	vadd.f32 v42, v24  }
0x184: {  	v40 =	vadd.s32 s23, v0;
	v41 =	vld.idx.msk [tilespmem:v21+s19+$0x0], $0xffff;
	v42 =	vunpack.i.l.bf16.f32 v35;
	v23 =	vmul.bf16 v38, v23  }
0x185: {  	v43 =	vor.u32 v10, v40;
	v28 =	vpack.i.f32.bf16 v28, v37;
	v38 =	vld.idx.msk [tilespmem:v17+s17+$0x0], $0xffff;
	v24 =	vadd.f32 v42, v24  }
0x186: {  	v45 =	vor.u32 v8, v40;
	v35 =	vunpack.i.u.bf16.f32 v35;
	v37 =	vld.idx.msk [tilespmem:v31+s17+$0x0], $0xffff;
	v28 =	vmul.bf16 v23, v28  }
0x187: {  	v42 =	vor.u32 v6, v40;
	v23 =	vpack.i.f32.bf16 v26, v25;
	v25 =	vadd.f32 v24, v35  }
0x188: {  	v22 =	vpack.i.f32.bf16 v30, v22;
	v24 =	vpack.i.f32.bf16 v27, v44;
	v26 =	vld.idx.msk [tilespmem:v17+s19+$0x0], $0xffff;
	v27 =	vunpack.i.l.bf16.f32 v28  }
0x189: {  	v32 =	vpack.i.f32.bf16 v32, v36;
	v30 =	vpack.i.f32.bf16 v33, v39;
	v33 =	vld.idx.msk [tilespmem:v31+s19+$0x0], $0xffff;
	v25 =	vadd.f32 v27, v25  }
0x18a: {  	v28 =	vunpack.i.u.bf16.f32 v28;
	v27 =	vpack.i.f32.bf16 v34, v41;
	v34 =	vmul.bf16 v32, v22  }
0x18b: {  	v39 =	vmul.bf16 v23, v23;
	v44 =	vmul.bf16 v24, v24;
	v41 =	vadd.f32 v25, v28  }
0x18c: {  	v35 =	vmul.bf16 v27, v27;
	v28 =	vmul.bf16 v30, v30;
	v37 =	vpack.i.f32.bf16 v38, v37  }
0x18d: {  	v36 =	vor.u32 v4, v40;
	v30 =	vmul.bf16 v27, v30;
	v38 =	vmul.bf16 v37, v37  }
0x18e: {  	v25 =	vand.u32 $0xF, v40;
	v40 =	vmul.bf16 v35, v14;
	v27 =	vmul.bf16 v28, v15  }
0x18f: {  	v47 =	vmul.bf16 v22, v22;
	v32 =	vmul.bf16 v32, v32;
	v33 =	vpack.i.f32.bf16 v26, v33;
	v46 =	vld.idx.msk [tilespmem:v18+s21+$0x0], $0xffff  }
0x190: {  	v26 =	vadd.bf16 v27, v13;
	v27 =	vadd.bf16 v40, v12;
	v48 =	vmul.bf16 v33, v33;
	v40 =	vld.idx.msk [tilespmem:v20+s21+$0x0], $0xffff  }
0x191: {  	v49 =	vmul.bf16 v47, v15;
	v50 =	vmul.bf16 v32, v14;
	v22 =	vor.u32 v9, v25;
	v18 =	vmovc v42  }
0x192: {  	v20 =	vor.u32 v5, v25;
	v28 =	vmul.bf16 v26, v28;
	v26 =	vmul.bf16 v27, v35;
	v42 =	vld.idx.msk [tilespmem:v19+s21+$0x0], $0xffff  }
0x193: {  	v27 =	vadd.bf16 v49, v13;
	v35 =	vadd.bf16 v50, v12;
	v49 =	vmul.bf16 v39, v15;
	v51 =	vld.idx.msk [tilespmem:v21+s21+$0x0], $0xffff  }
0x194: {  	v52 =	vmul.bf16 v38, v15;
	v19 =	vmovc v36;
	v50 =	vadd.bf16 v2, v28;
	v26 =	vadd.bf16 v2, v26  }
0x195: {  	v21 =	vor.u32 v3, v25;
	v36 =	vmul.bf16 v27, v47;
	v27 =	vmul.bf16 v48, v14;
	v28 =	vld.idx.msk [tilespmem:v16+s21+$0x0], $0xffff  }
0x196: {  	v32 =	vmul.bf16 v35, v32;
	v16 =	vmul.bf16 v26, v50;
	v46 =	vpack.i.f32.bf16 v46, v40;
	v35 =	vld.idx.msk [tilespmem:v17+s21+$0x0], $0xffff  }
0x197: {  	v47 =	vmul.bf16 v44, v14;
	v40 =	vadd.bf16 v27, v12;
	v17 =	vadd.bf16 v52, v13;
	v26 =	vld.idx.msk [tilespmem:v43+s17+$0x0], $0xffff  }
0x198: {  	v36 =	vadd.bf16 v2, v36;
	v50 =	vadd.bf16 v2, v32;
	v16 =	vmul.bf16 v16, v30;
	v27 =	vld.idx.msk [tilespmem:v43+s19+$0x0], $0xffff  }
0x199: {  	v40 =	vmul.bf16 v40, v48;
	v42 =	vpack.i.f32.bf16 v42, v51;
	v17 =	vmul.bf16 v17, v38;
	v30 =	vld.idx.msk [tilespmem:v18+s17+$0x0], $0xffff  }
.Ltmp4:
0x19a: {  	v49 =	vadd.bf16 v49, v13;
	v48 =	vmul.bf16 v16, v42;
	v42 =	vmul.bf16 v50, v36;
	v32 =	vld.idx.msk [tilespmem:v18+s19+$0x0], $0xffff;
	(pc) =	sbr.rel @p0 .LBB2_11-.Ltmp4, $4  }
0x19b: {  	v38 =	vmul.bf16 v33, v37;
	v51 =	vadd.bf16 v2, v17;
	v36 =	vld.idx.msk [tilespmem:v31+s21+$0x0], $0xffff;
	v31 =	vadd.bf16 v47, v12  }
0x19c: {  	v50 =	vadd.bf16 v2, v40;
	v37 =	vunpack.i.l.bf16.f32 v48;
	v47 =	vmul.bf16 v42, v34;
	v16 =	vmovc v43;
	v33 =	vld.idx.msk [tilespmem:v19+s17+$0x0], $0xffff  }
0x19d: {  	v42 =	vadd.f32 v37, v41;
	v41 =	vmul.bf16 v49, v39;
	v34 =	vld.idx.msk [tilespmem:v19+s19+$0x0], $0xffff;
	v40 =	vmul.bf16 v31, v44  }
0x19e: {  	s23 =	sadd.s32 $0x1, s23;
	v43 =	vmul.bf16 v50, v51;
	v17 =	vmovc v45;
	v44 =	vunpack.i.u.bf16.f32 v48;
	v39 =	vmul.bf16 v47, v46;
	v37 =	vld.idx.msk [tilespmem:v29+s21+$0x0], $0xffff  }
0x19f: {  	_ =	sdelay $0x3  }
0x1a0: {  	v3 =	vld.idx.msk [tilespmem:v22+s17+$0x0], $0xffff  }
0x1a1: {  	v4 =	vor.u32 v7, v25;
	v5 =	vadd.f32 v42, v44;
	v6 =	vld.idx.msk [tilespmem:v22+s19+$0x0], $0xffff;
	v45 =	vadd.bf16 v2, v41  }
0x1a2: {  	v9 =	vadd.bf16 v2, v40;
	v10 =	vld.idx.msk [tilespmem:v20+s17+$0x0], $0xffff;
	v8 =	vunpack.i.l.bf16.f32 v39;
	v46 =	vmul.bf16 v43, v38  }
0x1a3: {  	v47 =	vld.idx.msk [tilespmem:v20+s19+$0x0], $0xffff;
	v23 =	vmul.bf16 v24, v23;
	v29 =	vpack.i.f32.bf16 v35, v36;
	v5 =	vadd.f32 v8, v5  }
0x1a4: {  	v48 =	vld.idx.msk [tilespmem:v21+s17+$0x0], $0xffff;
	v49 =	vunpack.i.u.bf16.f32 v39;
	v7 =	vmul.bf16 v9, v45;
	v25 =	vmul.bf16 v46, v29  }
0x1a5: {  	v50 =	vld.idx.msk [tilespmem:v21+s19+$0x0], $0xffff;
	v5 =	vadd.f32 v5, v49  }
0x1a6: {  	v18 =	vld.idx.msk [tilespmem:v18+s21+$0x0], $0xffff;
	v7 =	vmul.bf16 v7, v23;
	v28 =	vpack.i.f32.bf16 v28, v37;
	v52 =	vunpack.i.l.bf16.f32 v25  }
0x1a7: {  	v41 =	vld.idx.msk [tilespmem:v20+s21+$0x0], $0xffff;
	v53 =	vunpack.i.u.bf16.f32 v25;
	v3 =	vpack.i.f32.bf16 v26, v3;
	v10 =	vpack.i.f32.bf16 v30, v10  }
0x1a8: {  	v51 =	vld.idx.msk [tilespmem:v17+s17+$0x0], $0xffff;
	v8 =	vpack.i.f32.bf16 v32, v47;
	v6 =	vpack.i.f32.bf16 v27, v6;
	v7 =	vmul.bf16 v7, v28  }
0x1a9: {  	v54 =	vld.idx.msk [tilespmem:v17+s19+$0x0], $0xffff;
	v9 =	vpack.i.f32.bf16 v33, v48;
	v56 =	vmul.bf16 v8, v10;
	v58 =	vmul.bf16 v3, v3  }
0x1aa: {  	v31 =	vld.idx.msk [tilespmem:v4+s17+$0x0], $0xffff;
	v57 =	vpack.i.f32.bf16 v34, v50;
	v59 =	vmul.bf16 v6, v6;
	v60 =	vmul.bf16 v9, v9  }
0x1ab: {  	v55 =	vld.idx.msk [tilespmem:v4+s19+$0x0], $0xffff;
	v5 =	vadd.f32 v52, v5;
	v61 =	vmul.bf16 v57, v57;
	v9 =	vmul.bf16 v57, v9  }
0x1ac: {  	v18 =	vpack.i.f32.bf16 v18, v41;
	v10 =	vmul.bf16 v10, v10;
	v8 =	vmul.bf16 v8, v8  }
0x1ad: {  	v5 =	vadd.f32 v5, v53;
	v36 =	vmul.bf16 v60, v15;
	v37 =	vmul.bf16 v61, v14  }
0x1ae: {  	v63 =	vunpack.i.l.bf16.f32 v7;
	v42 =	vmul.bf16 v10, v15;
	v43 =	vmul.bf16 v8, v14  }
0x1af: {  	v7 =	vunpack.i.u.bf16.f32 v7;
	v38 =	vadd.bf16 v36, v13;
	v39 =	vadd.bf16 v37, v12  }
0x1b0: {  	v23 =	vpack.i.f32.bf16 v51, v31;
	v25 =	vpack.i.f32.bf16 v54, v55;
	v5 =	vadd.f32 v63, v5  }
0x1b1: {  	v28 =	vadd.bf16 v42, v13;
	v26 =	vmul.bf16 v38, v60;
	v31 =	vmul.bf16 v39, v61  }
0x1b2: {  	v19 =	vld.idx.msk [tilespmem:v19+s21+$0x0], $0xffff;
	v44 =	vadd.bf16 v43, v12;
	v62 =	vmul.bf16 v23, v23;
	v40 =	vmul.bf16 v25, v25  }
0x1b3: {  	v46 =	vld.idx.msk [tilespmem:v21+s21+$0x0], $0xffff;
	v48 =	vmul.bf16 v28, v10;
	v26 =	vadd.bf16 v2, v26;
	v31 =	vadd.bf16 v2, v31  }
0x1b4: {  	v5 =	vadd.f32 v5, v7;
	v8 =	vmul.bf16 v44, v8;
	v47 =	vmul.bf16 v62, v15  }
0x1b5: {  	v49 =	vmul.bf16 v40, v14;
	v7 =	vadd.bf16 v2, v48;
	v26 =	vmul.bf16 v31, v26  }
0x1b6: {  	v45 =	vmul.bf16 v58, v15;
	v8 =	vadd.bf16 v2, v8;
	v15 =	vadd.bf16 v47, v13  }
0x1b7: {  	v50 =	vmul.bf16 v59, v14;
	v10 =	vadd.bf16 v49, v12;
	v9 =	vmul.bf16 v26, v9  }
0x1b8: {  	v19 =	vpack.i.f32.bf16 v19, v46;
	v7 =	vmul.bf16 v8, v7;
	v15 =	vmul.bf16 v15, v62  }
0x1b9: {  	v51 =	vadd.bf16 v45, v13;
	v10 =	vmul.bf16 v10, v40;
	v9 =	vmul.bf16 v9, v19  }
0x1ba: {  	v4 =	vld.idx.msk [tilespmem:v4+s21+$0x0], $0xffff;
	v54 =	vadd.bf16 v50, v12;
	v53 =	vmul.bf16 v25, v23;
	v7 =	vmul.bf16 v7, v56  }
0x1bb: {  	v52 =	vld.idx.msk [tilespmem:v17+s21+$0x0], $0xffff;
	v15 =	vadd.bf16 v2, v15;
	v10 =	vadd.bf16 v2, v10;
	v55 =	vunpack.i.l.bf16.f32 v9  }
0x1bc: {  	v12 =	vmul.bf16 v54, v59;
	v8 =	vmul.bf16 v51, v58;
	v5 =	vadd.f32 v55, v5  }
0x1bd: {  	v7 =	vmul.bf16 v7, v18;
	v10 =	vmul.bf16 v10, v15;
	v9 =	vunpack.i.u.bf16.f32 v9  }
0x1be: {  	v57 =	vld.idx.msk [tilespmem:v22+s21+$0x0], $0xffff;
	v12 =	vadd.bf16 v2, v12;
	v5 =	vadd.f32 v5, v9  }
0x1bf: {  	v56 =	vld.idx.msk [tilespmem:v16+s21+$0x0], $0xffff;
	v8 =	vadd.bf16 v2, v8;
	v58 =	vunpack.i.l.bf16.f32 v7;
	v10 =	vmul.bf16 v10, v53  }
0x1c0: {  	v3 =	vmul.bf16 v6, v3;
	v4 =	vpack.i.f32.bf16 v52, v4;
	v5 =	vadd.f32 v58, v5  }
0x1c1: {  	v60 =	vmul.bf16 v12, v8;
	v59 =	vunpack.i.u.bf16.f32 v7;
	v4 =	vmul.bf16 v10, v4  }
0x1c2: {  	v5 =	vadd.f32 v5, v59  }
0x1c3: {  	v3 =	vmul.bf16 v60, v3;
	v61 =	vunpack.i.l.bf16.f32 v4  }
0x1c4: {  	v62 =	vpack.i.f32.bf16 v56, v57;
	v5 =	vadd.f32 v61, v5  }
0x1c5: {  	v3 =	vmul.bf16 v3, v62;
	v4 =	vunpack.i.u.bf16.f32 v4  }
0x1c6: {  	v4 =	vadd.f32 v5, v4  }
0x1c7: {  	v63 =	vunpack.i.l.bf16.f32 v3  }
0x1c8: {  	s18 =	sadd.s32 $0x1, s18;
	v4 =	vadd.f32 v63, v4  }
0x1c9: {  	p0 =	sne.s32 s18, $0x8;
	v3 =	vunpack.i.u.bf16.f32 v3  }
.Ltmp5:
0x1ca: {  	v3 =	vadd.f32 v4, v3;
	(pc) =	sbr.rel @p0 .LBB2_8-.Ltmp5, $3  }
0x1cb: {  	_ = 	snop  }
0x1cc: {  	v3 =	vmul.f32 v3, v11;
	_ =	sdelay $0x1  }
0x1cd: {  	[tilespmem:s20+$0x18680] =	vst v3  }
0x1ce: {  	_ =	swait.ge [sflag:s12], $0x4000  }
0x1cf: {  	[sflag:s12] =	ssyncset.done $0x0  }
0x1d0: {  	[sflag:s12] =	ssyncadd.s32 $0xFFFFC000  }
0x1d1: {  	_ =	swait.ge [sflag:s12], $0x4000  }
0x1d2: {  	[sflag:s12] =	ssyncset.done $0x0  }
0x1d3: {  	[sflag:s12] =	ssyncadd.s32 $0xFFFFC000  }
0x1d4: {  	_ =	swait.ge [sflag:s12], $0x4000  }
0x1d5: {  	[sflag:s12] =	ssyncset.done $0x0  }
0x1d6: {  	[sflag:s12] =	ssyncadd.s32 $0xFFFFC000  }
0x1d7: {  	[tilespmem:s17], [sflag:$0x2] =	stream.indirect.gather [hbm4b:s1+s13], $0x80, s26, s13, $0xb8;
	[tilespmem:$0x18800] =	vst v63  }
0x1d8: {  	_ = 	snop  }
0x1d9: {  	[tilespmem:s19], [sflag:$0x2] =	stream.indirect.gather [hbm4b:s1+s13], $0x80, s28, s13, $0xb8;
	[tilespmem:$0x18800] =	vst v63  }
0x1da: {  	s3 =	simm.s32 $0x0;
	s18 =	simm.s32 $0x0  }
0x1db: {  	[tilespmem:s21], [sflag:$0x2] =	stream.indirect.gather [hbm4b:s2+s13], $0x80, s29, s13, $0xb8;
	[tilespmem:$0x18800] =	vst v63  }
.LBB2_14:
0x1dc: {  	s20 =	sshll.u32 s18, $0x4  }
0x1dd: {  	v3 =	vmov s20  }
0x1de: {  	v14 =	vadd.s32 s3, v0;
	v3 =	vshll.u32 v3, $0x7  }
0x1df: {  	v12 =	vand.u32 $0xF, v14;
	v3 =	vor.u32 v1, v3  }
0x1e0: {  	v7 =	vor.u32 v3, v12  }
0x1e1: {  	v4 =	vor.u32 $0x10, v3  }
0x1e2: {  	v8 =	vor.u32 v4, v14  }
0x1e3: {  	v5 =	vor.u32 $0x20, v3  }
0x1e4: {  	v9 =	vor.u32 v5, v12  }
0x1e5: {  	v6 =	vor.u32 $0x30, v3;
	v15 =	vld.idx.msk [tilespmem:v7+s14+$0x0], $0xffff  }
0x1e6: {  	v17 =	vor.u32 v6, v14;
	v18 =	vld.idx.msk [tilespmem:v7+s15+$0x0], $0xffff  }
0x1e7: {  	v7 =	vor.u32 $0x40, v3;
	v20 =	vld.idx.msk [tilespmem:v8+s14+$0x0], $0xffff  }
0x1e8: {  	v21 =	vor.u32 v7, v12;
	v22 =	vld.idx.msk [tilespmem:v8+s15+$0x0], $0xffff  }
0x1e9: {  	v8 =	vor.u32 $0x50, v3;
	v24 =	vld.idx.msk [tilespmem:v9+s14+$0x0], $0xffff  }
0x1ea: {  	v26 =	vimm.f32 $0.0e+00;
	s23 =	simm.s32 $0x1;
	v16 =	vld.idx.msk [tilespmem:v9+s15+$0x0], $0xffff;
	v13 =	vor.u32 v8, v14  }
0x1eb: {  	v11 =	vadd.s32 s23, v0;
	v10 =	vor.u32 $0x70, v3;
	v9 =	vor.u32 $0x60, v3;
	v19 =	vld.idx.msk [tilespmem:v17+s14+$0x0], $0xffff  }
0x1ec: {  	v15 =	vmul.f32 v15, v15;
	v27 =	vmul.f32 v18, v18;
	v18 =	vld.idx.msk [tilespmem:v17+s15+$0x0], $0xffff;
	v17 =	vor.u32 v9, v12  }
0x1ed: {  	v14 =	vor.u32 v10, v14;
	v12 =	vand.u32 $0xF, v11;
	v23 =	vmul.f32 v20, v20;
	v20 =	vld.idx.msk [tilespmem:v21+s14+$0x0], $0xffff  }
0x1ee: {  	v21 =	vld.idx.msk [tilespmem:v21+s15+$0x0], $0xffff;
	v25 =	vadd.f32 v15, v26;
	v26 =	vadd.f32 v27, v26;
	v27 =	vmul.f32 v22, v22  }
0x1ef: {  	s23 =	simm.s32 $0x2;
	v24 =	vmul.f32 v24, v24;
	v15 =	vor.u32 v3, v12;
	v22 =	vld.idx.msk [tilespmem:v13+s14+$0x0], $0xffff  }
.LBB2_15:
0x1f0: {  	p0 =	sne.s32 s23, $0xF;
	v23 =	vadd.f32 v23, v25;
	v25 =	vadd.f32 v27, v26;
	v16 =	vmul.f32 v16, v16;
	v13 =	vld.idx.msk [tilespmem:v13+s15+$0x0], $0xffff  }
0x1f1: {  	v26 =	vor.u32 v4, v11;
	v19 =	vmul.f32 v19, v19;
	v27 =	vld.idx.msk [tilespmem:v17+s14+$0x0], $0xffff  }
0x1f2: {  	v18 =	vmul.f32 v18, v18;
	v23 =	vadd.f32 v24, v23;
	v16 =	vadd.f32 v16, v25;
	v17 =	vld.idx.msk [tilespmem:v17+s15+$0x0], $0xffff  }
0x1f3: {  	v24 =	vor.u32 v5, v12;
	v20 =	vmul.f32 v20, v20;
	v25 =	vld.idx.msk [tilespmem:v14+s14+$0x0], $0xffff  }
0x1f4: {  	v19 =	vadd.f32 v19, v23;
	v16 =	vadd.f32 v18, v16;
	v18 =	vmul.f32 v21, v21;
	v14 =	vld.idx.msk [tilespmem:v14+s15+$0x0], $0xffff  }
0x1f5: {  	v23 =	vor.u32 v6, v11;
	v22 =	vmul.f32 v22, v22;
	v21 =	vld.idx.msk [tilespmem:v15+s14+$0x0], $0xffff  }
0x1f6: {  	v13 =	vmul.f32 v13, v13;
	v15 =	vld.idx.msk [tilespmem:v15+s15+$0x0], $0xffff;
	v19 =	vadd.f32 v20, v19;
	v16 =	vadd.f32 v18, v16  }
0x1f7: {  	v28 =	vor.u32 v7, v12;
	v18 =	vmul.f32 v27, v27;
	v20 =	vld.idx.msk [tilespmem:v26+s14+$0x0], $0xffff  }
0x1f8: {  	v17 =	vmul.f32 v17, v17;
	v27 =	vld.idx.msk [tilespmem:v26+s15+$0x0], $0xffff;
	v19 =	vadd.f32 v22, v19;
	v22 =	vadd.f32 v13, v16  }
0x1f9: {  	v13 =	vor.u32 v8, v11;
	v25 =	vmul.f32 v25, v25;
	v29 =	vld.idx.msk [tilespmem:v24+s14+$0x0], $0xffff  }
0x1fa: {  	v14 =	vmul.f32 v14, v14;
	v16 =	vld.idx.msk [tilespmem:v24+s15+$0x0], $0xffff;
	v24 =	vadd.f32 v18, v19;
	v22 =	vadd.f32 v17, v22  }
.Ltmp6:
0x1fb: {  	v26 =	vadd.s32 s23, v0;
	v21 =	vmul.f32 v21, v21;
	v17 =	vor.u32 v9, v12;
	v19 =	vld.idx.msk [tilespmem:v23+s14+$0x0], $0xffff;
	(pc) =	sbr.rel @p0 .LBB2_15-.Ltmp6, $4  }
0x1fc: {  	v15 =	vmul.f32 v15, v15;
	v18 =	vld.idx.msk [tilespmem:v23+s15+$0x0], $0xffff;
	v24 =	vadd.f32 v25, v24;
	v22 =	vadd.f32 v14, v22  }
0x1fd: {  	v12 =	vand.u32 $0xF, v26;
	v23 =	vmul.f32 v20, v20;
	v14 =	vor.u32 v10, v11;
	v11 =	vmovc v26;
	v20 =	vld.idx.msk [tilespmem:v28+s14+$0x0], $0xffff  }
0x1fe: {  	v27 =	vmul.f32 v27, v27;
	v25 =	vadd.f32 v21, v24;
	v26 =	vadd.f32 v15, v22;
	v21 =	vld.idx.msk [tilespmem:v28+s15+$0x0], $0xffff  }
0x1ff: {  	s23 =	sadd.s32 $0x1, s23;
	v15 =	vor.u32 v3, v12;
	v24 =	vmul.f32 v29, v29;
	v22 =	vld.idx.msk [tilespmem:v13+s14+$0x0], $0xffff  }
0x200: {  	_ =	sdelay $0x2  }
0x201: {  	v23 =	vadd.f32 v23, v25  }
0x202: {  	v25 =	vadd.f32 v27, v26;
	v16 =	vmul.f32 v16, v16;
	v13 =	vld.idx.msk [tilespmem:v13+s15+$0x0], $0xffff  }
0x203: {  	v19 =	vmul.f32 v19, v19;
	v26 =	vld.idx.msk [tilespmem:v17+s14+$0x0], $0xffff;
	v23 =	vadd.f32 v24, v23  }
0x204: {  	v17 =	vld.idx.msk [tilespmem:v17+s15+$0x0], $0xffff;
	v18 =	vmul.f32 v18, v18;
	v16 =	vadd.f32 v16, v25;
	v24 =	vor.u32 v4, v11  }
0x205: {  	v20 =	vmul.f32 v20, v20;
	v25 =	vld.idx.msk [tilespmem:v14+s14+$0x0], $0xffff;
	v19 =	vadd.f32 v19, v23  }
0x206: {  	v14 =	vld.idx.msk [tilespmem:v14+s15+$0x0], $0xffff;
	v16 =	vadd.f32 v18, v16;
	v18 =	vmul.f32 v21, v21;
	v21 =	vor.u32 v5, v12  }
0x207: {  	v22 =	vmul.f32 v22, v22;
	v23 =	vld.idx.msk [tilespmem:v15+s14+$0x0], $0xffff;
	v19 =	vadd.f32 v20, v19  }
0x208: {  	v15 =	vld.idx.msk [tilespmem:v15+s15+$0x0], $0xffff;
	v13 =	vmul.f32 v13, v13;
	v16 =	vadd.f32 v18, v16;
	v18 =	vor.u32 v6, v11  }
0x209: {  	v20 =	vmul.f32 v26, v26;
	v26 =	vld.idx.msk [tilespmem:v24+s14+$0x0], $0xffff;
	v19 =	vadd.f32 v22, v19  }
0x20a: {  	v13 =	vadd.f32 v13, v16;
	v16 =	vmul.f32 v17, v17;
	v17 =	vor.u32 v7, v12;
	v22 =	vld.idx.msk [tilespmem:v24+s15+$0x0], $0xffff  }
0x20b: {  	v14 =	vmul.f32 v14, v14;
	v24 =	vmul.f32 v25, v25;
	v25 =	vld.idx.msk [tilespmem:v21+s14+$0x0], $0xffff  }
0x20c: {  	v19 =	vadd.f32 v20, v19;
	v13 =	vadd.f32 v16, v13;
	v16 =	vor.u32 v8, v11;
	v20 =	vld.idx.msk [tilespmem:v21+s15+$0x0], $0xffff  }
0x20d: {  	v12 =	vor.u32 v9, v12;
	v21 =	vmul.f32 v23, v23;
	v23 =	vld.idx.msk [tilespmem:v18+s14+$0x0], $0xffff  }
0x20e: {  	v15 =	vmul.f32 v15, v15;
	v19 =	vadd.f32 v24, v19;
	v13 =	vadd.f32 v14, v13;
	v14 =	vld.idx.msk [tilespmem:v18+s15+$0x0], $0xffff  }
0x20f: {  	v11 =	vor.u32 v10, v11;
	v18 =	vmul.f32 v26, v26;
	v24 =	vld.idx.msk [tilespmem:v17+s14+$0x0], $0xffff  }
0x210: {  	v17 =	vld.idx.msk [tilespmem:v17+s15+$0x0], $0xffff;
	v19 =	vadd.f32 v21, v19;
	v13 =	vadd.f32 v15, v13;
	v15 =	vmul.f32 v22, v22  }
0x211: {  	v21 =	vmul.f32 v25, v25;
	v22 =	vld.idx.msk [tilespmem:v16+s14+$0x0], $0xffff  }
0x212: {  	v16 =	vld.idx.msk [tilespmem:v16+s15+$0x0], $0xffff;
	v18 =	vadd.f32 v18, v19;
	v13 =	vadd.f32 v15, v13;
	v15 =	vmul.f32 v20, v20  }
0x213: {  	v19 =	vmul.f32 v23, v23;
	v20 =	vld.idx.msk [tilespmem:v12+s14+$0x0], $0xffff  }
0x214: {  	v12 =	vld.idx.msk [tilespmem:v12+s15+$0x0], $0xffff;
	v14 =	vmul.f32 v14, v14;
	v18 =	vadd.f32 v21, v18;
	v13 =	vadd.f32 v15, v13  }
0x215: {  	v15 =	vmul.f32 v24, v24;
	v21 =	vld.idx.msk [tilespmem:v11+s14+$0x0], $0xffff  }
0x216: {  	v11 =	vld.idx.msk [tilespmem:v11+s15+$0x0], $0xffff;
	v18 =	vadd.f32 v19, v18;
	v13 =	vadd.f32 v14, v13;
	v14 =	vmul.f32 v17, v17  }
0x217: {  	v17 =	vmul.f32 v22, v22  }
0x218: {  	v15 =	vadd.f32 v15, v18;
	v13 =	vadd.f32 v14, v13;
	v14 =	vmul.f32 v16, v16  }
0x219: {  	v12 =	vmul.f32 v12, v12  }
0x21a: {  	v16 =	vmul.f32 v20, v20;
	v15 =	vadd.f32 v17, v15;
	v13 =	vadd.f32 v14, v13  }
0x21b: {  	v11 =	vmul.f32 v11, v11  }
0x21c: {  	v14 =	vmul.f32 v21, v21;
	v15 =	vadd.f32 v16, v15;
	v12 =	vadd.f32 v12, v13;
	_ =	sdelay $0x1  }
0x21d: {  	v13 =	vadd.f32 v14, v15;
	v12 =	vadd.f32 v11, v12;
	_ =	sdelay $0x1  }
0x21e: {  	v11 =	vmul.f32 v12, v13;
	_ =	sdelay $0x1  }
0x21f: {  	v14 =	vshra.s32 v11, $0x1;
	v11 =	vmul.f32 $5.000000000e-01, v11  }
0x220: {  	v14 =	vsub.s32 $0x5F3759DF, v14  }
0x221: {  	v15 =	vmul.f32 v14, v11;
	_ =	sdelay $0x1  }
0x222: {  	v15 =	vmul.f32 v14, v15;
	_ =	sdelay $0x1  }
0x223: {  	v15 =	vsub.f32 $1.500000000e+00, v15  }
0x224: {  	s23 =	simm.s32 $0x0  }
0x225: {  	v14 =	vmul.f32 v14, v15;
	v15 =	vadd.s32 s23, v0  }
0x226: {  	v26 =	vor.u32 v10, v15;
	_ =	sdelay $0x1  }
0x227: {  	v20 =	vor.u32 v6, v15;
	_ =	sdelay $0x1  }
0x228: {  	v21 =	vor.u32 v4, v15  }
0x229: {  	v19 =	vld.idx.msk [tilespmem:v26+s14+$0x0], $0xffff  }
0x22a: {  	v16 =	vand.u32 $0xF, v15;
	v32 =	vor.u32 v8, v15;
	v22 =	vld.idx.msk [tilespmem:v26+s15+$0x0], $0xffff  }
0x22b: {  	v29 =	vor.u32 v9, v16;
	v24 =	vld.idx.msk [tilespmem:v20+s14+$0x0], $0xffff  }
0x22c: {  	v25 =	vld.idx.msk [tilespmem:v20+s15+$0x0], $0xffff  }
0x22d: {  	v11 =	vmul.f32 v14, v11;
	v27 =	vor.u32 v5, v16;
	v28 =	vld.idx.msk [tilespmem:v21+s14+$0x0], $0xffff  }
0x22e: {  	v31 =	vld.idx.msk [tilespmem:v21+s15+$0x0], $0xffff  }
0x22f: {  	v30 =	vor.u32 v3, v16;
	v11 =	vmul.f32 v11, v14;
	v39 =	vld.idx.msk [tilespmem:v32+s14+$0x0], $0xffff  }
0x230: {  	v23 =	vld.idx.msk [tilespmem:v29+s14+$0x0], $0xffff  }
0x231: {  	v34 =	vor.u32 v7, v16;
	v11 =	vsub.f32 $1.500000000e+00, v11;
	v33 =	vld.idx.msk [tilespmem:v29+s15+$0x0], $0xffff  }
0x232: {  	v35 =	vld.idx.msk [tilespmem:v27+s14+$0x0], $0xffff  }
0x233: {  	v36 =	vld.idx.msk [tilespmem:v27+s15+$0x0], $0xffff;
	v11 =	vmul.f32 v11, v14  }
0x234: {  	v37 =	vld.idx.msk [tilespmem:v30+s14+$0x0], $0xffff  }
0x235: {  	v38 =	vld.idx.msk [tilespmem:v30+s15+$0x0], $0xffff;
	v14 =	vmul.f32 v11, v11  }
0x236: {  	v42 =	vld.idx.msk [tilespmem:v34+s14+$0x0], $0xffff  }
0x237: {  	v12 =	vmul.f32 v14, v12;
	v13 =	vmul.f32 v14, v13  }
0x238: {  	v23 =	vpack.i.f32.bf16 v19, v23;
	v35 =	vpack.i.f32.bf16 v24, v35;
	v36 =	vpack.i.f32.bf16 v25, v36  }
0x239: {  	v24 =	vpack.i.f32.bf16 v22, v33;
	v22 =	vpack.i.f32.bf16 v28, v37;
	v37 =	vmul.bf16 v36, v35  }
0x23a: {  	v25 =	vpack.i.f32.bf16 v31, v38;
	v31 =	vmul.bf16 v23, v23;
	v44 =	vmul.bf16 v24, v24  }
0x23b: {  	v39 =	vpack.i.f32.bf16 v39, v42;
	v60 =	vmul.bf16 v22, v22;
	v38 =	vmul.bf16 v25, v25  }
0x23c: {  	v40 =	vimm.f32 $0.0e+00;
	s23 =	simm.s32 $0x1;
	v42 =	vmul.bf16 v25, v22;
	v45 =	vmul.bf16 v39, v39  }
0x23d: {  	v41 =	vadd.s32 s23, v0;
	v43 =	vld.idx.msk [tilespmem:v32+s15+$0x0], $0xffff;
	v14 =	vmul.f32 v12, v12;
	v15 =	vmul.f32 v13, v13  }
0x23e: {  	v18 =	vor.u32 v6, v41;
	v28 =	vld.idx.msk [tilespmem:v34+s15+$0x0], $0xffff;
	v35 =	vmul.bf16 v35, v35;
	v12 =	vmul.f32 $-3.175314660e-01, v12  }
0x23f: {  	v46 =	vld.idx.msk [tilespmem:v20+s16+$0x0], $0xffff;
	v19 =	vor.u32 v4, v41;
	v14 =	vmul.f32 $7.981710140e-02, v14;
	v17 =	vmul.f32 $7.981710140e-02, v15  }
0x240: {  	v27 =	vld.idx.msk [tilespmem:v27+s16+$0x0], $0xffff;
	v25 =	vand.u32 $0xF, v41;
	v36 =	vmul.bf16 v36, v36;
	v16 =	vmul.f32 $-3.175314660e-01, v13  }
0x241: {  	v13 =	vpack.i.f32.bf16 v12, v12;
	v15 =	vpack.i.f32.bf16 v14, v14;
	v14 =	vpack.i.f32.bf16 v17, v17  }
0x242: {  	v12 =	vpack.i.f32.bf16 v16, v16;
	v22 =	vmul.bf16 v60, v15;
	v61 =	vmul.bf16 v38, v14  }
0x243: {  	v16 =	vor.u32 v10, v41;
	v43 =	vpack.i.f32.bf16 v43, v28;
	v17 =	vor.u32 v8, v41  }
0x244: {  	v47 =	vmul.bf16 v43, v43;
	v28 =	vadd.bf16 v22, v13;
	v41 =	vadd.bf16 v61, v12  }
0x245: {  	v46 =	vpack.i.f32.bf16 v46, v27;
	v48 =	vmul.bf16 v35, v15;
	v49 =	vmul.bf16 v36, v14  }
0x246: {  	v20 =	vor.u32 v5, v25;
	v28 =	vmul.bf16 v28, v60;
	v62 =	vmul.bf16 v41, v38  }
0x247: {  	v63 =	vld.idx.msk [tilespmem:v21+s16+$0x0], $0xffff;
	v51 =	vmul.bf16 v45, v15;
	v55 =	vadd.bf16 v48, v13;
	v56 =	vadd.bf16 v49, v12  }
0x248: {  	v50 =	vld.idx.msk [tilespmem:v30+s16+$0x0], $0xffff;
	v57 =	vmul.bf16 v31, v15;
	v30 =	vadd.bf16 v2, v28;
	v33 =	vadd.bf16 v2, v62  }
0x249: {  	v52 =	vmul.bf16 v47, v14;
	v59 =	vadd.bf16 v51, v13;
	v27 =	vld.idx.msk [tilespmem:v16+s15+$0x0], $0xffff;
	v41 =	vmul.bf16 v55, v35  }
0x24a: {  	v22 =	vor.u32 v9, v25;
	v58 =	vmul.bf16 v56, v36;
	v35 =	vld.idx.msk [tilespmem:v32+s16+$0x0], $0xffff;
	v30 =	vmul.bf16 v33, v30  }
0x24b: {  	v61 =	vmul.bf16 v44, v14;
	v60 =	vadd.bf16 v52, v12;
	v45 =	vmul.bf16 v59, v45;
	v32 =	vld.idx.msk [tilespmem:v18+s15+$0x0], $0xffff  }
0x24c: {  	v36 =	vld.idx.msk [tilespmem:v34+s16+$0x0], $0xffff;
	v41 =	vadd.bf16 v2, v41;
	v33 =	vadd.bf16 v2, v58;
	v42 =	vmul.bf16 v30, v42  }
0x24d: {  	v49 =	vadd.bf16 v57, v13;
	v38 =	vpack.i.f32.bf16 v63, v50;
	v34 =	vld.idx.msk [tilespmem:v19+s15+$0x0], $0xffff;
	v47 =	vmul.bf16 v60, v47  }
0x24e: {  	v28 =	vld.idx.msk [tilespmem:v26+s16+$0x0], $0xffff;
	v45 =	vadd.bf16 v2, v45;
	v41 =	vmul.bf16 v33, v41;
	v50 =	vmul.bf16 v42, v38  }
0x24f: {  	v21 =	vor.u32 v3, v25;
	v26 =	vld.idx.msk [tilespmem:v16+s14+$0x0], $0xffff;
	v62 =	vadd.bf16 v61, v12;
	v63 =	vadd.bf16 v2, v47  }
0x250: {  	v30 =	vld.idx.msk [tilespmem:v18+s14+$0x0], $0xffff;
	v38 =	vmul.bf16 v43, v39;
	v37 =	vmul.bf16 v41, v37;
	v42 =	vunpack.i.l.bf16.f32 v50  }
0x251: {  	v33 =	vld.idx.msk [tilespmem:v19+s14+$0x0], $0xffff;
	v41 =	vmul.bf16 v49, v31;
	v43 =	vmul.bf16 v63, v45;
	v42 =	vadd.f32 v42, v40  }
0x252: {  	s23 =	simm.s32 $0x2;
	v39 =	vmul.bf16 v37, v46;
	v37 =	vld.idx.msk [tilespmem:v29+s16+$0x0], $0xffff;
	v40 =	vmul.bf16 v62, v44;
	v44 =	vunpack.i.u.bf16.f32 v50  }
.LBB2_17:
0x253: {  	p0 =	sne.s32 s23, $0xF;
	v31 =	vor.u32 v7, v25;
	v25 =	vld.idx.msk [tilespmem:v22+s14+$0x0], $0xffff;
	v42 =	vadd.f32 v42, v44;
	v41 =	vadd.bf16 v2, v41  }
0x254: {  	v40 =	vadd.bf16 v2, v40;
	v29 =	vmovc v22;
	v44 =	vld.idx.msk [tilespmem:v22+s15+$0x0], $0xffff;
	v45 =	vunpack.i.l.bf16.f32 v39;
	v38 =	vmul.bf16 v43, v38  }
0x255: {  	v23 =	vmul.bf16 v24, v23;
	v35 =	vpack.i.f32.bf16 v35, v36;
	v22 =	vld.idx.msk [tilespmem:v20+s14+$0x0], $0xffff;
	v42 =	vadd.f32 v45, v42  }
0x256: {  	v24 =	vunpack.i.u.bf16.f32 v39;
	v36 =	vld.idx.msk [tilespmem:v20+s15+$0x0], $0xffff;
	v35 =	vmul.bf16 v38, v35;
	v38 =	vmul.bf16 v40, v41  }
0x257: {  	v39 =	vld.idx.msk [tilespmem:v21+s14+$0x0], $0xffff;
	v24 =	vadd.f32 v42, v24  }
0x258: {  	v40 =	vadd.s32 s23, v0;
	v41 =	vld.idx.msk [tilespmem:v21+s15+$0x0], $0xffff;
	v42 =	vunpack.i.l.bf16.f32 v35;
	v23 =	vmul.bf16 v38, v23  }
0x259: {  	v43 =	vor.u32 v10, v40;
	v28 =	vpack.i.f32.bf16 v28, v37;
	v38 =	vld.idx.msk [tilespmem:v17+s14+$0x0], $0xffff;
	v24 =	vadd.f32 v42, v24  }
0x25a: {  	v45 =	vor.u32 v8, v40;
	v35 =	vunpack.i.u.bf16.f32 v35;
	v37 =	vld.idx.msk [tilespmem:v31+s14+$0x0], $0xffff;
	v28 =	vmul.bf16 v23, v28  }
0x25b: {  	v42 =	vor.u32 v6, v40;
	v23 =	vpack.i.f32.bf16 v26, v25;
	v25 =	vadd.f32 v24, v35  }
0x25c: {  	v22 =	vpack.i.f32.bf16 v30, v22;
	v24 =	vpack.i.f32.bf16 v27, v44;
	v26 =	vld.idx.msk [tilespmem:v17+s15+$0x0], $0xffff;
	v27 =	vunpack.i.l.bf16.f32 v28  }
0x25d: {  	v32 =	vpack.i.f32.bf16 v32, v36;
	v30 =	vpack.i.f32.bf16 v33, v39;
	v33 =	vld.idx.msk [tilespmem:v31+s15+$0x0], $0xffff;
	v25 =	vadd.f32 v27, v25  }
0x25e: {  	v28 =	vunpack.i.u.bf16.f32 v28;
	v27 =	vpack.i.f32.bf16 v34, v41;
	v34 =	vmul.bf16 v32, v22  }
0x25f: {  	v39 =	vmul.bf16 v23, v23;
	v44 =	vmul.bf16 v24, v24;
	v41 =	vadd.f32 v25, v28  }
0x260: {  	v35 =	vmul.bf16 v27, v27;
	v28 =	vmul.bf16 v30, v30;
	v37 =	vpack.i.f32.bf16 v38, v37  }
0x261: {  	v36 =	vor.u32 v4, v40;
	v30 =	vmul.bf16 v27, v30;
	v38 =	vmul.bf16 v37, v37  }
0x262: {  	v25 =	vand.u32 $0xF, v40;
	v40 =	vmul.bf16 v35, v14;
	v27 =	vmul.bf16 v28, v15  }
0x263: {  	v47 =	vmul.bf16 v22, v22;
	v32 =	vmul.bf16 v32, v32;
	v33 =	vpack.i.f32.bf16 v26, v33;
	v46 =	vld.idx.msk [tilespmem:v18+s16+$0x0], $0xffff  }
0x264: {  	v26 =	vadd.bf16 v27, v13;
	v27 =	vadd.bf16 v40, v12;
	v48 =	vmul.bf16 v33, v33;
	v40 =	vld.idx.msk [tilespmem:v20+s16+$0x0], $0xffff  }
0x265: {  	v49 =	vmul.bf16 v47, v15;
	v50 =	vmul.bf16 v32, v14;
	v22 =	vor.u32 v9, v25;
	v18 =	vmovc v42  }
0x266: {  	v20 =	vor.u32 v5, v25;
	v28 =	vmul.bf16 v26, v28;
	v26 =	vmul.bf16 v27, v35;
	v42 =	vld.idx.msk [tilespmem:v19+s16+$0x0], $0xffff  }
0x267: {  	v27 =	vadd.bf16 v49, v13;
	v35 =	vadd.bf16 v50, v12;
	v49 =	vmul.bf16 v39, v15;
	v51 =	vld.idx.msk [tilespmem:v21+s16+$0x0], $0xffff  }
0x268: {  	v52 =	vmul.bf16 v38, v15;
	v19 =	vmovc v36;
	v50 =	vadd.bf16 v2, v28;
	v26 =	vadd.bf16 v2, v26  }
0x269: {  	v21 =	vor.u32 v3, v25;
	v36 =	vmul.bf16 v27, v47;
	v27 =	vmul.bf16 v48, v14;
	v28 =	vld.idx.msk [tilespmem:v16+s16+$0x0], $0xffff  }
0x26a: {  	v32 =	vmul.bf16 v35, v32;
	v16 =	vmul.bf16 v26, v50;
	v46 =	vpack.i.f32.bf16 v46, v40;
	v35 =	vld.idx.msk [tilespmem:v17+s16+$0x0], $0xffff  }
0x26b: {  	v47 =	vmul.bf16 v44, v14;
	v40 =	vadd.bf16 v27, v12;
	v17 =	vadd.bf16 v52, v13;
	v26 =	vld.idx.msk [tilespmem:v43+s14+$0x0], $0xffff  }
0x26c: {  	v36 =	vadd.bf16 v2, v36;
	v50 =	vadd.bf16 v2, v32;
	v16 =	vmul.bf16 v16, v30;
	v27 =	vld.idx.msk [tilespmem:v43+s15+$0x0], $0xffff  }
0x26d: {  	v40 =	vmul.bf16 v40, v48;
	v42 =	vpack.i.f32.bf16 v42, v51;
	v17 =	vmul.bf16 v17, v38;
	v30 =	vld.idx.msk [tilespmem:v18+s14+$0x0], $0xffff  }
.Ltmp7:
0x26e: {  	v49 =	vadd.bf16 v49, v13;
	v48 =	vmul.bf16 v16, v42;
	v42 =	vmul.bf16 v50, v36;
	v32 =	vld.idx.msk [tilespmem:v18+s15+$0x0], $0xffff;
	(pc) =	sbr.rel @p0 .LBB2_17-.Ltmp7, $4  }
0x26f: {  	v38 =	vmul.bf16 v33, v37;
	v51 =	vadd.bf16 v2, v17;
	v36 =	vld.idx.msk [tilespmem:v31+s16+$0x0], $0xffff;
	v31 =	vadd.bf16 v47, v12  }
0x270: {  	v50 =	vadd.bf16 v2, v40;
	v37 =	vunpack.i.l.bf16.f32 v48;
	v47 =	vmul.bf16 v42, v34;
	v16 =	vmovc v43;
	v33 =	vld.idx.msk [tilespmem:v19+s14+$0x0], $0xffff  }
0x271: {  	v42 =	vadd.f32 v37, v41;
	v41 =	vmul.bf16 v49, v39;
	v34 =	vld.idx.msk [tilespmem:v19+s15+$0x0], $0xffff;
	v40 =	vmul.bf16 v31, v44  }
0x272: {  	s23 =	sadd.s32 $0x1, s23;
	v43 =	vmul.bf16 v50, v51;
	v17 =	vmovc v45;
	v44 =	vunpack.i.u.bf16.f32 v48;
	v39 =	vmul.bf16 v47, v46;
	v37 =	vld.idx.msk [tilespmem:v29+s16+$0x0], $0xffff  }
0x273: {  	_ =	sdelay $0x3  }
0x274: {  	v3 =	vld.idx.msk [tilespmem:v22+s14+$0x0], $0xffff  }
0x275: {  	v4 =	vor.u32 v7, v25;
	v5 =	vadd.f32 v42, v44;
	v6 =	vld.idx.msk [tilespmem:v22+s15+$0x0], $0xffff;
	v45 =	vadd.bf16 v2, v41  }
0x276: {  	v9 =	vadd.bf16 v2, v40;
	v10 =	vld.idx.msk [tilespmem:v20+s14+$0x0], $0xffff;
	v8 =	vunpack.i.l.bf16.f32 v39;
	v46 =	vmul.bf16 v43, v38  }
0x277: {  	v47 =	vld.idx.msk [tilespmem:v20+s15+$0x0], $0xffff;
	v23 =	vmul.bf16 v24, v23;
	v29 =	vpack.i.f32.bf16 v35, v36;
	v5 =	vadd.f32 v8, v5  }
0x278: {  	v48 =	vld.idx.msk [tilespmem:v21+s14+$0x0], $0xffff;
	v49 =	vunpack.i.u.bf16.f32 v39;
	v7 =	vmul.bf16 v9, v45;
	v25 =	vmul.bf16 v46, v29  }
0x279: {  	v50 =	vld.idx.msk [tilespmem:v21+s15+$0x0], $0xffff;
	v5 =	vadd.f32 v5, v49  }
0x27a: {  	v18 =	vld.idx.msk [tilespmem:v18+s16+$0x0], $0xffff;
	v7 =	vmul.bf16 v7, v23;
	v28 =	vpack.i.f32.bf16 v28, v37;
	v52 =	vunpack.i.l.bf16.f32 v25  }
0x27b: {  	v41 =	vld.idx.msk [tilespmem:v20+s16+$0x0], $0xffff;
	v53 =	vunpack.i.u.bf16.f32 v25;
	v3 =	vpack.i.f32.bf16 v26, v3;
	v10 =	vpack.i.f32.bf16 v30, v10  }
0x27c: {  	v51 =	vld.idx.msk [tilespmem:v17+s14+$0x0], $0xffff;
	v8 =	vpack.i.f32.bf16 v32, v47;
	v6 =	vpack.i.f32.bf16 v27, v6;
	v7 =	vmul.bf16 v7, v28  }
0x27d: {  	v54 =	vld.idx.msk [tilespmem:v17+s15+$0x0], $0xffff;
	v9 =	vpack.i.f32.bf16 v33, v48;
	v56 =	vmul.bf16 v8, v10;
	v58 =	vmul.bf16 v3, v3  }
0x27e: {  	v31 =	vld.idx.msk [tilespmem:v4+s14+$0x0], $0xffff;
	v57 =	vpack.i.f32.bf16 v34, v50;
	v59 =	vmul.bf16 v6, v6;
	v60 =	vmul.bf16 v9, v9  }
0x27f: {  	v55 =	vld.idx.msk [tilespmem:v4+s15+$0x0], $0xffff;
	v5 =	vadd.f32 v52, v5;
	v61 =	vmul.bf16 v57, v57;
	v9 =	vmul.bf16 v57, v9  }
0x280: {  	v18 =	vpack.i.f32.bf16 v18, v41;
	v10 =	vmul.bf16 v10, v10;
	v8 =	vmul.bf16 v8, v8  }
0x281: {  	v5 =	vadd.f32 v5, v53;
	v36 =	vmul.bf16 v60, v15;
	v37 =	vmul.bf16 v61, v14  }
0x282: {  	v63 =	vunpack.i.l.bf16.f32 v7;
	v42 =	vmul.bf16 v10, v15;
	v43 =	vmul.bf16 v8, v14  }
0x283: {  	v7 =	vunpack.i.u.bf16.f32 v7;
	v38 =	vadd.bf16 v36, v13;
	v39 =	vadd.bf16 v37, v12  }
0x284: {  	v23 =	vpack.i.f32.bf16 v51, v31;
	v25 =	vpack.i.f32.bf16 v54, v55;
	v5 =	vadd.f32 v63, v5  }
0x285: {  	v28 =	vadd.bf16 v42, v13;
	v26 =	vmul.bf16 v38, v60;
	v31 =	vmul.bf16 v39, v61  }
0x286: {  	v19 =	vld.idx.msk [tilespmem:v19+s16+$0x0], $0xffff;
	v44 =	vadd.bf16 v43, v12;
	v62 =	vmul.bf16 v23, v23;
	v40 =	vmul.bf16 v25, v25  }
0x287: {  	v46 =	vld.idx.msk [tilespmem:v21+s16+$0x0], $0xffff;
	v48 =	vmul.bf16 v28, v10;
	v26 =	vadd.bf16 v2, v26;
	v31 =	vadd.bf16 v2, v31  }
0x288: {  	v5 =	vadd.f32 v5, v7;
	v8 =	vmul.bf16 v44, v8;
	v47 =	vmul.bf16 v62, v15  }
0x289: {  	v49 =	vmul.bf16 v40, v14;
	v7 =	vadd.bf16 v2, v48;
	v26 =	vmul.bf16 v31, v26  }
0x28a: {  	v45 =	vmul.bf16 v58, v15;
	v8 =	vadd.bf16 v2, v8;
	v15 =	vadd.bf16 v47, v13  }
0x28b: {  	v50 =	vmul.bf16 v59, v14;
	v10 =	vadd.bf16 v49, v12;
	v9 =	vmul.bf16 v26, v9  }
0x28c: {  	v19 =	vpack.i.f32.bf16 v19, v46;
	v7 =	vmul.bf16 v8, v7;
	v15 =	vmul.bf16 v15, v62  }
0x28d: {  	v51 =	vadd.bf16 v45, v13;
	v10 =	vmul.bf16 v10, v40;
	v9 =	vmul.bf16 v9, v19  }
0x28e: {  	v4 =	vld.idx.msk [tilespmem:v4+s16+$0x0], $0xffff;
	v54 =	vadd.bf16 v50, v12;
	v53 =	vmul.bf16 v25, v23;
	v7 =	vmul.bf16 v7, v56  }
0x28f: {  	v52 =	vld.idx.msk [tilespmem:v17+s16+$0x0], $0xffff;
	v15 =	vadd.bf16 v2, v15;
	v10 =	vadd.bf16 v2, v10;
	v55 =	vunpack.i.l.bf16.f32 v9  }
0x290: {  	v12 =	vmul.bf16 v54, v59;
	v8 =	vmul.bf16 v51, v58;
	v5 =	vadd.f32 v55, v5  }
0x291: {  	v7 =	vmul.bf16 v7, v18;
	v10 =	vmul.bf16 v10, v15;
	v9 =	vunpack.i.u.bf16.f32 v9  }
0x292: {  	v57 =	vld.idx.msk [tilespmem:v22+s16+$0x0], $0xffff;
	v12 =	vadd.bf16 v2, v12;
	v5 =	vadd.f32 v5, v9  }
0x293: {  	v56 =	vld.idx.msk [tilespmem:v16+s16+$0x0], $0xffff;
	v8 =	vadd.bf16 v2, v8;
	v58 =	vunpack.i.l.bf16.f32 v7;
	v10 =	vmul.bf16 v10, v53  }
0x294: {  	v3 =	vmul.bf16 v6, v3;
	v4 =	vpack.i.f32.bf16 v52, v4;
	v5 =	vadd.f32 v58, v5  }
0x295: {  	v60 =	vmul.bf16 v12, v8;
	v59 =	vunpack.i.u.bf16.f32 v7;
	v4 =	vmul.bf16 v10, v4  }
0x296: {  	v5 =	vadd.f32 v5, v59  }
0x297: {  	v3 =	vmul.bf16 v60, v3;
	v61 =	vunpack.i.l.bf16.f32 v4  }
0x298: {  	v62 =	vpack.i.f32.bf16 v56, v57;
	v5 =	vadd.f32 v61, v5  }
0x299: {  	v3 =	vmul.bf16 v3, v62;
	v4 =	vunpack.i.u.bf16.f32 v4  }
0x29a: {  	v4 =	vadd.f32 v5, v4  }
0x29b: {  	v63 =	vunpack.i.l.bf16.f32 v3  }
0x29c: {  	s18 =	sadd.s32 $0x1, s18;
	v4 =	vadd.f32 v63, v4  }
0x29d: {  	p0 =	sne.s32 s18, $0x8;
	v3 =	vunpack.i.u.bf16.f32 v3  }
.Ltmp8:
0x29e: {  	v3 =	vadd.f32 v4, v3;
	(pc) =	sbr.rel @p0 .LBB2_14-.Ltmp8, $3  }
0x29f: {  	_ = 	snop  }
0x2a0: {  	v3 =	vmul.f32 v3, v11;
	_ =	sdelay $0x1  }
0x2a1: {  	[tilespmem:s20+$0x18700] =	vst v3  }
0x2a2: {  	_ =	swait.ge [sflag:s22], $0x4000  }
0x2a3: {  	[sflag:s22] =	ssyncset.done $0x0  }
0x2a4: {  	[sflag:s22] =	ssyncadd.s32 $0xFFFFC000  }
0x2a5: {  	_ =	swait.ge [sflag:s22], $0x4000  }
0x2a6: {  	[sflag:s22] =	ssyncset.done $0x0  }
0x2a7: {  	[sflag:s22] =	ssyncadd.s32 $0xFFFFC000  }
0x2a8: {  	_ =	swait.ge [sflag:s22], $0x4000  }
0x2a9: {  	[sflag:s22] =	ssyncset.done $0x0  }
0x2aa: {  	s3 =	simm.s32 $0x0;
	s18 =	simm.s32 $0x0;
	[sflag:s22] =	ssyncadd.s32 $0xFFFFC000  }
.LBB2_20:
0x2ab: {  	s20 =	sshll.u32 s18, $0x4  }
0x2ac: {  	v3 =	vmov s20  }
0x2ad: {  	v14 =	vadd.s32 s3, v0;
	v3 =	vshll.u32 v3, $0x7  }
0x2ae: {  	v12 =	vand.u32 $0xF, v14;
	v3 =	vor.u32 v1, v3  }
0x2af: {  	v7 =	vor.u32 v3, v12  }
0x2b0: {  	v4 =	vor.u32 $0x10, v3  }
0x2b1: {  	v8 =	vor.u32 v4, v14  }
0x2b2: {  	v5 =	vor.u32 $0x20, v3  }
0x2b3: {  	v9 =	vor.u32 v5, v12  }
0x2b4: {  	v6 =	vor.u32 $0x30, v3;
	v15 =	vld.idx.msk [tilespmem:v7+s17+$0x0], $0xffff  }
0x2b5: {  	v17 =	vor.u32 v6, v14;
	v18 =	vld.idx.msk [tilespmem:v7+s19+$0x0], $0xffff  }
0x2b6: {  	v7 =	vor.u32 $0x40, v3;
	v20 =	vld.idx.msk [tilespmem:v8+s17+$0x0], $0xffff  }
0x2b7: {  	v21 =	vor.u32 v7, v12;
	v22 =	vld.idx.msk [tilespmem:v8+s19+$0x0], $0xffff  }
0x2b8: {  	v8 =	vor.u32 $0x50, v3;
	v24 =	vld.idx.msk [tilespmem:v9+s17+$0x0], $0xffff  }
0x2b9: {  	v26 =	vimm.f32 $0.0e+00;
	s23 =	simm.s32 $0x1;
	v16 =	vld.idx.msk [tilespmem:v9+s19+$0x0], $0xffff;
	v13 =	vor.u32 v8, v14  }
0x2ba: {  	v11 =	vadd.s32 s23, v0;
	v10 =	vor.u32 $0x70, v3;
	v9 =	vor.u32 $0x60, v3;
	v19 =	vld.idx.msk [tilespmem:v17+s17+$0x0], $0xffff  }
0x2bb: {  	v15 =	vmul.f32 v15, v15;
	v27 =	vmul.f32 v18, v18;
	v18 =	vld.idx.msk [tilespmem:v17+s19+$0x0], $0xffff;
	v17 =	vor.u32 v9, v12  }
0x2bc: {  	v14 =	vor.u32 v10, v14;
	v12 =	vand.u32 $0xF, v11;
	v23 =	vmul.f32 v20, v20;
	v20 =	vld.idx.msk [tilespmem:v21+s17+$0x0], $0xffff  }
0x2bd: {  	v21 =	vld.idx.msk [tilespmem:v21+s19+$0x0], $0xffff;
	v25 =	vadd.f32 v15, v26;
	v26 =	vadd.f32 v27, v26;
	v27 =	vmul.f32 v22, v22  }
0x2be: {  	s23 =	simm.s32 $0x2;
	v24 =	vmul.f32 v24, v24;
	v15 =	vor.u32 v3, v12;
	v22 =	vld.idx.msk [tilespmem:v13+s17+$0x0], $0xffff  }
.LBB2_21:
0x2bf: {  	p0 =	sne.s32 s23, $0xF;
	v23 =	vadd.f32 v23, v25;
	v25 =	vadd.f32 v27, v26;
	v16 =	vmul.f32 v16, v16;
	v13 =	vld.idx.msk [tilespmem:v13+s19+$0x0], $0xffff  }
0x2c0: {  	v26 =	vor.u32 v4, v11;
	v19 =	vmul.f32 v19, v19;
	v27 =	vld.idx.msk [tilespmem:v17+s17+$0x0], $0xffff  }
0x2c1: {  	v18 =	vmul.f32 v18, v18;
	v23 =	vadd.f32 v24, v23;
	v16 =	vadd.f32 v16, v25;
	v17 =	vld.idx.msk [tilespmem:v17+s19+$0x0], $0xffff  }
0x2c2: {  	v24 =	vor.u32 v5, v12;
	v20 =	vmul.f32 v20, v20;
	v25 =	vld.idx.msk [tilespmem:v14+s17+$0x0], $0xffff  }
0x2c3: {  	v19 =	vadd.f32 v19, v23;
	v16 =	vadd.f32 v18, v16;
	v18 =	vmul.f32 v21, v21;
	v14 =	vld.idx.msk [tilespmem:v14+s19+$0x0], $0xffff  }
0x2c4: {  	v23 =	vor.u32 v6, v11;
	v22 =	vmul.f32 v22, v22;
	v21 =	vld.idx.msk [tilespmem:v15+s17+$0x0], $0xffff  }
0x2c5: {  	v13 =	vmul.f32 v13, v13;
	v15 =	vld.idx.msk [tilespmem:v15+s19+$0x0], $0xffff;
	v19 =	vadd.f32 v20, v19;
	v16 =	vadd.f32 v18, v16  }
0x2c6: {  	v28 =	vor.u32 v7, v12;
	v18 =	vmul.f32 v27, v27;
	v20 =	vld.idx.msk [tilespmem:v26+s17+$0x0], $0xffff  }
0x2c7: {  	v17 =	vmul.f32 v17, v17;
	v27 =	vld.idx.msk [tilespmem:v26+s19+$0x0], $0xffff;
	v19 =	vadd.f32 v22, v19;
	v22 =	vadd.f32 v13, v16  }
0x2c8: {  	v13 =	vor.u32 v8, v11;
	v25 =	vmul.f32 v25, v25;
	v29 =	vld.idx.msk [tilespmem:v24+s17+$0x0], $0xffff  }
0x2c9: {  	v14 =	vmul.f32 v14, v14;
	v16 =	vld.idx.msk [tilespmem:v24+s19+$0x0], $0xffff;
	v24 =	vadd.f32 v18, v19;
	v22 =	vadd.f32 v17, v22  }
.Ltmp9:
0x2ca: {  	v26 =	vadd.s32 s23, v0;
	v21 =	vmul.f32 v21, v21;
	v17 =	vor.u32 v9, v12;
	v19 =	vld.idx.msk [tilespmem:v23+s17+$0x0], $0xffff;
	(pc) =	sbr.rel @p0 .LBB2_21-.Ltmp9, $4  }
0x2cb: {  	v15 =	vmul.f32 v15, v15;
	v18 =	vld.idx.msk [tilespmem:v23+s19+$0x0], $0xffff;
	v24 =	vadd.f32 v25, v24;
	v22 =	vadd.f32 v14, v22  }
0x2cc: {  	v12 =	vand.u32 $0xF, v26;
	v23 =	vmul.f32 v20, v20;
	v14 =	vor.u32 v10, v11;
	v11 =	vmovc v26;
	v20 =	vld.idx.msk [tilespmem:v28+s17+$0x0], $0xffff  }
0x2cd: {  	v27 =	vmul.f32 v27, v27;
	v25 =	vadd.f32 v21, v24;
	v26 =	vadd.f32 v15, v22;
	v21 =	vld.idx.msk [tilespmem:v28+s19+$0x0], $0xffff  }
0x2ce: {  	s23 =	sadd.s32 $0x1, s23;
	v15 =	vor.u32 v3, v12;
	v24 =	vmul.f32 v29, v29;
	v22 =	vld.idx.msk [tilespmem:v13+s17+$0x0], $0xffff  }
0x2cf: {  	_ =	sdelay $0x2  }
0x2d0: {  	v23 =	vadd.f32 v23, v25  }
0x2d1: {  	v25 =	vadd.f32 v27, v26;
	v16 =	vmul.f32 v16, v16;
	v13 =	vld.idx.msk [tilespmem:v13+s19+$0x0], $0xffff  }
0x2d2: {  	v19 =	vmul.f32 v19, v19;
	v26 =	vld.idx.msk [tilespmem:v17+s17+$0x0], $0xffff;
	v23 =	vadd.f32 v24, v23  }
0x2d3: {  	v17 =	vld.idx.msk [tilespmem:v17+s19+$0x0], $0xffff;
	v18 =	vmul.f32 v18, v18;
	v16 =	vadd.f32 v16, v25;
	v24 =	vor.u32 v4, v11  }
0x2d4: {  	v20 =	vmul.f32 v20, v20;
	v25 =	vld.idx.msk [tilespmem:v14+s17+$0x0], $0xffff;
	v19 =	vadd.f32 v19, v23  }
0x2d5: {  	v14 =	vld.idx.msk [tilespmem:v14+s19+$0x0], $0xffff;
	v16 =	vadd.f32 v18, v16;
	v18 =	vmul.f32 v21, v21;
	v21 =	vor.u32 v5, v12  }
0x2d6: {  	v22 =	vmul.f32 v22, v22;
	v23 =	vld.idx.msk [tilespmem:v15+s17+$0x0], $0xffff;
	v19 =	vadd.f32 v20, v19  }
0x2d7: {  	v15 =	vld.idx.msk [tilespmem:v15+s19+$0x0], $0xffff;
	v13 =	vmul.f32 v13, v13;
	v16 =	vadd.f32 v18, v16;
	v18 =	vor.u32 v6, v11  }
0x2d8: {  	v20 =	vmul.f32 v26, v26;
	v26 =	vld.idx.msk [tilespmem:v24+s17+$0x0], $0xffff;
	v19 =	vadd.f32 v22, v19  }
0x2d9: {  	v13 =	vadd.f32 v13, v16;
	v16 =	vmul.f32 v17, v17;
	v17 =	vor.u32 v7, v12;
	v22 =	vld.idx.msk [tilespmem:v24+s19+$0x0], $0xffff  }
0x2da: {  	v14 =	vmul.f32 v14, v14;
	v24 =	vmul.f32 v25, v25;
	v25 =	vld.idx.msk [tilespmem:v21+s17+$0x0], $0xffff  }
0x2db: {  	v19 =	vadd.f32 v20, v19;
	v13 =	vadd.f32 v16, v13;
	v16 =	vor.u32 v8, v11;
	v20 =	vld.idx.msk [tilespmem:v21+s19+$0x0], $0xffff  }
0x2dc: {  	v12 =	vor.u32 v9, v12;
	v21 =	vmul.f32 v23, v23;
	v23 =	vld.idx.msk [tilespmem:v18+s17+$0x0], $0xffff  }
0x2dd: {  	v15 =	vmul.f32 v15, v15;
	v19 =	vadd.f32 v24, v19;
	v13 =	vadd.f32 v14, v13;
	v14 =	vld.idx.msk [tilespmem:v18+s19+$0x0], $0xffff  }
0x2de: {  	v11 =	vor.u32 v10, v11;
	v18 =	vmul.f32 v26, v26;
	v24 =	vld.idx.msk [tilespmem:v17+s17+$0x0], $0xffff  }
0x2df: {  	v17 =	vld.idx.msk [tilespmem:v17+s19+$0x0], $0xffff;
	v19 =	vadd.f32 v21, v19;
	v13 =	vadd.f32 v15, v13;
	v15 =	vmul.f32 v22, v22  }
0x2e0: {  	v21 =	vmul.f32 v25, v25;
	v22 =	vld.idx.msk [tilespmem:v16+s17+$0x0], $0xffff  }
0x2e1: {  	v16 =	vld.idx.msk [tilespmem:v16+s19+$0x0], $0xffff;
	v18 =	vadd.f32 v18, v19;
	v13 =	vadd.f32 v15, v13;
	v15 =	vmul.f32 v20, v20  }
0x2e2: {  	v19 =	vmul.f32 v23, v23;
	v20 =	vld.idx.msk [tilespmem:v12+s17+$0x0], $0xffff  }
0x2e3: {  	v12 =	vld.idx.msk [tilespmem:v12+s19+$0x0], $0xffff;
	v14 =	vmul.f32 v14, v14;
	v18 =	vadd.f32 v21, v18;
	v13 =	vadd.f32 v15, v13  }
0x2e4: {  	v15 =	vmul.f32 v24, v24;
	v21 =	vld.idx.msk [tilespmem:v11+s17+$0x0], $0xffff  }
0x2e5: {  	v11 =	vld.idx.msk [tilespmem:v11+s19+$0x0], $0xffff;
	v18 =	vadd.f32 v19, v18;
	v13 =	vadd.f32 v14, v13;
	v14 =	vmul.f32 v17, v17  }
0x2e6: {  	v17 =	vmul.f32 v22, v22  }
0x2e7: {  	v15 =	vadd.f32 v15, v18;
	v13 =	vadd.f32 v14, v13;
	v14 =	vmul.f32 v16, v16  }
0x2e8: {  	v12 =	vmul.f32 v12, v12  }
0x2e9: {  	v16 =	vmul.f32 v20, v20;
	v15 =	vadd.f32 v17, v15;
	v13 =	vadd.f32 v14, v13  }
0x2ea: {  	v11 =	vmul.f32 v11, v11  }
0x2eb: {  	v14 =	vmul.f32 v21, v21;
	v15 =	vadd.f32 v16, v15;
	v12 =	vadd.f32 v12, v13;
	_ =	sdelay $0x1  }
0x2ec: {  	v13 =	vadd.f32 v14, v15;
	v12 =	vadd.f32 v11, v12;
	_ =	sdelay $0x1  }
0x2ed: {  	v11 =	vmul.f32 v12, v13;
	_ =	sdelay $0x1  }
0x2ee: {  	v14 =	vshra.s32 v11, $0x1;
	v11 =	vmul.f32 $5.000000000e-01, v11  }
0x2ef: {  	v14 =	vsub.s32 $0x5F3759DF, v14  }
0x2f0: {  	v15 =	vmul.f32 v14, v11;
	_ =	sdelay $0x1  }
0x2f1: {  	v15 =	vmul.f32 v14, v15;
	_ =	sdelay $0x1  }
0x2f2: {  	v15 =	vsub.f32 $1.500000000e+00, v15  }
0x2f3: {  	s23 =	simm.s32 $0x0  }
0x2f4: {  	v14 =	vmul.f32 v14, v15;
	v15 =	vadd.s32 s23, v0  }
0x2f5: {  	v26 =	vor.u32 v10, v15;
	_ =	sdelay $0x1  }
0x2f6: {  	v20 =	vor.u32 v6, v15;
	_ =	sdelay $0x1  }
0x2f7: {  	v21 =	vor.u32 v4, v15  }
0x2f8: {  	v19 =	vld.idx.msk [tilespmem:v26+s17+$0x0], $0xffff  }
0x2f9: {  	v16 =	vand.u32 $0xF, v15;
	v32 =	vor.u32 v8, v15;
	v22 =	vld.idx.msk [tilespmem:v26+s19+$0x0], $0xffff  }
0x2fa: {  	v29 =	vor.u32 v9, v16;
	v24 =	vld.idx.msk [tilespmem:v20+s17+$0x0], $0xffff  }
0x2fb: {  	v25 =	vld.idx.msk [tilespmem:v20+s19+$0x0], $0xffff  }
0x2fc: {  	v11 =	vmul.f32 v14, v11;
	v27 =	vor.u32 v5, v16;
	v28 =	vld.idx.msk [tilespmem:v21+s17+$0x0], $0xffff  }
0x2fd: {  	v31 =	vld.idx.msk [tilespmem:v21+s19+$0x0], $0xffff  }
0x2fe: {  	v30 =	vor.u32 v3, v16;
	v11 =	vmul.f32 v11, v14;
	v39 =	vld.idx.msk [tilespmem:v32+s17+$0x0], $0xffff  }
0x2ff: {  	v23 =	vld.idx.msk [tilespmem:v29+s17+$0x0], $0xffff  }
0x300: {  	v34 =	vor.u32 v7, v16;
	v11 =	vsub.f32 $1.500000000e+00, v11;
	v33 =	vld.idx.msk [tilespmem:v29+s19+$0x0], $0xffff  }
0x301: {  	v35 =	vld.idx.msk [tilespmem:v27+s17+$0x0], $0xffff  }
0x302: {  	v36 =	vld.idx.msk [tilespmem:v27+s19+$0x0], $0xffff;
	v11 =	vmul.f32 v11, v14  }
0x303: {  	v37 =	vld.idx.msk [tilespmem:v30+s17+$0x0], $0xffff  }
0x304: {  	v38 =	vld.idx.msk [tilespmem:v30+s19+$0x0], $0xffff;
	v14 =	vmul.f32 v11, v11  }
0x305: {  	v42 =	vld.idx.msk [tilespmem:v34+s17+$0x0], $0xffff  }
0x306: {  	v12 =	vmul.f32 v14, v12;
	v13 =	vmul.f32 v14, v13  }
0x307: {  	v23 =	vpack.i.f32.bf16 v19, v23;
	v35 =	vpack.i.f32.bf16 v24, v35;
	v36 =	vpack.i.f32.bf16 v25, v36  }
0x308: {  	v24 =	vpack.i.f32.bf16 v22, v33;
	v22 =	vpack.i.f32.bf16 v28, v37;
	v37 =	vmul.bf16 v36, v35  }
0x309: {  	v25 =	vpack.i.f32.bf16 v31, v38;
	v31 =	vmul.bf16 v23, v23;
	v44 =	vmul.bf16 v24, v24  }
0x30a: {  	v39 =	vpack.i.f32.bf16 v39, v42;
	v60 =	vmul.bf16 v22, v22;
	v38 =	vmul.bf16 v25, v25  }
0x30b: {  	v40 =	vimm.f32 $0.0e+00;
	s23 =	simm.s32 $0x1;
	v42 =	vmul.bf16 v25, v22;
	v45 =	vmul.bf16 v39, v39  }
0x30c: {  	v41 =	vadd.s32 s23, v0;
	v43 =	vld.idx.msk [tilespmem:v32+s19+$0x0], $0xffff;
	v14 =	vmul.f32 v12, v12;
	v15 =	vmul.f32 v13, v13  }
0x30d: {  	v18 =	vor.u32 v6, v41;
	v28 =	vld.idx.msk [tilespmem:v34+s19+$0x0], $0xffff;
	v35 =	vmul.bf16 v35, v35;
	v12 =	vmul.f32 $-3.175314660e-01, v12  }
0x30e: {  	v46 =	vld.idx.msk [tilespmem:v20+s21+$0x0], $0xffff;
	v19 =	vor.u32 v4, v41;
	v14 =	vmul.f32 $7.981710140e-02, v14;
	v17 =	vmul.f32 $7.981710140e-02, v15  }
0x30f: {  	v27 =	vld.idx.msk [tilespmem:v27+s21+$0x0], $0xffff;
	v25 =	vand.u32 $0xF, v41;
	v36 =	vmul.bf16 v36, v36;
	v16 =	vmul.f32 $-3.175314660e-01, v13  }
0x310: {  	v13 =	vpack.i.f32.bf16 v12, v12;
	v15 =	vpack.i.f32.bf16 v14, v14;
	v14 =	vpack.i.f32.bf16 v17, v17  }
0x311: {  	v12 =	vpack.i.f32.bf16 v16, v16;
	v22 =	vmul.bf16 v60, v15;
	v61 =	vmul.bf16 v38, v14  }
0x312: {  	v16 =	vor.u32 v10, v41;
	v43 =	vpack.i.f32.bf16 v43, v28;
	v17 =	vor.u32 v8, v41  }
0x313: {  	v47 =	vmul.bf16 v43, v43;
	v28 =	vadd.bf16 v22, v13;
	v41 =	vadd.bf16 v61, v12  }
0x314: {  	v46 =	vpack.i.f32.bf16 v46, v27;
	v48 =	vmul.bf16 v35, v15;
	v49 =	vmul.bf16 v36, v14  }
0x315: {  	v20 =	vor.u32 v5, v25;
	v28 =	vmul.bf16 v28, v60;
	v62 =	vmul.bf16 v41, v38  }
0x316: {  	v63 =	vld.idx.msk [tilespmem:v21+s21+$0x0], $0xffff;
	v51 =	vmul.bf16 v45, v15;
	v55 =	vadd.bf16 v48, v13;
	v56 =	vadd.bf16 v49, v12  }
0x317: {  	v50 =	vld.idx.msk [tilespmem:v30+s21+$0x0], $0xffff;
	v57 =	vmul.bf16 v31, v15;
	v30 =	vadd.bf16 v2, v28;
	v33 =	vadd.bf16 v2, v62  }
0x318: {  	v52 =	vmul.bf16 v47, v14;
	v59 =	vadd.bf16 v51, v13;
	v27 =	vld.idx.msk [tilespmem:v16+s19+$0x0], $0xffff;
	v41 =	vmul.bf16 v55, v35  }
0x319: {  	v22 =	vor.u32 v9, v25;
	v58 =	vmul.bf16 v56, v36;
	v35 =	vld.idx.msk [tilespmem:v32+s21+$0x0], $0xffff;
	v30 =	vmul.bf16 v33, v30  }
0x31a: {  	v61 =	vmul.bf16 v44, v14;
	v60 =	vadd.bf16 v52, v12;
	v45 =	vmul.bf16 v59, v45;
	v32 =	vld.idx.msk [tilespmem:v18+s19+$0x0], $0xffff  }
0x31b: {  	v36 =	vld.idx.msk [tilespmem:v34+s21+$0x0], $0xffff;
	v41 =	vadd.bf16 v2, v41;
	v33 =	vadd.bf16 v2, v58;
	v42 =	vmul.bf16 v30, v42  }
0x31c: {  	v49 =	vadd.bf16 v57, v13;
	v38 =	vpack.i.f32.bf16 v63, v50;
	v34 =	vld.idx.msk [tilespmem:v19+s19+$0x0], $0xffff;
	v47 =	vmul.bf16 v60, v47  }
0x31d: {  	v28 =	vld.idx.msk [tilespmem:v26+s21+$0x0], $0xffff;
	v45 =	vadd.bf16 v2, v45;
	v41 =	vmul.bf16 v33, v41;
	v50 =	vmul.bf16 v42, v38  }
0x31e: {  	v21 =	vor.u32 v3, v25;
	v26 =	vld.idx.msk [tilespmem:v16+s17+$0x0], $0xffff;
	v62 =	vadd.bf16 v61, v12;
	v63 =	vadd.bf16 v2, v47  }
0x31f: {  	v30 =	vld.idx.msk [tilespmem:v18+s17+$0x0], $0xffff;
	v38 =	vmul.bf16 v43, v39;
	v37 =	vmul.bf16 v41, v37;
	v42 =	vunpack.i.l.bf16.f32 v50  }
0x320: {  	v33 =	vld.idx.msk [tilespmem:v19+s17+$0x0], $0xffff;
	v41 =	vmul.bf16 v49, v31;
	v43 =	vmul.bf16 v63, v45;
	v42 =	vadd.f32 v42, v40  }
0x321: {  	s23 =	simm.s32 $0x2;
	v39 =	vmul.bf16 v37, v46;
	v37 =	vld.idx.msk [tilespmem:v29+s21+$0x0], $0xffff;
	v40 =	vmul.bf16 v62, v44;
	v44 =	vunpack.i.u.bf16.f32 v50  }
.LBB2_23:
0x322: {  	p0 =	sne.s32 s23, $0xF;
	v31 =	vor.u32 v7, v25;
	v25 =	vld.idx.msk [tilespmem:v22+s17+$0x0], $0xffff;
	v42 =	vadd.f32 v42, v44;
	v41 =	vadd.bf16 v2, v41  }
0x323: {  	v40 =	vadd.bf16 v2, v40;
	v29 =	vmovc v22;
	v44 =	vld.idx.msk [tilespmem:v22+s19+$0x0], $0xffff;
	v45 =	vunpack.i.l.bf16.f32 v39;
	v38 =	vmul.bf16 v43, v38  }
0x324: {  	v23 =	vmul.bf16 v24, v23;
	v35 =	vpack.i.f32.bf16 v35, v36;
	v22 =	vld.idx.msk [tilespmem:v20+s17+$0x0], $0xffff;
	v42 =	vadd.f32 v45, v42  }
0x325: {  	v24 =	vunpack.i.u.bf16.f32 v39;
	v36 =	vld.idx.msk [tilespmem:v20+s19+$0x0], $0xffff;
	v35 =	vmul.bf16 v38, v35;
	v38 =	vmul.bf16 v40, v41  }
0x326: {  	v39 =	vld.idx.msk [tilespmem:v21+s17+$0x0], $0xffff;
	v24 =	vadd.f32 v42, v24  }
0x327: {  	v40 =	vadd.s32 s23, v0;
	v41 =	vld.idx.msk [tilespmem:v21+s19+$0x0], $0xffff;
	v42 =	vunpack.i.l.bf16.f32 v35;
	v23 =	vmul.bf16 v38, v23  }
0x328: {  	v43 =	vor.u32 v10, v40;
	v28 =	vpack.i.f32.bf16 v28, v37;
	v38 =	vld.idx.msk [tilespmem:v17+s17+$0x0], $0xffff;
	v24 =	vadd.f32 v42, v24  }
0x329: {  	v45 =	vor.u32 v8, v40;
	v35 =	vunpack.i.u.bf16.f32 v35;
	v37 =	vld.idx.msk [tilespmem:v31+s17+$0x0], $0xffff;
	v28 =	vmul.bf16 v23, v28  }
0x32a: {  	v42 =	vor.u32 v6, v40;
	v23 =	vpack.i.f32.bf16 v26, v25;
	v25 =	vadd.f32 v24, v35  }
0x32b: {  	v22 =	vpack.i.f32.bf16 v30, v22;
	v24 =	vpack.i.f32.bf16 v27, v44;
	v26 =	vld.idx.msk [tilespmem:v17+s19+$0x0], $0xffff;
	v27 =	vunpack.i.l.bf16.f32 v28  }
0x32c: {  	v32 =	vpack.i.f32.bf16 v32, v36;
	v30 =	vpack.i.f32.bf16 v33, v39;
	v33 =	vld.idx.msk [tilespmem:v31+s19+$0x0], $0xffff;
	v25 =	vadd.f32 v27, v25  }
0x32d: {  	v28 =	vunpack.i.u.bf16.f32 v28;
	v27 =	vpack.i.f32.bf16 v34, v41;
	v34 =	vmul.bf16 v32, v22  }
0x32e: {  	v39 =	vmul.bf16 v23, v23;
	v44 =	vmul.bf16 v24, v24;
	v41 =	vadd.f32 v25, v28  }
0x32f: {  	v35 =	vmul.bf16 v27, v27;
	v28 =	vmul.bf16 v30, v30;
	v37 =	vpack.i.f32.bf16 v38, v37  }
0x330: {  	v36 =	vor.u32 v4, v40;
	v30 =	vmul.bf16 v27, v30;
	v38 =	vmul.bf16 v37, v37  }
0x331: {  	v25 =	vand.u32 $0xF, v40;
	v40 =	vmul.bf16 v35, v14;
	v27 =	vmul.bf16 v28, v15  }
0x332: {  	v47 =	vmul.bf16 v22, v22;
	v32 =	vmul.bf16 v32, v32;
	v33 =	vpack.i.f32.bf16 v26, v33;
	v46 =	vld.idx.msk [tilespmem:v18+s21+$0x0], $0xffff  }
0x333: {  	v26 =	vadd.bf16 v27, v13;
	v27 =	vadd.bf16 v40, v12;
	v48 =	vmul.bf16 v33, v33;
	v40 =	vld.idx.msk [tilespmem:v20+s21+$0x0], $0xffff  }
0x334: {  	v49 =	vmul.bf16 v47, v15;
	v50 =	vmul.bf16 v32, v14;
	v22 =	vor.u32 v9, v25;
	v18 =	vmovc v42  }
0x335: {  	v20 =	vor.u32 v5, v25;
	v28 =	vmul.bf16 v26, v28;
	v26 =	vmul.bf16 v27, v35;
	v42 =	vld.idx.msk [tilespmem:v19+s21+$0x0], $0xffff  }
0x336: {  	v27 =	vadd.bf16 v49, v13;
	v35 =	vadd.bf16 v50, v12;
	v49 =	vmul.bf16 v39, v15;
	v51 =	vld.idx.msk [tilespmem:v21+s21+$0x0], $0xffff  }
0x337: {  	v52 =	vmul.bf16 v38, v15;
	v19 =	vmovc v36;
	v50 =	vadd.bf16 v2, v28;
	v26 =	vadd.bf16 v2, v26  }
0x338: {  	v21 =	vor.u32 v3, v25;
	v36 =	vmul.bf16 v27, v47;
	v27 =	vmul.bf16 v48, v14;
	v28 =	vld.idx.msk [tilespmem:v16+s21+$0x0], $0xffff  }
0x339: {  	v32 =	vmul.bf16 v35, v32;
	v16 =	vmul.bf16 v26, v50;
	v46 =	vpack.i.f32.bf16 v46, v40;
	v35 =	vld.idx.msk [tilespmem:v17+s21+$0x0], $0xffff  }
0x33a: {  	v47 =	vmul.bf16 v44, v14;
	v40 =	vadd.bf16 v27, v12;
	v17 =	vadd.bf16 v52, v13;
	v26 =	vld.idx.msk [tilespmem:v43+s17+$0x0], $0xffff  }
0x33b: {  	v36 =	vadd.bf16 v2, v36;
	v50 =	vadd.bf16 v2, v32;
	v16 =	vmul.bf16 v16, v30;
	v27 =	vld.idx.msk [tilespmem:v43+s19+$0x0], $0xffff  }
0x33c: {  	v40 =	vmul.bf16 v40, v48;
	v42 =	vpack.i.f32.bf16 v42, v51;
	v17 =	vmul.bf16 v17, v38;
	v30 =	vld.idx.msk [tilespmem:v18+s17+$0x0], $0xffff  }
.Ltmp10:
0x33d: {  	v49 =	vadd.bf16 v49, v13;
	v48 =	vmul.bf16 v16, v42;
	v42 =	vmul.bf16 v50, v36;
	v32 =	vld.idx.msk [tilespmem:v18+s19+$0x0], $0xffff;
	(pc) =	sbr.rel @p0 .LBB2_23-.Ltmp10, $4  }
0x33e: {  	v38 =	vmul.bf16 v33, v37;
	v51 =	vadd.bf16 v2, v17;
	v36 =	vld.idx.msk [tilespmem:v31+s21+$0x0], $0xffff;
	v31 =	vadd.bf16 v47, v12  }
0x33f: {  	v50 =	vadd.bf16 v2, v40;
	v37 =	vunpack.i.l.bf16.f32 v48;
	v47 =	vmul.bf16 v42, v34;
	v16 =	vmovc v43;
	v33 =	vld.idx.msk [tilespmem:v19+s17+$0x0], $0xffff  }
0x340: {  	v42 =	vadd.f32 v37, v41;
	v41 =	vmul.bf16 v49, v39;
	v34 =	vld.idx.msk [tilespmem:v19+s19+$0x0], $0xffff;
	v40 =	vmul.bf16 v31, v44  }
0x341: {  	s23 =	sadd.s32 $0x1, s23;
	v43 =	vmul.bf16 v50, v51;
	v17 =	vmovc v45;
	v44 =	vunpack.i.u.bf16.f32 v48;
	v39 =	vmul.bf16 v47, v46;
	v37 =	vld.idx.msk [tilespmem:v29+s21+$0x0], $0xffff  }
0x342: {  	_ =	sdelay $0x3  }
0x343: {  	v3 =	vld.idx.msk [tilespmem:v22+s17+$0x0], $0xffff  }
0x344: {  	v4 =	vor.u32 v7, v25;
	v5 =	vadd.f32 v42, v44;
	v6 =	vld.idx.msk [tilespmem:v22+s19+$0x0], $0xffff;
	v45 =	vadd.bf16 v2, v41  }
0x345: {  	v9 =	vadd.bf16 v2, v40;
	v10 =	vld.idx.msk [tilespmem:v20+s17+$0x0], $0xffff;
	v8 =	vunpack.i.l.bf16.f32 v39;
	v46 =	vmul.bf16 v43, v38  }
0x346: {  	v47 =	vld.idx.msk [tilespmem:v20+s19+$0x0], $0xffff;
	v23 =	vmul.bf16 v24, v23;
	v29 =	vpack.i.f32.bf16 v35, v36;
	v5 =	vadd.f32 v8, v5  }
0x347: {  	v48 =	vld.idx.msk [tilespmem:v21+s17+$0x0], $0xffff;
	v49 =	vunpack.i.u.bf16.f32 v39;
	v7 =	vmul.bf16 v9, v45;
	v25 =	vmul.bf16 v46, v29  }
0x348: {  	v50 =	vld.idx.msk [tilespmem:v21+s19+$0x0], $0xffff;
	v5 =	vadd.f32 v5, v49  }
0x349: {  	v18 =	vld.idx.msk [tilespmem:v18+s21+$0x0], $0xffff;
	v7 =	vmul.bf16 v7, v23;
	v28 =	vpack.i.f32.bf16 v28, v37;
	v52 =	vunpack.i.l.bf16.f32 v25  }
0x34a: {  	v41 =	vld.idx.msk [tilespmem:v20+s21+$0x0], $0xffff;
	v53 =	vunpack.i.u.bf16.f32 v25;
	v3 =	vpack.i.f32.bf16 v26, v3;
	v10 =	vpack.i.f32.bf16 v30, v10  }
0x34b: {  	v51 =	vld.idx.msk [tilespmem:v17+s17+$0x0], $0xffff;
	v8 =	vpack.i.f32.bf16 v32, v47;
	v6 =	vpack.i.f32.bf16 v27, v6;
	v7 =	vmul.bf16 v7, v28  }
0x34c: {  	v54 =	vld.idx.msk [tilespmem:v17+s19+$0x0], $0xffff;
	v9 =	vpack.i.f32.bf16 v33, v48;
	v56 =	vmul.bf16 v8, v10;
	v58 =	vmul.bf16 v3, v3  }
0x34d: {  	v31 =	vld.idx.msk [tilespmem:v4+s17+$0x0], $0xffff;
	v57 =	vpack.i.f32.bf16 v34, v50;
	v59 =	vmul.bf16 v6, v6;
	v60 =	vmul.bf16 v9, v9  }
0x34e: {  	v55 =	vld.idx.msk [tilespmem:v4+s19+$0x0], $0xffff;
	v5 =	vadd.f32 v52, v5;
	v61 =	vmul.bf16 v57, v57;
	v9 =	vmul.bf16 v57, v9  }
0x34f: {  	v18 =	vpack.i.f32.bf16 v18, v41;
	v10 =	vmul.bf16 v10, v10;
	v8 =	vmul.bf16 v8, v8  }
0x350: {  	v5 =	vadd.f32 v5, v53;
	v36 =	vmul.bf16 v60, v15;
	v37 =	vmul.bf16 v61, v14  }
0x351: {  	v63 =	vunpack.i.l.bf16.f32 v7;
	v42 =	vmul.bf16 v10, v15;
	v43 =	vmul.bf16 v8, v14  }
0x352: {  	v7 =	vunpack.i.u.bf16.f32 v7;
	v38 =	vadd.bf16 v36, v13;
	v39 =	vadd.bf16 v37, v12  }
0x353: {  	v23 =	vpack.i.f32.bf16 v51, v31;
	v25 =	vpack.i.f32.bf16 v54, v55;
	v5 =	vadd.f32 v63, v5  }
0x354: {  	v28 =	vadd.bf16 v42, v13;
	v26 =	vmul.bf16 v38, v60;
	v31 =	vmul.bf16 v39, v61  }
0x355: {  	v19 =	vld.idx.msk [tilespmem:v19+s21+$0x0], $0xffff;
	v44 =	vadd.bf16 v43, v12;
	v62 =	vmul.bf16 v23, v23;
	v40 =	vmul.bf16 v25, v25  }
0x356: {  	v46 =	vld.idx.msk [tilespmem:v21+s21+$0x0], $0xffff;
	v48 =	vmul.bf16 v28, v10;
	v26 =	vadd.bf16 v2, v26;
	v31 =	vadd.bf16 v2, v31  }
0x357: {  	v5 =	vadd.f32 v5, v7;
	v8 =	vmul.bf16 v44, v8;
	v47 =	vmul.bf16 v62, v15  }
0x358: {  	v49 =	vmul.bf16 v40, v14;
	v7 =	vadd.bf16 v2, v48;
	v26 =	vmul.bf16 v31, v26  }
0x359: {  	v45 =	vmul.bf16 v58, v15;
	v8 =	vadd.bf16 v2, v8;
	v15 =	vadd.bf16 v47, v13  }
0x35a: {  	v50 =	vmul.bf16 v59, v14;
	v10 =	vadd.bf16 v49, v12;
	v9 =	vmul.bf16 v26, v9  }
0x35b: {  	v19 =	vpack.i.f32.bf16 v19, v46;
	v7 =	vmul.bf16 v8, v7;
	v15 =	vmul.bf16 v15, v62  }
0x35c: {  	v51 =	vadd.bf16 v45, v13;
	v10 =	vmul.bf16 v10, v40;
	v9 =	vmul.bf16 v9, v19  }
0x35d: {  	v4 =	vld.idx.msk [tilespmem:v4+s21+$0x0], $0xffff;
	v54 =	vadd.bf16 v50, v12;
	v53 =	vmul.bf16 v25, v23;
	v7 =	vmul.bf16 v7, v56  }
0x35e: {  	v52 =	vld.idx.msk [tilespmem:v17+s21+$0x0], $0xffff;
	v15 =	vadd.bf16 v2, v15;
	v10 =	vadd.bf16 v2, v10;
	v55 =	vunpack.i.l.bf16.f32 v9  }
0x35f: {  	v12 =	vmul.bf16 v54, v59;
	v8 =	vmul.bf16 v51, v58;
	v5 =	vadd.f32 v55, v5  }
0x360: {  	v7 =	vmul.bf16 v7, v18;
	v10 =	vmul.bf16 v10, v15;
	v9 =	vunpack.i.u.bf16.f32 v9  }
0x361: {  	v57 =	vld.idx.msk [tilespmem:v22+s21+$0x0], $0xffff;
	v12 =	vadd.bf16 v2, v12;
	v5 =	vadd.f32 v5, v9  }
0x362: {  	v56 =	vld.idx.msk [tilespmem:v16+s21+$0x0], $0xffff;
	v8 =	vadd.bf16 v2, v8;
	v58 =	vunpack.i.l.bf16.f32 v7;
	v10 =	vmul.bf16 v10, v53  }
0x363: {  	v3 =	vmul.bf16 v6, v3;
	v4 =	vpack.i.f32.bf16 v52, v4;
	v5 =	vadd.f32 v58, v5  }
0x364: {  	v60 =	vmul.bf16 v12, v8;
	v59 =	vunpack.i.u.bf16.f32 v7;
	v4 =	vmul.bf16 v10, v4  }
0x365: {  	v5 =	vadd.f32 v5, v59  }
0x366: {  	v3 =	vmul.bf16 v60, v3;
	v61 =	vunpack.i.l.bf16.f32 v4  }
0x367: {  	v62 =	vpack.i.f32.bf16 v56, v57;
	v5 =	vadd.f32 v61, v5  }
0x368: {  	v3 =	vmul.bf16 v3, v62;
	v4 =	vunpack.i.u.bf16.f32 v4  }
0x369: {  	v4 =	vadd.f32 v5, v4  }
0x36a: {  	v63 =	vunpack.i.l.bf16.f32 v3  }
0x36b: {  	s18 =	sadd.s32 $0x1, s18;
	v4 =	vadd.f32 v63, v4  }
0x36c: {  	p0 =	sne.s32 s18, $0x8;
	v3 =	vunpack.i.u.bf16.f32 v3  }
.Ltmp11:
0x36d: {  	v3 =	vadd.f32 v4, v3;
	(pc) =	sbr.rel @p0 .LBB2_20-.Ltmp11, $3  }
0x36e: {  	_ = 	snop  }
0x36f: {  	v3 =	vmul.f32 v3, v11;
	_ =	sdelay $0x1  }
0x370: {  	[tilespmem:s20+$0x18780] =	vst v3  }
0x371: {  	s0 =	sadd.s32 $0x1, s0  }
0x372: {  	p0 =	sne.s32 s0, s9  }
.Ltmp12:
0x373: {  	_ = 	snop;
	(pc) =	sbr.rel @p0 .LBB2_1-.Ltmp12, $4  }
0x374: {  	[hbm4b:s8+s4] =	stream.linear.scatter [tilespmem:s30], [sflag:$0x3], $0x200, $0x38;
	[tilespmem:$0x18800] =	vst v63  }
0x375: {  	_ =	swait.ge [sflag:s31], $0x200  }
0x376: {  	[sflag:s31] =	ssyncset.done $0x0  }
0x377: {  	[sflag:s31] =	ssyncadd.s32 $0xFFFFFE00  }
0x378: {  	_ =	sfence.sel $0x180000  }
0x379: {  	[bflag:$0x0] =	sbarrier.arrive $0xFFFF  }
0x37a: {  	_ =	strace $0x90000047  }
0x37b: {  	s0 =	stileid.u32;
	[bflag:$0x2] =	sbarrier.arrive $0xFFFF  }
0x37c: {  	p0 =	sne.s32 s0, $0x0;
	s0 =	rddreg [dreg:$0x6]  }
0x37d: {  	s0 =	sadd.s32 @!p0 $0x100000, s0  }
0x37e: {  	[sflag:s0] =	ssyncadd.tile.s32 @!p0 $0x1;
	_ =	shalt  }
.Lfunc_end2:
_tile_overlayer_lowered:
.L_overlay_start_2:
0x37f: {  	(tag) =	ssettag $0x2  }
0x380: {  	s0 =	rddreg [dreg:$0x0];
	s2 =	stileid.u32  }
0x381: {  	s1 =	rddreg [dreg:$0x1];
	p0 =	sne.s32 s2, $0x0  }
0x382: {  	s3 =	rddreg [dreg:$0x2];
	[bflag:$0x3] =	sbarrier.arrive $0xFFFF;
	s2 =	simm.s32 @!p0 $0x1C03  }
0x383: {  	[timem:s3], [sflag:s2] =	dma.local @!p0 [hbm:s0], s1  }
0x384: {  	s0 =	simm.s32 @!p0 $0x3  }
0x385: {  	_ =	swait.ge @!p0 [sflag:s0], s1  }
0x386: {  	s1 =	ssub.s32 @!p0 $0x0, s1;
	[sflag:s0] =	ssyncset.done @!p0 $0x0  }
0x387: {  	[sflag:s0] =	ssyncadd.s32 @!p0 s1  }
0x388: {  	[bflag:$0x3] =	sbarrier.arrive $0xFFFF  }
0x389: {  	_ =	shalt  }

</sc_bundles>
